<compile_context>
chip_gen: v7x
topology: tpu7x:2x2x1
jax: 0.10.2.dev20260603
libtpu: 0.0.44.dev20260713+nightly
codegen_flags: <defaults>
</compile_context>

<pallas_src>
import functools

import numpy as np

import jax
import jax.numpy as jnp
from jax import lax
from jax.experimental import pallas as pl
from jax.experimental.pallas import tpu as pltpu
from jax.experimental.pallas import tpu_sc as plsc

N_NODES = 10000
N_EDGES = 320000
IN_CH = 128
HID = 64
OUT_CH = 5
N_IDX = 2048

NC = 2
NS = 16
NW = NC * NS
CH = 128
NP = 10240
NPH = NP // 2
ROWS_PER_TILE = NP // NS
NCH = N_EDGES // CH
CPW = 80
CPW_LAST = NCH - (NW - 1) * CPW
CPT = 160
CPT_LAST = NCH - (NS - 1) * CPT
DEGW = 16
NBUF = 5
DEG_DEPTH = 8
SEL_PER_TILE = N_IDX // NS
DIS_ROWS = NP // NW

_mesh = plsc.VectorSubcoreMesh(core_axis_name="c", subcore_axis_name="s")
_f32 = jnp.float32
_sc_params = pltpu.CompilerParams(use_tc_tiling_on_sc=False)
_sc_params_nl = pltpu.CompilerParams(use_tc_tiling_on_sc=False,
                                     needs_layout_passes=False)

_ZEROS_DEG = np.zeros((ROWS_PER_TILE, DEGW), np.float32)
_ONES_DEG = np.ones((CH, DEGW), np.float32)
_ZEROS_HID = np.zeros((ROWS_PER_TILE, HID), np.float32)


def _load_chunks(hbm3, idx_v, start, n_main, n_last, is_last):

    @pl.when(jnp.logical_not(is_last))
    def _():
        pltpu.sync_copy(hbm3.at[pl.ds(start, n_main)], idx_v)

    @pl.when(is_last)
    def _():
        pltpu.sync_copy(hbm3.at[pl.ds(NCH - n_last, n_last)],
                        idx_v.at[pl.ds(0, n_last)])

    return lax.select(is_last, n_last, n_main)


@functools.partial(
    pl.kernel,
    out_type=jax.ShapeDtypeStruct((NP, HID), _f32),
    mesh=_mesh,
    compiler_params=_sc_params_nl,
    scratch_types=[
        pltpu.VMEM((CPT, CH), jnp.int32),
        pltpu.VMEM((CH, DEGW), _f32),
        pltpu.VMEM((DIS_ROWS, DEGW), _f32),
        pltpu.VMEM((DIS_ROWS, HID), _f32),
        pltpu.VMEM_SHARED((NP, DEGW), _f32),
        pltpu.SemaphoreType.DMA,
    ],
)
def _dis_kernel(dst_hbm, ones_hbm, zeros_hbm, dis_hbm,
                dst_v, ones_v, deg_v, dis_v, acc_sp, sem):
    c = lax.axis_index("c")
    s = lax.axis_index("s")
    pltpu.sync_copy(ones_hbm, ones_v)
    n_real = _load_chunks(dst_hbm, dst_v, s * CPT, CPT, CPT_LAST, s == NS - 1)
    row0 = s * ROWS_PER_TILE
    pltpu.sync_copy(zeros_hbm, acc_sp.at[pl.ds(row0, ROWS_PER_TILE)])
    plsc.subcore_barrier()

    for j in range(DEG_DEPTH):
        pltpu.async_copy(ones_v, acc_sp.at[dst_v.at[j]], sem, add=True)

    def body(k, carry):
        pltpu.make_async_copy(ones_v, acc_sp.at[dst_v.at[k]], sem).wait()
        pltpu.async_copy(ones_v, acc_sp.at[dst_v.at[k + DEG_DEPTH]], sem,
                         add=True)
        return carry

    lax.fori_loop(0, n_real - DEG_DEPTH, body, 0)
    for j in range(DEG_DEPTH):
        pltpu.make_async_copy(ones_v, acc_sp.at[dst_v.at[j]], sem).wait()

    plsc.subcore_barrier()
    wid = c * NS + s
    drow0 = wid * DIS_ROWS
    pltpu.sync_copy(acc_sp.at[pl.ds(drow0, DIS_ROWS)], deg_v)

    def dis_body(r, carry):
        deg = deg_v[r] + 1.0
        i = plsc.bitcast(deg, jnp.int32)
        y = plsc.bitcast(0x5F3759DF - lax.shift_right_logical(i, 1), _f32)
        y = y * (1.5 - 0.5 * deg * y * y)
        y = y * (1.5 - 0.5 * deg * y * y)
        y = y * (1.5 - 0.5 * deg * y * y)
        for k in range(HID // DEGW):
            dis_v[r, pl.ds(k * DEGW, DEGW)] = y
        return carry

    lax.fori_loop(0, DIS_ROWS, dis_body, 0)
    pltpu.sync_copy(dis_v, dis_hbm.at[pl.ds(drow0, DIS_ROWS)])


def _agg_prologue(ht_hbm, src_hbm, dst_hbm, zeros_hbm,
                  src_v, dst_v, rows, gsems, ssems, acc_sp):
    c = lax.axis_index("c")
    s = lax.axis_index("s")
    wid = c * NS + s
    last = wid == NW - 1
    n_real = _load_chunks(src_hbm, src_v, wid * CPW, CPW, CPW_LAST, last)
    _load_chunks(dst_hbm, dst_v, wid * CPW, CPW, CPW_LAST, last)
    row0 = s * ROWS_PER_TILE
    pltpu.sync_copy(zeros_hbm, acc_sp.at[pl.ds(row0, ROWS_PER_TILE)])
    plsc.subcore_barrier()

    for b in range(NBUF):
        pltpu.async_copy(ht_hbm.at[src_v.at[b]], rows[b], gsems[b])

    def body(k, carry):
        j0 = NBUF * k
        for b in range(NBUF):
            pltpu.make_async_copy(ht_hbm.at[src_v.at[j0 + b]],
                                  rows[b], gsems[b]).wait()
            pltpu.async_copy(rows[b], acc_sp.at[dst_v.at[j0 + b]],
                             ssems[b], add=True)
        for b in range(NBUF):
            jn = j0 + NBUF + b

            @pl.when(jn < n_real)
            def _(b=b, jn=jn):
                pltpu.make_async_copy(rows[b], acc_sp.at[dst_v.at[jn]],
                                      ssems[b]).wait()
                pltpu.async_copy(ht_hbm.at[src_v.at[jn]], rows[b], gsems[b])

        return carry

    lax.fori_loop(0, n_real // NBUF, body, 0)
    for b in range(NBUF):
        pltpu.make_async_copy(rows[b], acc_sp.at[dst_v.at[b]], ssems[b]).wait()

    plsc.subcore_barrier()
    return c, s, row0


@functools.partial(
    pl.kernel,
    out_type=jax.ShapeDtypeStruct((NC, NP, HID), _f32),
    mesh=_mesh,
    compiler_params=_sc_params,
    scratch_types=[
        pltpu.VMEM((CPW, CH), jnp.int32),
        pltpu.VMEM((CPW, CH), jnp.int32),
    ] + [pltpu.VMEM((CH, HID), _f32)] * NBUF
      + [pltpu.SemaphoreType.DMA] * (2 * NBUF)
      + [pltpu.VMEM_SHARED((NP, HID), _f32)],
)
def _agg_kernel(ht_hbm, src_hbm, dst_hbm, zeros_hbm, out_hbm,
                src_v, dst_v, *bufs):
    rows = bufs[:NBUF]
    gsems = bufs[NBUF:2 * NBUF]
    ssems = bufs[2 * NBUF:3 * NBUF]
    acc_sp = bufs[3 * NBUF]
    c, s, row0 = _agg_prologue(ht_hbm, src_hbm, dst_hbm, zeros_hbm,
                               src_v, dst_v, rows, gsems, ssems, acc_sp)
    pltpu.sync_copy(acc_sp.at[pl.ds(row0, ROWS_PER_TILE)],
                    out_hbm.at[c].at[pl.ds(row0, ROWS_PER_TILE)])


@functools.partial(
    pl.kernel,
    out_type=(
        jax.ShapeDtypeStruct((NC, NP, HID), _f32),
        jax.ShapeDtypeStruct((NC, N_IDX, HID), _f32),
        jax.ShapeDtypeStruct((N_IDX, HID), _f32),
        jax.ShapeDtypeStruct((N_IDX, HID), _f32),
    ),
    mesh=_mesh,
    compiler_params=_sc_params,
    scratch_types=[
        pltpu.VMEM((CPW, CH), jnp.int32),
        pltpu.VMEM((CPW, CH), jnp.int32),
    ] + [pltpu.VMEM((CH, HID), _f32)] * NBUF
      + [pltpu.SemaphoreType.DMA] * (2 * NBUF)
      + [
        pltpu.VMEM((SEL_PER_TILE,), jnp.int32),
        pltpu.VMEM((SEL_PER_TILE, HID), _f32),
        pltpu.VMEM_SHARED((NP, HID), _f32),
    ],
)
def _agg_sel_kernel(ht_hbm, src_hbm, dst_hbm, zeros_hbm, dis_hbm, idx_hbm,
                    out_hbm, selacc_hbm, selht_hbm, seldis_hbm,
                    src_v, dst_v, *bufs):
    rows = bufs[:NBUF]
    gsems = bufs[NBUF:2 * NBUF]
    ssems = bufs[2 * NBUF:3 * NBUF]
    idxsel_v, selrow_v, acc_sp = bufs[3 * NBUF:]

    c, s, row0 = _agg_prologue(ht_hbm, src_hbm, dst_hbm, zeros_hbm,
                               src_v, dst_v, rows, gsems, ssems, acc_sp)
    pltpu.sync_copy(acc_sp.at[pl.ds(row0, ROWS_PER_TILE)],
                    out_hbm.at[c].at[pl.ds(row0, ROWS_PER_TILE)])

    base = s * SEL_PER_TILE
    pltpu.sync_copy(idx_hbm.at[pl.ds(base, SEL_PER_TILE)], idxsel_v)

    @pl.when(c == 0)
    def _():
        pltpu.async_copy(ht_hbm.at[idxsel_v], selrow_v, gsems[0]).wait()
        pltpu.sync_copy(selrow_v, selht_hbm.at[pl.ds(base, SEL_PER_TILE)])

    @pl.when(c == 1)
    def _():
        pltpu.async_copy(dis_hbm.at[idxsel_v], selrow_v, gsems[0]).wait()
        pltpu.sync_copy(selrow_v, seldis_hbm.at[pl.ds(base, SEL_PER_TILE)])

    plsc.subcore_barrier()
    pltpu.async_copy(out_hbm.at[c].at[idxsel_v], selrow_v, gsems[1]).wait()
    pltpu.sync_copy(selrow_v,
                    selacc_hbm.at[c].at[pl.ds(base, SEL_PER_TILE)])


MBLK = 1000


def _tcMM_body(x_ref, w0_ref, h_ref):
    h_ref[...] = jnp.dot(x_ref[...], w0_ref[...], preferred_element_type=_f32)


_tcMM = pl.pallas_call(
    _tcMM_body,
    grid=(N_NODES // (2 * MBLK),),
    in_specs=[
        pl.BlockSpec((MBLK, 2 * IN_CH), lambda i: (i, 0)),
        pl.BlockSpec((2 * IN_CH, 2 * HID), lambda i: (0, 0)),
    ],
    out_specs=pl.BlockSpec((MBLK, 2 * HID), lambda i: (i, 0)),
    out_shape=jax.ShapeDtypeStruct((NPH, 2 * HID), _f32),
)


def _tcScale_body(h_ref, dis_ref, ht_ref):
    ht_ref[...] = h_ref[...] * dis_ref[...]


_tcScale = pl.pallas_call(
    _tcScale_body,
    grid=(N_NODES // (2 * MBLK),),
    in_specs=[
        pl.BlockSpec((MBLK, 2 * HID), lambda i: (i, 0)),
        pl.BlockSpec((MBLK, 2 * HID), lambda i: (i, 0)),
    ],
    out_specs=pl.BlockSpec((MBLK, 2 * HID), lambda i: (i, 0)),
    out_shape=jax.ShapeDtypeStruct((NPH, 2 * HID), _f32),
)


def _tcB_body(accp_ref, ht0_ref, dis_ref, w1_ref, b0_ref, ht1_ref):
    dis = dis_ref[...]
    pre = (accp_ref[0] + accp_ref[1] + ht0_ref[...]) * dis + b0_ref[...]
    h1 = jnp.where(pre >= 0, pre, 0.01 * pre)
    ht1_ref[...] = jnp.dot(h1, w1_ref[...], preferred_element_type=_f32) * dis


_tcB = pl.pallas_call(
    _tcB_body,
    grid=(N_NODES // (2 * MBLK),),
    in_specs=[
        pl.BlockSpec((NC, MBLK, 2 * HID), lambda i: (0, i, 0)),
        pl.BlockSpec((MBLK, 2 * HID), lambda i: (i, 0)),
        pl.BlockSpec((MBLK, 2 * HID), lambda i: (i, 0)),
        pl.BlockSpec((2 * HID, 2 * HID), lambda i: (0, 0)),
        pl.BlockSpec((1, 2 * HID), lambda i: (0, 0)),
    ],
    out_specs=pl.BlockSpec((MBLK, 2 * HID), lambda i: (i, 0)),
    out_shape=jax.ShapeDtypeStruct((NPH, 2 * HID), _f32),
)


def _tcF_body(sacc_ref, sh_ref, sd_ref, b1_ref, wm_ref, bm_ref,
              hsel_ref, out_ref):
    pre = (sacc_ref[0] + sacc_ref[1] + sh_ref[...]) * sd_ref[...] + b1_ref[...]
    hsel = jnp.where(pre >= 0, pre, 0.01 * pre)
    hsel_ref[...] = hsel
    z = jnp.dot(hsel, wm_ref[...], preferred_element_type=_f32) + bm_ref[...]
    out_ref[...] = 1.0 / (1.0 + jnp.exp(-z))


_tcF = pl.pallas_call(
    _tcF_body,
    out_shape=[
        jax.ShapeDtypeStruct((N_IDX // 2, 2 * HID), _f32),
        jax.ShapeDtypeStruct((N_IDX // 2, 256), _f32),
    ],
)


def _blockdiag(w, rows, cols):
    z = jnp.zeros((2 * rows, 2 * cols), _f32)
    return z.at[:rows, :cols].set(w).at[rows:, cols:].set(w)


def kernel(x, edge_index, idx, W0, b0, W1, b1, Wm, bm):
    src2d = edge_index[0].reshape(NCH, CH)
    dst2d = edge_index[1].reshape(NCH, CH)
    x_p = x.reshape(N_NODES // 2, 2 * IN_CH)

    w0bd = _blockdiag(W0, IN_CH, HID)
    w1bd = _blockdiag(W1, HID, HID)
    wm_pad = jnp.pad(Wm, ((0, 0), (0, 128 - OUT_CH)))
    wmbd = _blockdiag(wm_pad, HID, 128)
    b0p = jnp.concatenate([b0, b0]).reshape(1, 2 * HID)
    b1p = jnp.concatenate([b1, b1]).reshape(1, 2 * HID)
    bm_pad = jnp.pad(bm, (0, 128 - OUT_CH))
    bmp = jnp.concatenate([bm_pad, bm_pad]).reshape(1, 256)

    h0_p = _tcMM(x_p, w0bd)
    dis64 = _dis_kernel(dst2d, _ONES_DEG, _ZEROS_DEG)
    dis_p = dis64.reshape(NPH, 2 * HID)
    ht0_p = _tcScale(h0_p, dis_p)
    acc0 = _agg_kernel(ht0_p.reshape(NP, HID), src2d, dst2d, _ZEROS_HID)
    ht1_p = _tcB(acc0.reshape(NC, NPH, 2 * HID), ht0_p, dis_p, w1bd, b0p)
    _, sel_acc, sel_ht, sel_dis = _agg_sel_kernel(
        ht1_p.reshape(NP, HID), src2d, dst2d, _ZEROS_HID, dis64, idx)
    hsel_p, out_pp = _tcF(sel_acc.reshape(NC, N_IDX // 2, 2 * HID),
                          sel_ht.reshape(N_IDX // 2, 2 * HID),
                          sel_dis.reshape(N_IDX // 2, 2 * HID),
                          b1p, wmbd, bmp)
    h_sel = hsel_p.reshape(N_IDX, HID)
    out = out_pp.reshape(N_IDX, 128)[:, :OUT_CH]
    return (h_sel, out)

# --- scband reference (transcript-rebuilt; emitter-appended) ---
"""Pipeline reference for scband-my-out-gcn-30167850287800 (READ-ONLY COPY).

The authoritative reference and input builder live on the scoring server;
editing this copy changes nothing except your own understanding.
"""

import jax, jax.numpy as jnp
import numpy as np

N_NODES = 10000
N_EDGES = 320000
IN_CH = 128
HID = 64
OUT_CH = 5
N_IDX = 2048


def setup_inputs(seed: int = 0) -> dict:
    key = jax.random.key(seed)
    ks = jax.random.split(key, 10)
    x = jax.random.normal(ks[0], (N_NODES, IN_CH), dtype=jnp.float32)
    edge_index = jax.random.randint(ks[1], (2, N_EDGES), 0, N_NODES, dtype=jnp.int64 if jax.config.jax_enable_x64 else jnp.int32).astype(jnp.int32)
    idx = jax.random.randint(ks[2], (N_IDX,), 0, N_NODES).astype(jnp.int32)
    # GCNConv params (glorot-ish scale)
    W0 = jax.random.normal(ks[3], (IN_CH, HID), dtype=jnp.float32) * (1.0 / np.sqrt(IN_CH))
    b0 = jnp.zeros((HID,), dtype=jnp.float32)
    W1 = jax.random.normal(ks[4], (HID, HID), dtype=jnp.float32) * (1.0 / np.sqrt(HID))
    b1 = jnp.zeros((HID,), dtype=jnp.float32)
    Wm = jax.random.normal(ks[5], (HID, OUT_CH), dtype=jnp.float32) * (np.sqrt(2.0) / np.sqrt(HID))
    bm = jnp.zeros((OUT_CH,), dtype=jnp.float32)
    return {"x": x, "edge_index": edge_index, "idx": idx, "W0": W0, "b0": b0, "W1": W1, "b1": b1, "Wm": Wm, "bm": bm}


def _gcn_conv(x, edge_index, W, b):
    # GCNConv: D^{-1/2} (A + I) D^{-1/2} X W + b
    N = x.shape[0]
    loop = jnp.arange(N, dtype=edge_index.dtype)
    src = jnp.concatenate([edge_index[0], loop])
    dst = jnp.concatenate([edge_index[1], loop])
    h = x @ W
    deg = jnp.zeros((N,), dtype=x.dtype).at[dst].add(1.0)
    deg_inv_sqrt = jnp.where(deg > 0, 1.0 / jnp.sqrt(deg), 0.0)
    norm = deg_inv_sqrt[src] * deg_inv_sqrt[dst]
    msg = h[src] * norm[:, None]
    out = jnp.zeros((N, W.shape[1]), dtype=x.dtype).at[dst].add(msg)
    return out + b


def reference(x, edge_index, idx, W0, b0, W1, b1, Wm, bm):
    h = jax.nn.leaky_relu(_gcn_conv(x, edge_index, W0, b0), negative_slope=0.01)
    h = jax.nn.leaky_relu(_gcn_conv(h, edge_index, W1, b1), negative_slope=0.01)
    h_sel = jnp.take(h, idx, axis=0)
    out = jax.nn.sigmoid(h_sel @ Wm + bm)
    return (h_sel, out)

if __name__ == "__main__":
    import jax
    _d = setup_inputs()
    print(jax.jit(kernel)(*tuple(_d.values())))

</pallas_src>

<mosaic_0001>
#map = affine_map<(d0, d1) -> (0, 0)>
#map1 = affine_map<(d0, d1) -> (0)>
#map2 = affine_map<(d0, d1) -> (0, 0, 0)>
module attributes {stable_mosaic.version = 14 : i64} {
  func.func @_agg_sel_kernel(%arg0: i32, %arg1: i32, %arg2: memref<10240x64xf32, #tpu.memory_space<hbm>>, %arg3: memref<2500x128xi32, #tpu.memory_space<hbm>>, %arg4: memref<2500x128xi32, #tpu.memory_space<hbm>>, %arg5: memref<640x64xf32, #tpu.memory_space<hbm>>, %arg6: memref<10240x64xf32, #tpu.memory_space<hbm>>, %arg7: memref<2048xi32, #tpu.memory_space<hbm>>, %arg8: memref<2x10240x64xf32, #tpu.memory_space<hbm>>, %arg9: memref<2x2048x64xf32, #tpu.memory_space<hbm>>, %arg10: memref<2048x64xf32, #tpu.memory_space<hbm>>, %arg11: memref<2048x64xf32, #tpu.memory_space<hbm>>, %arg12: memref<80x128xi32, #tpu.memory_space<vmem>>, %arg13: memref<80x128xi32, #tpu.memory_space<vmem>>, %arg14: memref<128x64xf32, #tpu.memory_space<vmem>>, %arg15: memref<128x64xf32, #tpu.memory_space<vmem>>, %arg16: memref<128x64xf32, #tpu.memory_space<vmem>>, %arg17: memref<128x64xf32, #tpu.memory_space<vmem>>, %arg18: memref<128x64xf32, #tpu.memory_space<vmem>>, %arg19: memref<!tpu.dma_semaphore, #tpu.memory_space<semaphore_mem>>, %arg20: memref<!tpu.dma_semaphore, #tpu.memory_space<semaphore_mem>>, %arg21: memref<!tpu.dma_semaphore, #tpu.memory_space<semaphore_mem>>, %arg22: memref<!tpu.dma_semaphore, #tpu.memory_space<semaphore_mem>>, %arg23: memref<!tpu.dma_semaphore, #tpu.memory_space<semaphore_mem>>, %arg24: memref<!tpu.dma_semaphore, #tpu.memory_space<semaphore_mem>>, %arg25: memref<!tpu.dma_semaphore, #tpu.memory_space<semaphore_mem>>, %arg26: memref<!tpu.dma_semaphore, #tpu.memory_space<semaphore_mem>>, %arg27: memref<!tpu.dma_semaphore, #tpu.memory_space<semaphore_mem>>, %arg28: memref<!tpu.dma_semaphore, #tpu.memory_space<semaphore_mem>>, %arg29: memref<128xi32, #tpu.memory_space<vmem>>, %arg30: memref<128x64xf32, #tpu.memory_space<vmem>>, %arg31: memref<10240x64xf32, #tpu.memory_space<vmem_shared>>) attributes {dimension_semantics = [#tpu.dimension_semantics<core_parallel>, #tpu.dimension_semantics<subcore_parallel>], iteration_bounds = array<i64: 2, 16>, scalar_prefetch = 0 : i64, scratch_operands = 20 : i64, tpu.core_type = #tpu.core_type<sc_vector_subcore>, window_params = [{transform_indices = #map}, {transform_indices = #map}, {transform_indices = #map}, {transform_indices = #map}, {transform_indices = #map}, {transform_indices = #map1}, {transform_indices = #map2}, {transform_indices = #map2}, {transform_indices = #map}, {transform_indices = #map}]} {
    %mul3A = arith.constant 16 : i32
    %mul3A_0 = arith.muli %arg0, %mul3A : i32
    %add3A = arith.addi %mul3A_0, %arg1 : i32
    %eq3A = arith.constant 31 : i32
    %eq3A_1 = arith.cmpi eq, %add3A, %eq3A : i32
    %mul3A_2 = arith.constant 80 : i32
    %mul3A_3 = arith.muli %add3A, %mul3A_2 : i32
    %not3A = arith.constant true
    %not3A_4 = arith.xori %eq3A_1, %not3A : i1
    %convert_element_type3A = arith.extui %not3A_4 : i1 to i32
    %cond3A = arith.constant 0 : i32
    %cond3A_5 = arith.cmpi ne, %convert_element_type3A, %cond3A : i32
    scf.if %cond3A_5 {
      "tpu.region"() ({
        %run_scoped3A = tpu.sem_alloc : memref<!tpu.dma_semaphore, #tpu.memory_space<semaphore_mem>>
        %dma_start3A_148 = arith.constant 0 : i32
        %dma_start3A_149 = tpu.memref_slice %arg3[%mul3A_3, %dma_start3A_148] : memref<2500x128xi32, #tpu.memory_space<hbm>> -> memref<80x128xi32, #tpu.memory_space<hbm>>
        %dma_start3A_150 = arith.constant 0 : i32
        %dma_start3A_151 = tpu.memref_slice %arg3[%mul3A_3, %dma_start3A_150] : memref<2500x128xi32, #tpu.memory_space<hbm>> -> memref<80x128xi32, #tpu.memory_space<hbm>>
        tpu.enqueue_dma source(%dma_start3A_151 : memref<80x128xi32, #tpu.memory_space<hbm>>) target(%arg12 : memref<80x128xi32, #tpu.memory_space<vmem>>) target_semaphore(%run_scoped3A : memref<!tpu.dma_semaphore, #tpu.memory_space<semaphore_mem>>)
        %dma_wait3A_152 = arith.constant 0 : i32
        %dma_wait3A_153 = tpu.memref_slice %arg3[%mul3A_3, %dma_wait3A_152] : memref<2500x128xi32, #tpu.memory_space<hbm>> -> memref<80x128xi32, #tpu.memory_space<hbm>>
        %dma_wait3A_154 = arith.constant 0 : i32
        %dma_wait3A_155 = tpu.memref_slice %arg3[%mul3A_3, %dma_wait3A_154] : memref<2500x128xi32, #tpu.memory_space<hbm>> -> memref<80x128xi32, #tpu.memory_space<hbm>>
        tpu.wait_dma2 semaphore(%run_scoped3A : memref<!tpu.dma_semaphore, #tpu.memory_space<semaphore_mem>>) src(%dma_wait3A_155 : memref<80x128xi32, #tpu.memory_space<hbm>>) dst(%arg12 : memref<80x128xi32, #tpu.memory_space<vmem>>)
        tpu.yield
      }) : () -> ()
    } else {
    }
    %convert_element_type3A_6 = arith.extui %eq3A_1 : i1 to i32
    %cond3A_7 = arith.constant 0 : i32
    %cond3A_8 = arith.cmpi ne, %convert_element_type3A_6, %cond3A_7 : i32
    scf.if %cond3A_8 {
      "tpu.region"() ({
        %run_scoped3A = tpu.sem_alloc : memref<!tpu.dma_semaphore, #tpu.memory_space<semaphore_mem>>
        %dma_start3A_148 = arith.constant 0 : i32
        %dma_start3A_149 = arith.constant 0 : i32
        %dma_start3A_150 = tpu.memref_slice %arg12[%dma_start3A_148, %dma_start3A_149] : memref<80x128xi32, #tpu.memory_space<vmem>> -> memref<20x128xi32, #tpu.memory_space<vmem>>
        %dma_start3A_151 = arith.constant 2480 : i32
        %dma_start3A_152 = arith.constant 0 : i32
        %dma_start3A_153 = tpu.memref_slice %arg3[%dma_start3A_151, %dma_start3A_152] : memref<2500x128xi32, #tpu.memory_space<hbm>> -> memref<20x128xi32, #tpu.memory_space<hbm>>
        %dma_start3A_154 = arith.constant 0 : i32
        %dma_start3A_155 = arith.constant 0 : i32
        %dma_start3A_156 = tpu.memref_slice %arg12[%dma_start3A_154, %dma_start3A_155] : memref<80x128xi32, #tpu.memory_space<vmem>> -> memref<20x128xi32, #tpu.memory_space<vmem>>
        %dma_start3A_157 = arith.constant 2480 : i32
        %dma_start3A_158 = arith.constant 0 : i32
        %dma_start3A_159 = tpu.memref_slice %arg3[%dma_start3A_157, %dma_start3A_158] : memref<2500x128xi32, #tpu.memory_space<hbm>> -> memref<20x128xi32, #tpu.memory_space<hbm>>
        tpu.enqueue_dma source(%dma_start3A_159 : memref<20x128xi32, #tpu.memory_space<hbm>>) target(%dma_start3A_156 : memref<20x128xi32, #tpu.memory_space<vmem>>) target_semaphore(%run_scoped3A : memref<!tpu.dma_semaphore, #tpu.memory_space<semaphore_mem>>)
        %dma_wait3A_160 = arith.constant 0 : i32
        %dma_wait3A_161 = arith.constant 0 : i32
        %dma_wait3A_162 = tpu.memref_slice %arg12[%dma_wait3A_160, %dma_wait3A_161] : memref<80x128xi32, #tpu.memory_space<vmem>> -> memref<20x128xi32, #tpu.memory_space<vmem>>
        %dma_wait3A_163 = arith.constant 2480 : i32
        %dma_wait3A_164 = arith.constant 0 : i32
        %dma_wait3A_165 = tpu.memref_slice %arg3[%dma_wait3A_163, %dma_wait3A_164] : memref<2500x128xi32, #tpu.memory_space<hbm>> -> memref<20x128xi32, #tpu.memory_space<hbm>>
        %dma_wait3A_166 = arith.constant 0 : i32
        %dma_wait3A_167 = arith.constant 0 : i32
        %dma_wait3A_168 = tpu.memref_slice %arg12[%dma_wait3A_166, %dma_wait3A_167] : memref<80x128xi32, #tpu.memory_space<vmem>> -> memref<20x128xi32, #tpu.memory_space<vmem>>
        %dma_wait3A_169 = arith.constant 2480 : i32
        %dma_wait3A_170 = arith.constant 0 : i32
        %dma_wait3A_171 = tpu.memref_slice %arg3[%dma_wait3A_169, %dma_wait3A_170] : memref<2500x128xi32, #tpu.memory_space<hbm>> -> memref<20x128xi32, #tpu.memory_space<hbm>>
        tpu.wait_dma2 semaphore(%run_scoped3A : memref<!tpu.dma_semaphore, #tpu.memory_space<semaphore_mem>>) src(%dma_wait3A_171 : memref<20x128xi32, #tpu.memory_space<hbm>>) dst(%dma_wait3A_168 : memref<20x128xi32, #tpu.memory_space<vmem>>)
        tpu.yield
      }) : () -> ()
    } else {
    }
    %select_n3A = arith.constant 80 : i32
    %select_n3A_9 = arith.constant 20 : i32
    %select_n3A_10 = arith.select %eq3A_1, %select_n3A_9, %select_n3A : i32
    %mul3A_11 = arith.constant 80 : i32
    %mul3A_12 = arith.muli %add3A, %mul3A_11 : i32
    %not3A_13 = arith.constant true
    %not3A_14 = arith.xori %eq3A_1, %not3A_13 : i1
    %convert_element_type3A_15 = arith.extui %not3A_14 : i1 to i32
    %cond3A_16 = arith.constant 0 : i32
    %cond3A_17 = arith.cmpi ne, %convert_element_type3A_15, %cond3A_16 : i32
    scf.if %cond3A_17 {
      "tpu.region"() ({
        %run_scoped3A = tpu.sem_alloc : memref<!tpu.dma_semaphore, #tpu.memory_space<semaphore_mem>>
        %dma_start3A_148 = arith.constant 0 : i32
        %dma_start3A_149 = tpu.memref_slice %arg4[%mul3A_12, %dma_start3A_148] : memref<2500x128xi32, #tpu.memory_space<hbm>> -> memref<80x128xi32, #tpu.memory_space<hbm>>
        %dma_start3A_150 = arith.constant 0 : i32
        %dma_start3A_151 = tpu.memref_slice %arg4[%mul3A_12, %dma_start3A_150] : memref<2500x128xi32, #tpu.memory_space<hbm>> -> memref<80x128xi32, #tpu.memory_space<hbm>>
        tpu.enqueue_dma source(%dma_start3A_151 : memref<80x128xi32, #tpu.memory_space<hbm>>) target(%arg13 : memref<80x128xi32, #tpu.memory_space<vmem>>) target_semaphore(%run_scoped3A : memref<!tpu.dma_semaphore, #tpu.memory_space<semaphore_mem>>)
        %dma_wait3A_152 = arith.constant 0 : i32
        %dma_wait3A_153 = tpu.memref_slice %arg4[%mul3A_12, %dma_wait3A_152] : memref<2500x128xi32, #tpu.memory_space<hbm>> -> memref<80x128xi32, #tpu.memory_space<hbm>>
        %dma_wait3A_154 = arith.constant 0 : i32
        %dma_wait3A_155 = tpu.memref_slice %arg4[%mul3A_12, %dma_wait3A_154] : memref<2500x128xi32, #tpu.memory_space<hbm>> -> memref<80x128xi32, #tpu.memory_space<hbm>>
        tpu.wait_dma2 semaphore(%run_scoped3A : memref<!tpu.dma_semaphore, #tpu.memory_space<semaphore_mem>>) src(%dma_wait3A_155 : memref<80x128xi32, #tpu.memory_space<hbm>>) dst(%arg13 : memref<80x128xi32, #tpu.memory_space<vmem>>)
        tpu.yield
      }) : () -> ()
    } else {
    }
    %convert_element_type3A_18 = arith.extui %eq3A_1 : i1 to i32
    %cond3A_19 = arith.constant 0 : i32
    %cond3A_20 = arith.cmpi ne, %convert_element_type3A_18, %cond3A_19 : i32
    scf.if %cond3A_20 {
      "tpu.region"() ({
        %run_scoped3A = tpu.sem_alloc : memref<!tpu.dma_semaphore, #tpu.memory_space<semaphore_mem>>
        %dma_start3A_148 = arith.constant 0 : i32
        %dma_start3A_149 = arith.constant 0 : i32
        %dma_start3A_150 = tpu.memref_slice %arg13[%dma_start3A_148, %dma_start3A_149] : memref<80x128xi32, #tpu.memory_space<vmem>> -> memref<20x128xi32, #tpu.memory_space<vmem>>
        %dma_start3A_151 = arith.constant 2480 : i32
        %dma_start3A_152 = arith.constant 0 : i32
        %dma_start3A_153 = tpu.memref_slice %arg4[%dma_start3A_151, %dma_start3A_152] : memref<2500x128xi32, #tpu.memory_space<hbm>> -> memref<20x128xi32, #tpu.memory_space<hbm>>
        %dma_start3A_154 = arith.constant 0 : i32
        %dma_start3A_155 = arith.constant 0 : i32
        %dma_start3A_156 = tpu.memref_slice %arg13[%dma_start3A_154, %dma_start3A_155] : memref<80x128xi32, #tpu.memory_space<vmem>> -> memref<20x128xi32, #tpu.memory_space<vmem>>
        %dma_start3A_157 = arith.constant 2480 : i32
        %dma_start3A_158 = arith.constant 0 : i32
        %dma_start3A_159 = tpu.memref_slice %arg4[%dma_start3A_157, %dma_start3A_158] : memref<2500x128xi32, #tpu.memory_space<hbm>> -> memref<20x128xi32, #tpu.memory_space<hbm>>
        tpu.enqueue_dma source(%dma_start3A_159 : memref<20x128xi32, #tpu.memory_space<hbm>>) target(%dma_start3A_156 : memref<20x128xi32, #tpu.memory_space<vmem>>) target_semaphore(%run_scoped3A : memref<!tpu.dma_semaphore, #tpu.memory_space<semaphore_mem>>)
        %dma_wait3A_160 = arith.constant 0 : i32
        %dma_wait3A_161 = arith.constant 0 : i32
        %dma_wait3A_162 = tpu.memref_slice %arg13[%dma_wait3A_160, %dma_wait3A_161] : memref<80x128xi32, #tpu.memory_space<vmem>> -> memref<20x128xi32, #tpu.memory_space<vmem>>
        %dma_wait3A_163 = arith.constant 2480 : i32
        %dma_wait3A_164 = arith.constant 0 : i32
        %dma_wait3A_165 = tpu.memref_slice %arg4[%dma_wait3A_163, %dma_wait3A_164] : memref<2500x128xi32, #tpu.memory_space<hbm>> -> memref<20x128xi32, #tpu.memory_space<hbm>>
        %dma_wait3A_166 = arith.constant 0 : i32
        %dma_wait3A_167 = arith.constant 0 : i32
        %dma_wait3A_168 = tpu.memref_slice %arg13[%dma_wait3A_166, %dma_wait3A_167] : memref<80x128xi32, #tpu.memory_space<vmem>> -> memref<20x128xi32, #tpu.memory_space<vmem>>
        %dma_wait3A_169 = arith.constant 2480 : i32
        %dma_wait3A_170 = arith.constant 0 : i32
        %dma_wait3A_171 = tpu.memref_slice %arg4[%dma_wait3A_169, %dma_wait3A_170] : memref<2500x128xi32, #tpu.memory_space<hbm>> -> memref<20x128xi32, #tpu.memory_space<hbm>>
        tpu.wait_dma2 semaphore(%run_scoped3A : memref<!tpu.dma_semaphore, #tpu.memory_space<semaphore_mem>>) src(%dma_wait3A_171 : memref<20x128xi32, #tpu.memory_space<hbm>>) dst(%dma_wait3A_168 : memref<20x128xi32, #tpu.memory_space<vmem>>)
        tpu.yield
      }) : () -> ()
    } else {
    }
    %select_n3A_21 = arith.constant 80 : i32
    %select_n3A_22 = arith.constant 20 : i32
    %select_n3A_23 = arith.select %eq3A_1, %select_n3A_22, %select_n3A_21 : i32
    %mul3A_24 = arith.constant 640 : i32
    %mul3A_25 = arith.muli %arg1, %mul3A_24 : i32
    "tpu.region"() ({
      %run_scoped3A = tpu.sem_alloc : memref<!tpu.dma_semaphore, #tpu.memory_space<semaphore_mem>>
      %dma_start3A_148 = arith.constant 0 : i32
      %dma_start3A_149 = tpu.memref_slice %arg31[%mul3A_25, %dma_start3A_148] : memref<10240x64xf32, #tpu.memory_space<vmem_shared>> -> memref<640x64xf32, #tpu.memory_space<vmem_shared>>
      tpu.enqueue_dma source(%arg5 : memref<640x64xf32, #tpu.memory_space<hbm>>) target(%dma_start3A_149 : memref<640x64xf32, #tpu.memory_space<vmem_shared>>) target_semaphore(%run_scoped3A : memref<!tpu.dma_semaphore, #tpu.memory_space<semaphore_mem>>)
      %dma_wait3A_150 = arith.constant 0 : i32
      %dma_wait3A_151 = tpu.memref_slice %arg31[%mul3A_25, %dma_wait3A_150] : memref<10240x64xf32, #tpu.memory_space<vmem_shared>> -> memref<640x64xf32, #tpu.memory_space<vmem_shared>>
      tpu.wait_dma2 semaphore(%run_scoped3A : memref<!tpu.dma_semaphore, #tpu.memory_space<semaphore_mem>>) src(%arg5 : memref<640x64xf32, #tpu.memory_space<hbm>>) dst(%dma_wait3A_151 : memref<640x64xf32, #tpu.memory_space<vmem_shared>>)
      tpu.yield
    }) : () -> ()
    %barrier3A = arith.constant 0 : index
    tpu.barrier barrier_id(%barrier3A)
    %dma_start3A = arith.constant 0 : i32
    %dma_start3A_26 = arith.constant 0 : i32
    %dma_start3A_27 = tpu.memref_slice %arg12[%dma_start3A, %dma_start3A_26] : memref<80x128xi32, #tpu.memory_space<vmem>> -> memref<1x128xi32, #tpu.memory_space<vmem>>
    %dma_start3A_28 = tpu.memref_squeeze %dma_start3A_27 : memref<1x128xi32, #tpu.memory_space<vmem>> -> memref<128xi32, #tpu.memory_space<vmem>>
    %dma_start3A_29 = arith.constant 0 : i32
    %dma_start3A_30 = arith.constant 0 : i32
    %dma_start3A_31 = tpu.memref_slice %arg2[%dma_start3A_29, %dma_start3A_30] : memref<10240x64xf32, #tpu.memory_space<hbm>> -> memref<10240x64xf32, #tpu.memory_space<hbm>>
    tpu.enqueue_indirect_dma source(%dma_start3A_31 : memref<10240x64xf32, #tpu.memory_space<hbm>>) target(%arg14 : memref<128x64xf32, #tpu.memory_space<vmem>>) offsets(%dma_start3A_28 : memref<128xi32, #tpu.memory_space<vmem>>) semaphore(%arg19 : memref<!tpu.dma_semaphore, #tpu.memory_space<semaphore_mem>>)
    %dma_start3A_32 = arith.constant 1 : i32
    %dma_start3A_33 = arith.constant 0 : i32
    %dma_start3A_34 = tpu.memref_slice %arg12[%dma_start3A_32, %dma_start3A_33] : memref<80x128xi32, #tpu.memory_space<vmem>> -> memref<1x128xi32, #tpu.memory_space<vmem>>
    %dma_start3A_35 = tpu.memref_squeeze %dma_start3A_34 : memref<1x128xi32, #tpu.memory_space<vmem>> -> memref<128xi32, #tpu.memory_space<vmem>>
    %dma_start3A_36 = arith.constant 0 : i32
    %dma_start3A_37 = arith.constant 0 : i32
    %dma_start3A_38 = tpu.memref_slice %arg2[%dma_start3A_36, %dma_start3A_37] : memref<10240x64xf32, #tpu.memory_space<hbm>> -> memref<10240x64xf32, #tpu.memory_space<hbm>>
    tpu.enqueue_indirect_dma source(%dma_start3A_38 : memref<10240x64xf32, #tpu.memory_space<hbm>>) target(%arg15 : memref<128x64xf32, #tpu.memory_space<vmem>>) offsets(%dma_start3A_35 : memref<128xi32, #tpu.memory_space<vmem>>) semaphore(%arg20 : memref<!tpu.dma_semaphore, #tpu.memory_space<semaphore_mem>>)
    %dma_start3A_39 = arith.constant 2 : i32
    %dma_start3A_40 = arith.constant 0 : i32
    %dma_start3A_41 = tpu.memref_slice %arg12[%dma_start3A_39, %dma_start3A_40] : memref<80x128xi32, #tpu.memory_space<vmem>> -> memref<1x128xi32, #tpu.memory_space<vmem>>
    %dma_start3A_42 = tpu.memref_squeeze %dma_start3A_41 : memref<1x128xi32, #tpu.memory_space<vmem>> -> memref<128xi32, #tpu.memory_space<vmem>>
    %dma_start3A_43 = arith.constant 0 : i32
    %dma_start3A_44 = arith.constant 0 : i32
    %dma_start3A_45 = tpu.memref_slice %arg2[%dma_start3A_43, %dma_start3A_44] : memref<10240x64xf32, #tpu.memory_space<hbm>> -> memref<10240x64xf32, #tpu.memory_space<hbm>>
    tpu.enqueue_indirect_dma source(%dma_start3A_45 : memref<10240x64xf32, #tpu.memory_space<hbm>>) target(%arg16 : memref<128x64xf32, #tpu.memory_space<vmem>>) offsets(%dma_start3A_42 : memref<128xi32, #tpu.memory_space<vmem>>) semaphore(%arg21 : memref<!tpu.dma_semaphore, #tpu.memory_space<semaphore_mem>>)
    %dma_start3A_46 = arith.constant 3 : i32
    %dma_start3A_47 = arith.constant 0 : i32
    %dma_start3A_48 = tpu.memref_slice %arg12[%dma_start3A_46, %dma_start3A_47] : memref<80x128xi32, #tpu.memory_space<vmem>> -> memref<1x128xi32, #tpu.memory_space<vmem>>
    %dma_start3A_49 = tpu.memref_squeeze %dma_start3A_48 : memref<1x128xi32, #tpu.memory_space<vmem>> -> memref<128xi32, #tpu.memory_space<vmem>>
    %dma_start3A_50 = arith.constant 0 : i32
    %dma_start3A_51 = arith.constant 0 : i32
    %dma_start3A_52 = tpu.memref_slice %arg2[%dma_start3A_50, %dma_start3A_51] : memref<10240x64xf32, #tpu.memory_space<hbm>> -> memref<10240x64xf32, #tpu.memory_space<hbm>>
    tpu.enqueue_indirect_dma source(%dma_start3A_52 : memref<10240x64xf32, #tpu.memory_space<hbm>>) target(%arg17 : memref<128x64xf32, #tpu.memory_space<vmem>>) offsets(%dma_start3A_49 : memref<128xi32, #tpu.memory_space<vmem>>) semaphore(%arg22 : memref<!tpu.dma_semaphore, #tpu.memory_space<semaphore_mem>>)
    %dma_start3A_53 = arith.constant 4 : i32
    %dma_start3A_54 = arith.constant 0 : i32
    %dma_start3A_55 = tpu.memref_slice %arg12[%dma_start3A_53, %dma_start3A_54] : memref<80x128xi32, #tpu.memory_space<vmem>> -> memref<1x128xi32, #tpu.memory_space<vmem>>
    %dma_start3A_56 = tpu.memref_squeeze %dma_start3A_55 : memref<1x128xi32, #tpu.memory_space<vmem>> -> memref<128xi32, #tpu.memory_space<vmem>>
    %dma_start3A_57 = arith.constant 0 : i32
    %dma_start3A_58 = arith.constant 0 : i32
    %dma_start3A_59 = tpu.memref_slice %arg2[%dma_start3A_57, %dma_start3A_58] : memref<10240x64xf32, #tpu.memory_space<hbm>> -> memref<10240x64xf32, #tpu.memory_space<hbm>>
    tpu.enqueue_indirect_dma source(%dma_start3A_59 : memref<10240x64xf32, #tpu.memory_space<hbm>>) target(%arg18 : memref<128x64xf32, #tpu.memory_space<vmem>>) offsets(%dma_start3A_56 : memref<128xi32, #tpu.memory_space<vmem>>) semaphore(%arg23 : memref<!tpu.dma_semaphore, #tpu.memory_space<semaphore_mem>>)
    %jit3A = arith.constant 5 : i32
    %div3A = arith.divsi %select_n3A_10, %jit3A : i32
    %sign3A = arith.constant 0 : i32
    %sign3A_60 = arith.cmpi sgt, %select_n3A_10, %sign3A : i32
    %sign3A_61 = arith.extui %sign3A_60 : i1 to i32
    %sign3A_62 = arith.constant 0 : i32
    %sign3A_63 = arith.cmpi slt, %select_n3A_10, %sign3A_62 : i32
    %sign3A_64 = arith.extui %sign3A_63 : i1 to i32
    %sign3A_65 = arith.subi %sign3A_61, %sign3A_64 : i32
    %sign3A_66 = arith.constant 0 : i32
    %sign3A_67 = arith.cmpi sgt, %jit3A, %sign3A_66 : i32
    %sign3A_68 = arith.extui %sign3A_67 : i1 to i32
    %sign3A_69 = arith.constant 0 : i32
    %sign3A_70 = arith.cmpi slt, %jit3A, %sign3A_69 : i32
    %sign3A_71 = arith.extui %sign3A_70 : i1 to i32
    %sign3A_72 = arith.subi %sign3A_68, %sign3A_71 : i32
    %ne3A = arith.cmpi ne, %sign3A_65, %sign3A_72 : i32
    %rem3A = arith.remsi %select_n3A_10, %jit3A : i32
    %ne3A_73 = arith.constant 0 : i32
    %ne3A_74 = arith.cmpi ne, %rem3A, %ne3A_73 : i32
    %and3A = arith.andi %ne3A, %ne3A_74 : i1
    %sub3A = arith.constant 1 : i32
    %sub3A_75 = arith.subi %div3A, %sub3A : i32
    %select_n3A_76 = arith.select %and3A, %sub3A_75, %div3A : i32
    %while3A = arith.constant 0 : i32
    %while3A_77 = arith.constant 0 : i32
    %while3A_78 = arith.subi %select_n3A_76, %while3A_77 : i32
    %while3A_79 = arith.addi %while3A_77, %while3A_78 : i32
    %while3A_80 = arith.constant 1 : i32
    %while3A_81 = arith.divsi %while3A_78, %while3A_80 : i32
    %while3A_82 = arith.muli %while3A_81, %while3A_80 : i32
    %while3A_83 = arith.addi %while3A_77, %while3A_82 : i32
    %while3A_84 = arith.constant 1 : i32
    scf.for %while3A_148 = %while3A_77 to %while3A_83 step %while3A_84  : i32 {
      %mul3A_149 = arith.constant 5 : i32
      %mul3A_150 = arith.muli %mul3A_149, %while3A_148 : i32
      %add3A_151 = arith.constant 0 : i32
      %add3A_152 = arith.addi %mul3A_150, %add3A_151 : i32
      %dma_wait3A_153 = arith.constant 0 : i32
      %dma_wait3A_154 = tpu.memref_slice %arg12[%add3A_152, %dma_wait3A_153] : memref<80x128xi32, #tpu.memory_space<vmem>> -> memref<1x128xi32, #tpu.memory_space<vmem>>
      %dma_wait3A_155 = tpu.memref_squeeze %dma_wait3A_154 : memref<1x128xi32, #tpu.memory_space<vmem>> -> memref<128xi32, #tpu.memory_space<vmem>>
      %dma_wait3A_156 = arith.constant 0 : i32
      %dma_wait3A_157 = arith.constant 0 : i32
      %dma_wait3A_158 = tpu.memref_slice %arg2[%dma_wait3A_156, %dma_wait3A_157] : memref<10240x64xf32, #tpu.memory_space<hbm>> -> memref<10240x64xf32, #tpu.memory_space<hbm>>
      tpu.wait_indirect_dma semaphore(%arg19 : memref<!tpu.dma_semaphore, #tpu.memory_space<semaphore_mem>>) src(%dma_wait3A_158 : memref<10240x64xf32, #tpu.memory_space<hbm>>) dst(%arg14 : memref<128x64xf32, #tpu.memory_space<vmem>>)
      %add3A_159 = arith.constant 0 : i32
      %add3A_160 = arith.addi %mul3A_150, %add3A_159 : i32
      %dma_start3A_161 = arith.constant 0 : i32
      %dma_start3A_162 = tpu.memref_slice %arg13[%add3A_160, %dma_start3A_161] : memref<80x128xi32, #tpu.memory_space<vmem>> -> memref<1x128xi32, #tpu.memory_space<vmem>>
      %dma_start3A_163 = tpu.memref_squeeze %dma_start3A_162 : memref<1x128xi32, #tpu.memory_space<vmem>> -> memref<128xi32, #tpu.memory_space<vmem>>
      %dma_start3A_164 = arith.constant 0 : i32
      %dma_start3A_165 = arith.constant 0 : i32
      %dma_start3A_166 = tpu.memref_slice %arg31[%dma_start3A_164, %dma_start3A_165] : memref<10240x64xf32, #tpu.memory_space<vmem_shared>> -> memref<10240x64xf32, #tpu.memory_space<vmem_shared>>
      tpu.enqueue_indirect_dma source(%arg14 : memref<128x64xf32, #tpu.memory_space<vmem>>) target(%dma_start3A_166 : memref<10240x64xf32, #tpu.memory_space<vmem_shared>>) offsets(%dma_start3A_163 : memref<128xi32, #tpu.memory_space<vmem>>) semaphore(%arg24 : memref<!tpu.dma_semaphore, #tpu.memory_space<semaphore_mem>>) {add = true}
      %add3A_167 = arith.constant 1 : i32
      %add3A_168 = arith.addi %mul3A_150, %add3A_167 : i32
      %dma_wait3A_169 = arith.constant 0 : i32
      %dma_wait3A_170 = tpu.memref_slice %arg12[%add3A_168, %dma_wait3A_169] : memref<80x128xi32, #tpu.memory_space<vmem>> -> memref<1x128xi32, #tpu.memory_space<vmem>>
      %dma_wait3A_171 = tpu.memref_squeeze %dma_wait3A_170 : memref<1x128xi32, #tpu.memory_space<vmem>> -> memref<128xi32, #tpu.memory_space<vmem>>
      %dma_wait3A_172 = arith.constant 0 : i32
      %dma_wait3A_173 = arith.constant 0 : i32
      %dma_wait3A_174 = tpu.memref_slice %arg2[%dma_wait3A_172, %dma_wait3A_173] : memref<10240x64xf32, #tpu.memory_space<hbm>> -> memref<10240x64xf32, #tpu.memory_space<hbm>>
      tpu.wait_indirect_dma semaphore(%arg20 : memref<!tpu.dma_semaphore, #tpu.memory_space<semaphore_mem>>) src(%dma_wait3A_174 : memref<10240x64xf32, #tpu.memory_space<hbm>>) dst(%arg15 : memref<128x64xf32, #tpu.memory_space<vmem>>)
      %add3A_175 = arith.constant 1 : i32
      %add3A_176 = arith.addi %mul3A_150, %add3A_175 : i32
      %dma_start3A_177 = arith.constant 0 : i32
      %dma_start3A_178 = tpu.memref_slice %arg13[%add3A_176, %dma_start3A_177] : memref<80x128xi32, #tpu.memory_space<vmem>> -> memref<1x128xi32, #tpu.memory_space<vmem>>
      %dma_start3A_179 = tpu.memref_squeeze %dma_start3A_178 : memref<1x128xi32, #tpu.memory_space<vmem>> -> memref<128xi32, #tpu.memory_space<vmem>>
      %dma_start3A_180 = arith.constant 0 : i32
      %dma_start3A_181 = arith.constant 0 : i32
      %dma_start3A_182 = tpu.memref_slice %arg31[%dma_start3A_180, %dma_start3A_181] : memref<10240x64xf32, #tpu.memory_space<vmem_shared>> -> memref<10240x64xf32, #tpu.memory_space<vmem_shared>>
      tpu.enqueue_indirect_dma source(%arg15 : memref<128x64xf32, #tpu.memory_space<vmem>>) target(%dma_start3A_182 : memref<10240x64xf32, #tpu.memory_space<vmem_shared>>) offsets(%dma_start3A_179 : memref<128xi32, #tpu.memory_space<vmem>>) semaphore(%arg25 : memref<!tpu.dma_semaphore, #tpu.memory_space<semaphore_mem>>) {add = true}
      %add3A_183 = arith.constant 2 : i32
      %add3A_184 = arith.addi %mul3A_150, %add3A_183 : i32
      %dma_wait3A_185 = arith.constant 0 : i32
      %dma_wait3A_186 = tpu.memref_slice %arg12[%add3A_184, %dma_wait3A_185] : memref<80x128xi32, #tpu.memory_space<vmem>> -> memref<1x128xi32, #tpu.memory_space<vmem>>
      %dma_wait3A_187 = tpu.memref_squeeze %dma_wait3A_186 : memref<1x128xi32, #tpu.memory_space<vmem>> -> memref<128xi32, #tpu.memory_space<vmem>>
      %dma_wait3A_188 = arith.constant 0 : i32
      %dma_wait3A_189 = arith.constant 0 : i32
      %dma_wait3A_190 = tpu.memref_slice %arg2[%dma_wait3A_188, %dma_wait3A_189] : memref<10240x64xf32, #tpu.memory_space<hbm>> -> memref<10240x64xf32, #tpu.memory_space<hbm>>
      tpu.wait_indirect_dma semaphore(%arg21 : memref<!tpu.dma_semaphore, #tpu.memory_space<semaphore_mem>>) src(%dma_wait3A_190 : memref<10240x64xf32, #tpu.memory_space<hbm>>) dst(%arg16 : memref<128x64xf32, #tpu.memory_space<vmem>>)
      %add3A_191 = arith.constant 2 : i32
      %add3A_192 = arith.addi %mul3A_150, %add3A_191 : i32
      %dma_start3A_193 = arith.constant 0 : i32
      %dma_start3A_194 = tpu.memref_slice %arg13[%add3A_192, %dma_start3A_193] : memref<80x128xi32, #tpu.memory_space<vmem>> -> memref<1x128xi32, #tpu.memory_space<vmem>>
      %dma_start3A_195 = tpu.memref_squeeze %dma_start3A_194 : memref<1x128xi32, #tpu.memory_space<vmem>> -> memref<128xi32, #tpu.memory_space<vmem>>
      %dma_start3A_196 = arith.constant 0 : i32
      %dma_start3A_197 = arith.constant 0 : i32
      %dma_start3A_198 = tpu.memref_slice %arg31[%dma_start3A_196, %dma_start3A_197] : memref<10240x64xf32, #tpu.memory_space<vmem_shared>> -> memref<10240x64xf32, #tpu.memory_space<vmem_shared>>
      tpu.enqueue_indirect_dma source(%arg16 : memref<128x64xf32, #tpu.memory_space<vmem>>) target(%dma_start3A_198 : memref<10240x64xf32, #tpu.memory_space<vmem_shared>>) offsets(%dma_start3A_195 : memref<128xi32, #tpu.memory_space<vmem>>) semaphore(%arg26 : memref<!tpu.dma_semaphore, #tpu.memory_space<semaphore_mem>>) {add = true}
      %add3A_199 = arith.constant 3 : i32
      %add3A_200 = arith.addi %mul3A_150, %add3A_199 : i32
      %dma_wait3A_201 = arith.constant 0 : i32
      %dma_wait3A_202 = tpu.memref_slice %arg12[%add3A_200, %dma_wait3A_201] : memref<80x128xi32, #tpu.memory_space<vmem>> -> memref<1x128xi32, #tpu.memory_space<vmem>>
      %dma_wait3A_203 = tpu.memref_squeeze %dma_wait3A_202 : memref<1x128xi32, #tpu.memory_space<vmem>> -> memref<128xi32, #tpu.memory_space<vmem>>
      %dma_wait3A_204 = arith.constant 0 : i32
      %dma_wait3A_205 = arith.constant 0 : i32
      %dma_wait3A_206 = tpu.memref_slice %arg2[%dma_wait3A_204, %dma_wait3A_205] : memref<10240x64xf32, #tpu.memory_space<hbm>> -> memref<10240x64xf32, #tpu.memory_space<hbm>>
      tpu.wait_indirect_dma semaphore(%arg22 : memref<!tpu.dma_semaphore, #tpu.memory_space<semaphore_mem>>) src(%dma_wait3A_206 : memref<10240x64xf32, #tpu.memory_space<hbm>>) dst(%arg17 : memref<128x64xf32, #tpu.memory_space<vmem>>)
      %add3A_207 = arith.constant 3 : i32
      %add3A_208 = arith.addi %mul3A_150, %add3A_207 : i32
      %dma_start3A_209 = arith.constant 0 : i32
      %dma_start3A_210 = tpu.memref_slice %arg13[%add3A_208, %dma_start3A_209] : memref<80x128xi32, #tpu.memory_space<vmem>> -> memref<1x128xi32, #tpu.memory_space<vmem>>
      %dma_start3A_211 = tpu.memref_squeeze %dma_start3A_210 : memref<1x128xi32, #tpu.memory_space<vmem>> -> memref<128xi32, #tpu.memory_space<vmem>>
      %dma_start3A_212 = arith.constant 0 : i32
      %dma_start3A_213 = arith.constant 0 : i32
      %dma_start3A_214 = tpu.memref_slice %arg31[%dma_start3A_212, %dma_start3A_213] : memref<10240x64xf32, #tpu.memory_space<vmem_shared>> -> memref<10240x64xf32, #tpu.memory_space<vmem_shared>>
      tpu.enqueue_indirect_dma source(%arg17 : memref<128x64xf32, #tpu.memory_space<vmem>>) target(%dma_start3A_214 : memref<10240x64xf32, #tpu.memory_space<vmem_shared>>) offsets(%dma_start3A_211 : memref<128xi32, #tpu.memory_space<vmem>>) semaphore(%arg27 : memref<!tpu.dma_semaphore, #tpu.memory_space<semaphore_mem>>) {add = true}
      %add3A_215 = arith.constant 4 : i32
      %add3A_216 = arith.addi %mul3A_150, %add3A_215 : i32
      %dma_wait3A_217 = arith.constant 0 : i32
      %dma_wait3A_218 = tpu.memref_slice %arg12[%add3A_216, %dma_wait3A_217] : memref<80x128xi32, #tpu.memory_space<vmem>> -> memref<1x128xi32, #tpu.memory_space<vmem>>
      %dma_wait3A_219 = tpu.memref_squeeze %dma_wait3A_218 : memref<1x128xi32, #tpu.memory_space<vmem>> -> memref<128xi32, #tpu.memory_space<vmem>>
      %dma_wait3A_220 = arith.constant 0 : i32
      %dma_wait3A_221 = arith.constant 0 : i32
      %dma_wait3A_222 = tpu.memref_slice %arg2[%dma_wait3A_220, %dma_wait3A_221] : memref<10240x64xf32, #tpu.memory_space<hbm>> -> memref<10240x64xf32, #tpu.memory_space<hbm>>
      tpu.wait_indirect_dma semaphore(%arg23 : memref<!tpu.dma_semaphore, #tpu.memory_space<semaphore_mem>>) src(%dma_wait3A_222 : memref<10240x64xf32, #tpu.memory_space<hbm>>) dst(%arg18 : memref<128x64xf32, #tpu.memory_space<vmem>>)
      %add3A_223 = arith.constant 4 : i32
      %add3A_224 = arith.addi %mul3A_150, %add3A_223 : i32
      %dma_start3A_225 = arith.constant 0 : i32
      %dma_start3A_226 = tpu.memref_slice %arg13[%add3A_224, %dma_start3A_225] : memref<80x128xi32, #tpu.memory_space<vmem>> -> memref<1x128xi32, #tpu.memory_space<vmem>>
      %dma_start3A_227 = tpu.memref_squeeze %dma_start3A_226 : memref<1x128xi32, #tpu.memory_space<vmem>> -> memref<128xi32, #tpu.memory_space<vmem>>
      %dma_start3A_228 = arith.constant 0 : i32
      %dma_start3A_229 = arith.constant 0 : i32
      %dma_start3A_230 = tpu.memref_slice %arg31[%dma_start3A_228, %dma_start3A_229] : memref<10240x64xf32, #tpu.memory_space<vmem_shared>> -> memref<10240x64xf32, #tpu.memory_space<vmem_shared>>
      tpu.enqueue_indirect_dma source(%arg18 : memref<128x64xf32, #tpu.memory_space<vmem>>) target(%dma_start3A_230 : memref<10240x64xf32, #tpu.memory_space<vmem_shared>>) offsets(%dma_start3A_227 : memref<128xi32, #tpu.memory_space<vmem>>) semaphore(%arg28 : memref<!tpu.dma_semaphore, #tpu.memory_space<semaphore_mem>>) {add = true}
      %add3A_231 = arith.constant 5 : i32
      %add3A_232 = arith.addi %mul3A_150, %add3A_231 : i32
      %add3A_233 = arith.constant 0 : i32
      %add3A_234 = arith.addi %add3A_232, %add3A_233 : i32
      %lt3A = arith.cmpi slt, %add3A_234, %select_n3A_10 : i32
      %convert_element_type3A_235 = arith.extui %lt3A : i1 to i32
      %cond3A_236 = arith.constant 0 : i32
      %cond3A_237 = arith.cmpi ne, %convert_element_type3A_235, %cond3A_236 : i32
      scf.if %cond3A_237 {
        %dma_wait3A_270 = arith.constant 0 : i32
        %dma_wait3A_271 = tpu.memref_slice %arg13[%add3A_234, %dma_wait3A_270] : memref<80x128xi32, #tpu.memory_space<vmem>> -> memref<1x128xi32, #tpu.memory_space<vmem>>
        %dma_wait3A_272 = tpu.memref_squeeze %dma_wait3A_271 : memref<1x128xi32, #tpu.memory_space<vmem>> -> memref<128xi32, #tpu.memory_space<vmem>>
        %dma_wait3A_273 = arith.constant 0 : i32
        %dma_wait3A_274 = arith.constant 0 : i32
        %dma_wait3A_275 = tpu.memref_slice %arg31[%dma_wait3A_273, %dma_wait3A_274] : memref<10240x64xf32, #tpu.memory_space<vmem_shared>> -> memref<10240x64xf32, #tpu.memory_space<vmem_shared>>
        tpu.wait_indirect_dma semaphore(%arg24 : memref<!tpu.dma_semaphore, #tpu.memory_space<semaphore_mem>>) src(%arg14 : memref<128x64xf32, #tpu.memory_space<vmem>>) dst(%dma_wait3A_275 : memref<10240x64xf32, #tpu.memory_space<vmem_shared>>)
        %dma_start3A_276 = arith.constant 0 : i32
        %dma_start3A_277 = tpu.memref_slice %arg12[%add3A_234, %dma_start3A_276] : memref<80x128xi32, #tpu.memory_space<vmem>> -> memref<1x128xi32, #tpu.memory_space<vmem>>
        %dma_start3A_278 = tpu.memref_squeeze %dma_start3A_277 : memref<1x128xi32, #tpu.memory_space<vmem>> -> memref<128xi32, #tpu.memory_space<vmem>>
        %dma_start3A_279 = arith.constant 0 : i32
        %dma_start3A_280 = arith.constant 0 : i32
        %dma_start3A_281 = tpu.memref_slice %arg2[%dma_start3A_279, %dma_start3A_280] : memref<10240x64xf32, #tpu.memory_space<hbm>> -> memref<10240x64xf32, #tpu.memory_space<hbm>>
        tpu.enqueue_indirect_dma source(%dma_start3A_281 : memref<10240x64xf32, #tpu.memory_space<hbm>>) target(%arg14 : memref<128x64xf32, #tpu.memory_space<vmem>>) offsets(%dma_start3A_278 : memref<128xi32, #tpu.memory_space<vmem>>) semaphore(%arg19 : memref<!tpu.dma_semaphore, #tpu.memory_space<semaphore_mem>>)
      } else {
      }
      %add3A_238 = arith.constant 5 : i32
      %add3A_239 = arith.addi %mul3A_150, %add3A_238 : i32
      %add3A_240 = arith.constant 1 : i32
      %add3A_241 = arith.addi %add3A_239, %add3A_240 : i32
      %lt3A_242 = arith.cmpi slt, %add3A_241, %select_n3A_10 : i32
      %convert_element_type3A_243 = arith.extui %lt3A_242 : i1 to i32
      %cond3A_244 = arith.constant 0 : i32
      %cond3A_245 = arith.cmpi ne, %convert_element_type3A_243, %cond3A_244 : i32
      scf.if %cond3A_245 {
        %dma_wait3A_270 = arith.constant 0 : i32
        %dma_wait3A_271 = tpu.memref_slice %arg13[%add3A_241, %dma_wait3A_270] : memref<80x128xi32, #tpu.memory_space<vmem>> -> memref<1x128xi32, #tpu.memory_space<vmem>>
        %dma_wait3A_272 = tpu.memref_squeeze %dma_wait3A_271 : memref<1x128xi32, #tpu.memory_space<vmem>> -> memref<128xi32, #tpu.memory_space<vmem>>
        %dma_wait3A_273 = arith.constant 0 : i32
        %dma_wait3A_274 = arith.constant 0 : i32
        %dma_wait3A_275 = tpu.memref_slice %arg31[%dma_wait3A_273, %dma_wait3A_274] : memref<10240x64xf32, #tpu.memory_space<vmem_shared>> -> memref<10240x64xf32, #tpu.memory_space<vmem_shared>>
        tpu.wait_indirect_dma semaphore(%arg25 : memref<!tpu.dma_semaphore, #tpu.memory_space<semaphore_mem>>) src(%arg15 : memref<128x64xf32, #tpu.memory_space<vmem>>) dst(%dma_wait3A_275 : memref<10240x64xf32, #tpu.memory_space<vmem_shared>>)
        %dma_start3A_276 = arith.constant 0 : i32
        %dma_start3A_277 = tpu.memref_slice %arg12[%add3A_241, %dma_start3A_276] : memref<80x128xi32, #tpu.memory_space<vmem>> -> memref<1x128xi32, #tpu.memory_space<vmem>>
        %dma_start3A_278 = tpu.memref_squeeze %dma_start3A_277 : memref<1x128xi32, #tpu.memory_space<vmem>> -> memref<128xi32, #tpu.memory_space<vmem>>
        %dma_start3A_279 = arith.constant 0 : i32
        %dma_start3A_280 = arith.constant 0 : i32
        %dma_start3A_281 = tpu.memref_slice %arg2[%dma_start3A_279, %dma_start3A_280] : memref<10240x64xf32, #tpu.memory_space<hbm>> -> memref<10240x64xf32, #tpu.memory_space<hbm>>
        tpu.enqueue_indirect_dma source(%dma_start3A_281 : memref<10240x64xf32, #tpu.memory_space<hbm>>) target(%arg15 : memref<128x64xf32, #tpu.memory_space<vmem>>) offsets(%dma_start3A_278 : memref<128xi32, #tpu.memory_space<vmem>>) semaphore(%arg20 : memref<!tpu.dma_semaphore, #tpu.memory_space<semaphore_mem>>)
      } else {
      }
      %add3A_246 = arith.constant 5 : i32
      %add3A_247 = arith.addi %mul3A_150, %add3A_246 : i32
      %add3A_248 = arith.constant 2 : i32
      %add3A_249 = arith.addi %add3A_247, %add3A_248 : i32
      %lt3A_250 = arith.cmpi slt, %add3A_249, %select_n3A_10 : i32
      %convert_element_type3A_251 = arith.extui %lt3A_250 : i1 to i32
      %cond3A_252 = arith.constant 0 : i32
      %cond3A_253 = arith.cmpi ne, %convert_element_type3A_251, %cond3A_252 : i32
      scf.if %cond3A_253 {
        %dma_wait3A_270 = arith.constant 0 : i32
        %dma_wait3A_271 = tpu.memref_slice %arg13[%add3A_249, %dma_wait3A_270] : memref<80x128xi32, #tpu.memory_space<vmem>> -> memref<1x128xi32, #tpu.memory_space<vmem>>
        %dma_wait3A_272 = tpu.memref_squeeze %dma_wait3A_271 : memref<1x128xi32, #tpu.memory_space<vmem>> -> memref<128xi32, #tpu.memory_space<vmem>>
        %dma_wait3A_273 = arith.constant 0 : i32
        %dma_wait3A_274 = arith.constant 0 : i32
        %dma_wait3A_275 = tpu.memref_slice %arg31[%dma_wait3A_273, %dma_wait3A_274] : memref<10240x64xf32, #tpu.memory_space<vmem_shared>> -> memref<10240x64xf32, #tpu.memory_space<vmem_shared>>
        tpu.wait_indirect_dma semaphore(%arg26 : memref<!tpu.dma_semaphore, #tpu.memory_space<semaphore_mem>>) src(%arg16 : memref<128x64xf32, #tpu.memory_space<vmem>>) dst(%dma_wait3A_275 : memref<10240x64xf32, #tpu.memory_space<vmem_shared>>)
        %dma_start3A_276 = arith.constant 0 : i32
        %dma_start3A_277 = tpu.memref_slice %arg12[%add3A_249, %dma_start3A_276] : memref<80x128xi32, #tpu.memory_space<vmem>> -> memref<1x128xi32, #tpu.memory_space<vmem>>
        %dma_start3A_278 = tpu.memref_squeeze %dma_start3A_277 : memref<1x128xi32, #tpu.memory_space<vmem>> -> memref<128xi32, #tpu.memory_space<vmem>>
        %dma_start3A_279 = arith.constant 0 : i32
        %dma_start3A_280 = arith.constant 0 : i32
        %dma_start3A_281 = tpu.memref_slice %arg2[%dma_start3A_279, %dma_start3A_280] : memref<10240x64xf32, #tpu.memory_space<hbm>> -> memref<10240x64xf32, #tpu.memory_space<hbm>>
        tpu.enqueue_indirect_dma source(%dma_start3A_281 : memref<10240x64xf32, #tpu.memory_space<hbm>>) target(%arg16 : memref<128x64xf32, #tpu.memory_space<vmem>>) offsets(%dma_start3A_278 : memref<128xi32, #tpu.memory_space<vmem>>) semaphore(%arg21 : memref<!tpu.dma_semaphore, #tpu.memory_space<semaphore_mem>>)
      } else {
      }
      %add3A_254 = arith.constant 5 : i32
      %add3A_255 = arith.addi %mul3A_150, %add3A_254 : i32
      %add3A_256 = arith.constant 3 : i32
      %add3A_257 = arith.addi %add3A_255, %add3A_256 : i32
      %lt3A_258 = arith.cmpi slt, %add3A_257, %select_n3A_10 : i32
      %convert_element_type3A_259 = arith.extui %lt3A_258 : i1 to i32
      %cond3A_260 = arith.constant 0 : i32
      %cond3A_261 = arith.cmpi ne, %convert_element_type3A_259, %cond3A_260 : i32
      scf.if %cond3A_261 {
        %dma_wait3A_270 = arith.constant 0 : i32
        %dma_wait3A_271 = tpu.memref_slice %arg13[%add3A_257, %dma_wait3A_270] : memref<80x128xi32, #tpu.memory_space<vmem>> -> memref<1x128xi32, #tpu.memory_space<vmem>>
        %dma_wait3A_272 = tpu.memref_squeeze %dma_wait3A_271 : memref<1x128xi32, #tpu.memory_space<vmem>> -> memref<128xi32, #tpu.memory_space<vmem>>
        %dma_wait3A_273 = arith.constant 0 : i32
        %dma_wait3A_274 = arith.constant 0 : i32
        %dma_wait3A_275 = tpu.memref_slice %arg31[%dma_wait3A_273, %dma_wait3A_274] : memref<10240x64xf32, #tpu.memory_space<vmem_shared>> -> memref<10240x64xf32, #tpu.memory_space<vmem_shared>>
        tpu.wait_indirect_dma semaphore(%arg27 : memref<!tpu.dma_semaphore, #tpu.memory_space<semaphore_mem>>) src(%arg17 : memref<128x64xf32, #tpu.memory_space<vmem>>) dst(%dma_wait3A_275 : memref<10240x64xf32, #tpu.memory_space<vmem_shared>>)
        %dma_start3A_276 = arith.constant 0 : i32
        %dma_start3A_277 = tpu.memref_slice %arg12[%add3A_257, %dma_start3A_276] : memref<80x128xi32, #tpu.memory_space<vmem>> -> memref<1x128xi32, #tpu.memory_space<vmem>>
        %dma_start3A_278 = tpu.memref_squeeze %dma_start3A_277 : memref<1x128xi32, #tpu.memory_space<vmem>> -> memref<128xi32, #tpu.memory_space<vmem>>
        %dma_start3A_279 = arith.constant 0 : i32
        %dma_start3A_280 = arith.constant 0 : i32
        %dma_start3A_281 = tpu.memref_slice %arg2[%dma_start3A_279, %dma_start3A_280] : memref<10240x64xf32, #tpu.memory_space<hbm>> -> memref<10240x64xf32, #tpu.memory_space<hbm>>
        tpu.enqueue_indirect_dma source(%dma_start3A_281 : memref<10240x64xf32, #tpu.memory_space<hbm>>) target(%arg17 : memref<128x64xf32, #tpu.memory_space<vmem>>) offsets(%dma_start3A_278 : memref<128xi32, #tpu.memory_space<vmem>>) semaphore(%arg22 : memref<!tpu.dma_semaphore, #tpu.memory_space<semaphore_mem>>)
      } else {
      }
      %add3A_262 = arith.constant 5 : i32
      %add3A_263 = arith.addi %mul3A_150, %add3A_262 : i32
      %add3A_264 = arith.constant 4 : i32
      %add3A_265 = arith.addi %add3A_263, %add3A_264 : i32
      %lt3A_266 = arith.cmpi slt, %add3A_265, %select_n3A_10 : i32
      %convert_element_type3A_267 = arith.extui %lt3A_266 : i1 to i32
      %cond3A_268 = arith.constant 0 : i32
      %cond3A_269 = arith.cmpi ne, %convert_element_type3A_267, %cond3A_268 : i32
      scf.if %cond3A_269 {
        %dma_wait3A_270 = arith.constant 0 : i32
        %dma_wait3A_271 = tpu.memref_slice %arg13[%add3A_265, %dma_wait3A_270] : memref<80x128xi32, #tpu.memory_space<vmem>> -> memref<1x128xi32, #tpu.memory_space<vmem>>
        %dma_wait3A_272 = tpu.memref_squeeze %dma_wait3A_271 : memref<1x128xi32, #tpu.memory_space<vmem>> -> memref<128xi32, #tpu.memory_space<vmem>>
        %dma_wait3A_273 = arith.constant 0 : i32
        %dma_wait3A_274 = arith.constant 0 : i32
        %dma_wait3A_275 = tpu.memref_slice %arg31[%dma_wait3A_273, %dma_wait3A_274] : memref<10240x64xf32, #tpu.memory_space<vmem_shared>> -> memref<10240x64xf32, #tpu.memory_space<vmem_shared>>
        tpu.wait_indirect_dma semaphore(%arg28 : memref<!tpu.dma_semaphore, #tpu.memory_space<semaphore_mem>>) src(%arg18 : memref<128x64xf32, #tpu.memory_space<vmem>>) dst(%dma_wait3A_275 : memref<10240x64xf32, #tpu.memory_space<vmem_shared>>)
        %dma_start3A_276 = arith.constant 0 : i32
        %dma_start3A_277 = tpu.memref_slice %arg12[%add3A_265, %dma_start3A_276] : memref<80x128xi32, #tpu.memory_space<vmem>> -> memref<1x128xi32, #tpu.memory_space<vmem>>
        %dma_start3A_278 = tpu.memref_squeeze %dma_start3A_277 : memref<1x128xi32, #tpu.memory_space<vmem>> -> memref<128xi32, #tpu.memory_space<vmem>>
        %dma_start3A_279 = arith.constant 0 : i32
        %dma_start3A_280 = arith.constant 0 : i32
        %dma_start3A_281 = tpu.memref_slice %arg2[%dma_start3A_279, %dma_start3A_280] : memref<10240x64xf32, #tpu.memory_space<hbm>> -> memref<10240x64xf32, #tpu.memory_space<hbm>>
        tpu.enqueue_indirect_dma source(%dma_start3A_281 : memref<10240x64xf32, #tpu.memory_space<hbm>>) target(%arg18 : memref<128x64xf32, #tpu.memory_space<vmem>>) offsets(%dma_start3A_278 : memref<128xi32, #tpu.memory_space<vmem>>) semaphore(%arg23 : memref<!tpu.dma_semaphore, #tpu.memory_space<semaphore_mem>>)
      } else {
      }
    }
    %while3A_85 = arith.constant 1 : i32
    scf.for %while3A_148 = %while3A_83 to %while3A_79 step %while3A_85  : i32 {
      %mul3A_149 = arith.constant 5 : i32
      %mul3A_150 = arith.muli %mul3A_149, %while3A_148 : i32
      %add3A_151 = arith.constant 0 : i32
      %add3A_152 = arith.addi %mul3A_150, %add3A_151 : i32
      %dma_wait3A_153 = arith.constant 0 : i32
      %dma_wait3A_154 = tpu.memref_slice %arg12[%add3A_152, %dma_wait3A_153] : memref<80x128xi32, #tpu.memory_space<vmem>> -> memref<1x128xi32, #tpu.memory_space<vmem>>
      %dma_wait3A_155 = tpu.memref_squeeze %dma_wait3A_154 : memref<1x128xi32, #tpu.memory_space<vmem>> -> memref<128xi32, #tpu.memory_space<vmem>>
      %dma_wait3A_156 = arith.constant 0 : i32
      %dma_wait3A_157 = arith.constant 0 : i32
      %dma_wait3A_158 = tpu.memref_slice %arg2[%dma_wait3A_156, %dma_wait3A_157] : memref<10240x64xf32, #tpu.memory_space<hbm>> -> memref<10240x64xf32, #tpu.memory_space<hbm>>
      tpu.wait_indirect_dma semaphore(%arg19 : memref<!tpu.dma_semaphore, #tpu.memory_space<semaphore_mem>>) src(%dma_wait3A_158 : memref<10240x64xf32, #tpu.memory_space<hbm>>) dst(%arg14 : memref<128x64xf32, #tpu.memory_space<vmem>>)
      %add3A_159 = arith.constant 0 : i32
      %add3A_160 = arith.addi %mul3A_150, %add3A_159 : i32
      %dma_start3A_161 = arith.constant 0 : i32
      %dma_start3A_162 = tpu.memref_slice %arg13[%add3A_160, %dma_start3A_161] : memref<80x128xi32, #tpu.memory_space<vmem>> -> memref<1x128xi32, #tpu.memory_space<vmem>>
      %dma_start3A_163 = tpu.memref_squeeze %dma_start3A_162 : memref<1x128xi32, #tpu.memory_space<vmem>> -> memref<128xi32, #tpu.memory_space<vmem>>
      %dma_start3A_164 = arith.constant 0 : i32
      %dma_start3A_165 = arith.constant 0 : i32
      %dma_start3A_166 = tpu.memref_slice %arg31[%dma_start3A_164, %dma_start3A_165] : memref<10240x64xf32, #tpu.memory_space<vmem_shared>> -> memref<10240x64xf32, #tpu.memory_space<vmem_shared>>
      tpu.enqueue_indirect_dma source(%arg14 : memref<128x64xf32, #tpu.memory_space<vmem>>) target(%dma_start3A_166 : memref<10240x64xf32, #tpu.memory_space<vmem_shared>>) offsets(%dma_start3A_163 : memref<128xi32, #tpu.memory_space<vmem>>) semaphore(%arg24 : memref<!tpu.dma_semaphore, #tpu.memory_space<semaphore_mem>>) {add = true}
      %add3A_167 = arith.constant 1 : i32
      %add3A_168 = arith.addi %mul3A_150, %add3A_167 : i32
      %dma_wait3A_169 = arith.constant 0 : i32
      %dma_wait3A_170 = tpu.memref_slice %arg12[%add3A_168, %dma_wait3A_169] : memref<80x128xi32, #tpu.memory_space<vmem>> -> memref<1x128xi32, #tpu.memory_space<vmem>>
      %dma_wait3A_171 = tpu.memref_squeeze %dma_wait3A_170 : memref<1x128xi32, #tpu.memory_space<vmem>> -> memref<128xi32, #tpu.memory_space<vmem>>
      %dma_wait3A_172 = arith.constant 0 : i32
      %dma_wait3A_173 = arith.constant 0 : i32
      %dma_wait3A_174 = tpu.memref_slice %arg2[%dma_wait3A_172, %dma_wait3A_173] : memref<10240x64xf32, #tpu.memory_space<hbm>> -> memref<10240x64xf32, #tpu.memory_space<hbm>>
      tpu.wait_indirect_dma semaphore(%arg20 : memref<!tpu.dma_semaphore, #tpu.memory_space<semaphore_mem>>) src(%dma_wait3A_174 : memref<10240x64xf32, #tpu.memory_space<hbm>>) dst(%arg15 : memref<128x64xf32, #tpu.memory_space<vmem>>)
      %add3A_175 = arith.constant 1 : i32
      %add3A_176 = arith.addi %mul3A_150, %add3A_175 : i32
      %dma_start3A_177 = arith.constant 0 : i32
      %dma_start3A_178 = tpu.memref_slice %arg13[%add3A_176, %dma_start3A_177] : memref<80x128xi32, #tpu.memory_space<vmem>> -> memref<1x128xi32, #tpu.memory_space<vmem>>
      %dma_start3A_179 = tpu.memref_squeeze %dma_start3A_178 : memref<1x128xi32, #tpu.memory_space<vmem>> -> memref<128xi32, #tpu.memory_space<vmem>>
      %dma_start3A_180 = arith.constant 0 : i32
      %dma_start3A_181 = arith.constant 0 : i32
      %dma_start3A_182 = tpu.memref_slice %arg31[%dma_start3A_180, %dma_start3A_181] : memref<10240x64xf32, #tpu.memory_space<vmem_shared>> -> memref<10240x64xf32, #tpu.memory_space<vmem_shared>>
      tpu.enqueue_indirect_dma source(%arg15 : memref<128x64xf32, #tpu.memory_space<vmem>>) target(%dma_start3A_182 : memref<10240x64xf32, #tpu.memory_space<vmem_shared>>) offsets(%dma_start3A_179 : memref<128xi32, #tpu.memory_space<vmem>>) semaphore(%arg25 : memref<!tpu.dma_semaphore, #tpu.memory_space<semaphore_mem>>) {add = true}
      %add3A_183 = arith.constant 2 : i32
      %add3A_184 = arith.addi %mul3A_150, %add3A_183 : i32
      %dma_wait3A_185 = arith.constant 0 : i32
      %dma_wait3A_186 = tpu.memref_slice %arg12[%add3A_184, %dma_wait3A_185] : memref<80x128xi32, #tpu.memory_space<vmem>> -> memref<1x128xi32, #tpu.memory_space<vmem>>
      %dma_wait3A_187 = tpu.memref_squeeze %dma_wait3A_186 : memref<1x128xi32, #tpu.memory_space<vmem>> -> memref<128xi32, #tpu.memory_space<vmem>>
      %dma_wait3A_188 = arith.constant 0 : i32
      %dma_wait3A_189 = arith.constant 0 : i32
      %dma_wait3A_190 = tpu.memref_slice %arg2[%dma_wait3A_188, %dma_wait3A_189] : memref<10240x64xf32, #tpu.memory_space<hbm>> -> memref<10240x64xf32, #tpu.memory_space<hbm>>
      tpu.wait_indirect_dma semaphore(%arg21 : memref<!tpu.dma_semaphore, #tpu.memory_space<semaphore_mem>>) src(%dma_wait3A_190 : memref<10240x64xf32, #tpu.memory_space<hbm>>) dst(%arg16 : memref<128x64xf32, #tpu.memory_space<vmem>>)
      %add3A_191 = arith.constant 2 : i32
      %add3A_192 = arith.addi %mul3A_150, %add3A_191 : i32
      %dma_start3A_193 = arith.constant 0 : i32
      %dma_start3A_194 = tpu.memref_slice %arg13[%add3A_192, %dma_start3A_193] : memref<80x128xi32, #tpu.memory_space<vmem>> -> memref<1x128xi32, #tpu.memory_space<vmem>>
      %dma_start3A_195 = tpu.memref_squeeze %dma_start3A_194 : memref<1x128xi32, #tpu.memory_space<vmem>> -> memref<128xi32, #tpu.memory_space<vmem>>
      %dma_start3A_196 = arith.constant 0 : i32
      %dma_start3A_197 = arith.constant 0 : i32
      %dma_start3A_198 = tpu.memref_slice %arg31[%dma_start3A_196, %dma_start3A_197] : memref<10240x64xf32, #tpu.memory_space<vmem_shared>> -> memref<10240x64xf32, #tpu.memory_space<vmem_shared>>
      tpu.enqueue_indirect_dma source(%arg16 : memref<128x64xf32, #tpu.memory_space<vmem>>) target(%dma_start3A_198 : memref<10240x64xf32, #tpu.memory_space<vmem_shared>>) offsets(%dma_start3A_195 : memref<128xi32, #tpu.memory_space<vmem>>) semaphore(%arg26 : memref<!tpu.dma_semaphore, #tpu.memory_space<semaphore_mem>>) {add = true}
      %add3A_199 = arith.constant 3 : i32
      %add3A_200 = arith.addi %mul3A_150, %add3A_199 : i32
      %dma_wait3A_201 = arith.constant 0 : i32
      %dma_wait3A_202 = tpu.memref_slice %arg12[%add3A_200, %dma_wait3A_201] : memref<80x128xi32, #tpu.memory_space<vmem>> -> memref<1x128xi32, #tpu.memory_space<vmem>>
      %dma_wait3A_203 = tpu.memref_squeeze %dma_wait3A_202 : memref<1x128xi32, #tpu.memory_space<vmem>> -> memref<128xi32, #tpu.memory_space<vmem>>
      %dma_wait3A_204 = arith.constant 0 : i32
      %dma_wait3A_205 = arith.constant 0 : i32
      %dma_wait3A_206 = tpu.memref_slice %arg2[%dma_wait3A_204, %dma_wait3A_205] : memref<10240x64xf32, #tpu.memory_space<hbm>> -> memref<10240x64xf32, #tpu.memory_space<hbm>>
      tpu.wait_indirect_dma semaphore(%arg22 : memref<!tpu.dma_semaphore, #tpu.memory_space<semaphore_mem>>) src(%dma_wait3A_206 : memref<10240x64xf32, #tpu.memory_space<hbm>>) dst(%arg17 : memref<128x64xf32, #tpu.memory_space<vmem>>)
      %add3A_207 = arith.constant 3 : i32
      %add3A_208 = arith.addi %mul3A_150, %add3A_207 : i32
      %dma_start3A_209 = arith.constant 0 : i32
      %dma_start3A_210 = tpu.memref_slice %arg13[%add3A_208, %dma_start3A_209] : memref<80x128xi32, #tpu.memory_space<vmem>> -> memref<1x128xi32, #tpu.memory_space<vmem>>
      %dma_start3A_211 = tpu.memref_squeeze %dma_start3A_210 : memref<1x128xi32, #tpu.memory_space<vmem>> -> memref<128xi32, #tpu.memory_space<vmem>>
      %dma_start3A_212 = arith.constant 0 : i32
      %dma_start3A_213 = arith.constant 0 : i32
      %dma_start3A_214 = tpu.memref_slice %arg31[%dma_start3A_212, %dma_start3A_213] : memref<10240x64xf32, #tpu.memory_space<vmem_shared>> -> memref<10240x64xf32, #tpu.memory_space<vmem_shared>>
      tpu.enqueue_indirect_dma source(%arg17 : memref<128x64xf32, #tpu.memory_space<vmem>>) target(%dma_start3A_214 : memref<10240x64xf32, #tpu.memory_space<vmem_shared>>) offsets(%dma_start3A_211 : memref<128xi32, #tpu.memory_space<vmem>>) semaphore(%arg27 : memref<!tpu.dma_semaphore, #tpu.memory_space<semaphore_mem>>) {add = true}
      %add3A_215 = arith.constant 4 : i32
      %add3A_216 = arith.addi %mul3A_150, %add3A_215 : i32
      %dma_wait3A_217 = arith.constant 0 : i32
      %dma_wait3A_218 = tpu.memref_slice %arg12[%add3A_216, %dma_wait3A_217] : memref<80x128xi32, #tpu.memory_space<vmem>> -> memref<1x128xi32, #tpu.memory_space<vmem>>
      %dma_wait3A_219 = tpu.memref_squeeze %dma_wait3A_218 : memref<1x128xi32, #tpu.memory_space<vmem>> -> memref<128xi32, #tpu.memory_space<vmem>>
      %dma_wait3A_220 = arith.constant 0 : i32
      %dma_wait3A_221 = arith.constant 0 : i32
      %dma_wait3A_222 = tpu.memref_slice %arg2[%dma_wait3A_220, %dma_wait3A_221] : memref<10240x64xf32, #tpu.memory_space<hbm>> -> memref<10240x64xf32, #tpu.memory_space<hbm>>
      tpu.wait_indirect_dma semaphore(%arg23 : memref<!tpu.dma_semaphore, #tpu.memory_space<semaphore_mem>>) src(%dma_wait3A_222 : memref<10240x64xf32, #tpu.memory_space<hbm>>) dst(%arg18 : memref<128x64xf32, #tpu.memory_space<vmem>>)
      %add3A_223 = arith.constant 4 : i32
      %add3A_224 = arith.addi %mul3A_150, %add3A_223 : i32
      %dma_start3A_225 = arith.constant 0 : i32
      %dma_start3A_226 = tpu.memref_slice %arg13[%add3A_224, %dma_start3A_225] : memref<80x128xi32, #tpu.memory_space<vmem>> -> memref<1x128xi32, #tpu.memory_space<vmem>>
      %dma_start3A_227 = tpu.memref_squeeze %dma_start3A_226 : memref<1x128xi32, #tpu.memory_space<vmem>> -> memref<128xi32, #tpu.memory_space<vmem>>
      %dma_start3A_228 = arith.constant 0 : i32
      %dma_start3A_229 = arith.constant 0 : i32
      %dma_start3A_230 = tpu.memref_slice %arg31[%dma_start3A_228, %dma_start3A_229] : memref<10240x64xf32, #tpu.memory_space<vmem_shared>> -> memref<10240x64xf32, #tpu.memory_space<vmem_shared>>
      tpu.enqueue_indirect_dma source(%arg18 : memref<128x64xf32, #tpu.memory_space<vmem>>) target(%dma_start3A_230 : memref<10240x64xf32, #tpu.memory_space<vmem_shared>>) offsets(%dma_start3A_227 : memref<128xi32, #tpu.memory_space<vmem>>) semaphore(%arg28 : memref<!tpu.dma_semaphore, #tpu.memory_space<semaphore_mem>>) {add = true}
      %add3A_231 = arith.constant 5 : i32
      %add3A_232 = arith.addi %mul3A_150, %add3A_231 : i32
      %add3A_233 = arith.constant 0 : i32
      %add3A_234 = arith.addi %add3A_232, %add3A_233 : i32
      %lt3A = arith.cmpi slt, %add3A_234, %select_n3A_10 : i32
      %convert_element_type3A_235 = arith.extui %lt3A : i1 to i32
      %cond3A_236 = arith.constant 0 : i32
      %cond3A_237 = arith.cmpi ne, %convert_element_type3A_235, %cond3A_236 : i32
      scf.if %cond3A_237 {
        %dma_wait3A_270 = arith.constant 0 : i32
        %dma_wait3A_271 = tpu.memref_slice %arg13[%add3A_234, %dma_wait3A_270] : memref<80x128xi32, #tpu.memory_space<vmem>> -> memref<1x128xi32, #tpu.memory_space<vmem>>
        %dma_wait3A_272 = tpu.memref_squeeze %dma_wait3A_271 : memref<1x128xi32, #tpu.memory_space<vmem>> -> memref<128xi32, #tpu.memory_space<vmem>>
        %dma_wait3A_273 = arith.constant 0 : i32
        %dma_wait3A_274 = arith.constant 0 : i32
        %dma_wait3A_275 = tpu.memref_slice %arg31[%dma_wait3A_273, %dma_wait3A_274] : memref<10240x64xf32, #tpu.memory_space<vmem_shared>> -> memref<10240x64xf32, #tpu.memory_space<vmem_shared>>
        tpu.wait_indirect_dma semaphore(%arg24 : memref<!tpu.dma_semaphore, #tpu.memory_space<semaphore_mem>>) src(%arg14 : memref<128x64xf32, #tpu.memory_space<vmem>>) dst(%dma_wait3A_275 : memref<10240x64xf32, #tpu.memory_space<vmem_shared>>)
        %dma_start3A_276 = arith.constant 0 : i32
        %dma_start3A_277 = tpu.memref_slice %arg12[%add3A_234, %dma_start3A_276] : memref<80x128xi32, #tpu.memory_space<vmem>> -> memref<1x128xi32, #tpu.memory_space<vmem>>
        %dma_start3A_278 = tpu.memref_squeeze %dma_start3A_277 : memref<1x128xi32, #tpu.memory_space<vmem>> -> memref<128xi32, #tpu.memory_space<vmem>>
        %dma_start3A_279 = arith.constant 0 : i32
        %dma_start3A_280 = arith.constant 0 : i32
        %dma_start3A_281 = tpu.memref_slice %arg2[%dma_start3A_279, %dma_start3A_280] : memref<10240x64xf32, #tpu.memory_space<hbm>> -> memref<10240x64xf32, #tpu.memory_space<hbm>>
        tpu.enqueue_indirect_dma source(%dma_start3A_281 : memref<10240x64xf32, #tpu.memory_space<hbm>>) target(%arg14 : memref<128x64xf32, #tpu.memory_space<vmem>>) offsets(%dma_start3A_278 : memref<128xi32, #tpu.memory_space<vmem>>) semaphore(%arg19 : memref<!tpu.dma_semaphore, #tpu.memory_space<semaphore_mem>>)
      } else {
      }
      %add3A_238 = arith.constant 5 : i32
      %add3A_239 = arith.addi %mul3A_150, %add3A_238 : i32
      %add3A_240 = arith.constant 1 : i32
      %add3A_241 = arith.addi %add3A_239, %add3A_240 : i32
      %lt3A_242 = arith.cmpi slt, %add3A_241, %select_n3A_10 : i32
      %convert_element_type3A_243 = arith.extui %lt3A_242 : i1 to i32
      %cond3A_244 = arith.constant 0 : i32
      %cond3A_245 = arith.cmpi ne, %convert_element_type3A_243, %cond3A_244 : i32
      scf.if %cond3A_245 {
        %dma_wait3A_270 = arith.constant 0 : i32
        %dma_wait3A_271 = tpu.memref_slice %arg13[%add3A_241, %dma_wait3A_270] : memref<80x128xi32, #tpu.memory_space<vmem>> -> memref<1x128xi32, #tpu.memory_space<vmem>>
        %dma_wait3A_272 = tpu.memref_squeeze %dma_wait3A_271 : memref<1x128xi32, #tpu.memory_space<vmem>> -> memref<128xi32, #tpu.memory_space<vmem>>
        %dma_wait3A_273 = arith.constant 0 : i32
        %dma_wait3A_274 = arith.constant 0 : i32
        %dma_wait3A_275 = tpu.memref_slice %arg31[%dma_wait3A_273, %dma_wait3A_274] : memref<10240x64xf32, #tpu.memory_space<vmem_shared>> -> memref<10240x64xf32, #tpu.memory_space<vmem_shared>>
        tpu.wait_indirect_dma semaphore(%arg25 : memref<!tpu.dma_semaphore, #tpu.memory_space<semaphore_mem>>) src(%arg15 : memref<128x64xf32, #tpu.memory_space<vmem>>) dst(%dma_wait3A_275 : memref<10240x64xf32, #tpu.memory_space<vmem_shared>>)
        %dma_start3A_276 = arith.constant 0 : i32
        %dma_start3A_277 = tpu.memref_slice %arg12[%add3A_241, %dma_start3A_276] : memref<80x128xi32, #tpu.memory_space<vmem>> -> memref<1x128xi32, #tpu.memory_space<vmem>>
        %dma_start3A_278 = tpu.memref_squeeze %dma_start3A_277 : memref<1x128xi32, #tpu.memory_space<vmem>> -> memref<128xi32, #tpu.memory_space<vmem>>
        %dma_start3A_279 = arith.constant 0 : i32
        %dma_start3A_280 = arith.constant 0 : i32
        %dma_start3A_281 = tpu.memref_slice %arg2[%dma_start3A_279, %dma_start3A_280] : memref<10240x64xf32, #tpu.memory_space<hbm>> -> memref<10240x64xf32, #tpu.memory_space<hbm>>
        tpu.enqueue_indirect_dma source(%dma_start3A_281 : memref<10240x64xf32, #tpu.memory_space<hbm>>) target(%arg15 : memref<128x64xf32, #tpu.memory_space<vmem>>) offsets(%dma_start3A_278 : memref<128xi32, #tpu.memory_space<vmem>>) semaphore(%arg20 : memref<!tpu.dma_semaphore, #tpu.memory_space<semaphore_mem>>)
      } else {
      }
      %add3A_246 = arith.constant 5 : i32
      %add3A_247 = arith.addi %mul3A_150, %add3A_246 : i32
      %add3A_248 = arith.constant 2 : i32
      %add3A_249 = arith.addi %add3A_247, %add3A_248 : i32
      %lt3A_250 = arith.cmpi slt, %add3A_249, %select_n3A_10 : i32
      %convert_element_type3A_251 = arith.extui %lt3A_250 : i1 to i32
      %cond3A_252 = arith.constant 0 : i32
      %cond3A_253 = arith.cmpi ne, %convert_element_type3A_251, %cond3A_252 : i32
      scf.if %cond3A_253 {
        %dma_wait3A_270 = arith.constant 0 : i32
        %dma_wait3A_271 = tpu.memref_slice %arg13[%add3A_249, %dma_wait3A_270] : memref<80x128xi32, #tpu.memory_space<vmem>> -> memref<1x128xi32, #tpu.memory_space<vmem>>
        %dma_wait3A_272 = tpu.memref_squeeze %dma_wait3A_271 : memref<1x128xi32, #tpu.memory_space<vmem>> -> memref<128xi32, #tpu.memory_space<vmem>>
        %dma_wait3A_273 = arith.constant 0 : i32
        %dma_wait3A_274 = arith.constant 0 : i32
        %dma_wait3A_275 = tpu.memref_slice %arg31[%dma_wait3A_273, %dma_wait3A_274] : memref<10240x64xf32, #tpu.memory_space<vmem_shared>> -> memref<10240x64xf32, #tpu.memory_space<vmem_shared>>
        tpu.wait_indirect_dma semaphore(%arg26 : memref<!tpu.dma_semaphore, #tpu.memory_space<semaphore_mem>>) src(%arg16 : memref<128x64xf32, #tpu.memory_space<vmem>>) dst(%dma_wait3A_275 : memref<10240x64xf32, #tpu.memory_space<vmem_shared>>)
        %dma_start3A_276 = arith.constant 0 : i32
        %dma_start3A_277 = tpu.memref_slice %arg12[%add3A_249, %dma_start3A_276] : memref<80x128xi32, #tpu.memory_space<vmem>> -> memref<1x128xi32, #tpu.memory_space<vmem>>
        %dma_start3A_278 = tpu.memref_squeeze %dma_start3A_277 : memref<1x128xi32, #tpu.memory_space<vmem>> -> memref<128xi32, #tpu.memory_space<vmem>>
        %dma_start3A_279 = arith.constant 0 : i32
        %dma_start3A_280 = arith.constant 0 : i32
        %dma_start3A_281 = tpu.memref_slice %arg2[%dma_start3A_279, %dma_start3A_280] : memref<10240x64xf32, #tpu.memory_space<hbm>> -> memref<10240x64xf32, #tpu.memory_space<hbm>>
        tpu.enqueue_indirect_dma source(%dma_start3A_281 : memref<10240x64xf32, #tpu.memory_space<hbm>>) target(%arg16 : memref<128x64xf32, #tpu.memory_space<vmem>>) offsets(%dma_start3A_278 : memref<128xi32, #tpu.memory_space<vmem>>) semaphore(%arg21 : memref<!tpu.dma_semaphore, #tpu.memory_space<semaphore_mem>>)
      } else {
      }
      %add3A_254 = arith.constant 5 : i32
      %add3A_255 = arith.addi %mul3A_150, %add3A_254 : i32
      %add3A_256 = arith.constant 3 : i32
      %add3A_257 = arith.addi %add3A_255, %add3A_256 : i32
      %lt3A_258 = arith.cmpi slt, %add3A_257, %select_n3A_10 : i32
      %convert_element_type3A_259 = arith.extui %lt3A_258 : i1 to i32
      %cond3A_260 = arith.constant 0 : i32
      %cond3A_261 = arith.cmpi ne, %convert_element_type3A_259, %cond3A_260 : i32
      scf.if %cond3A_261 {
        %dma_wait3A_270 = arith.constant 0 : i32
        %dma_wait3A_271 = tpu.memref_slice %arg13[%add3A_257, %dma_wait3A_270] : memref<80x128xi32, #tpu.memory_space<vmem>> -> memref<1x128xi32, #tpu.memory_space<vmem>>
        %dma_wait3A_272 = tpu.memref_squeeze %dma_wait3A_271 : memref<1x128xi32, #tpu.memory_space<vmem>> -> memref<128xi32, #tpu.memory_space<vmem>>
        %dma_wait3A_273 = arith.constant 0 : i32
        %dma_wait3A_274 = arith.constant 0 : i32
        %dma_wait3A_275 = tpu.memref_slice %arg31[%dma_wait3A_273, %dma_wait3A_274] : memref<10240x64xf32, #tpu.memory_space<vmem_shared>> -> memref<10240x64xf32, #tpu.memory_space<vmem_shared>>
        tpu.wait_indirect_dma semaphore(%arg27 : memref<!tpu.dma_semaphore, #tpu.memory_space<semaphore_mem>>) src(%arg17 : memref<128x64xf32, #tpu.memory_space<vmem>>) dst(%dma_wait3A_275 : memref<10240x64xf32, #tpu.memory_space<vmem_shared>>)
        %dma_start3A_276 = arith.constant 0 : i32
        %dma_start3A_277 = tpu.memref_slice %arg12[%add3A_257, %dma_start3A_276] : memref<80x128xi32, #tpu.memory_space<vmem>> -> memref<1x128xi32, #tpu.memory_space<vmem>>
        %dma_start3A_278 = tpu.memref_squeeze %dma_start3A_277 : memref<1x128xi32, #tpu.memory_space<vmem>> -> memref<128xi32, #tpu.memory_space<vmem>>
        %dma_start3A_279 = arith.constant 0 : i32
        %dma_start3A_280 = arith.constant 0 : i32
        %dma_start3A_281 = tpu.memref_slice %arg2[%dma_start3A_279, %dma_start3A_280] : memref<10240x64xf32, #tpu.memory_space<hbm>> -> memref<10240x64xf32, #tpu.memory_space<hbm>>
        tpu.enqueue_indirect_dma source(%dma_start3A_281 : memref<10240x64xf32, #tpu.memory_space<hbm>>) target(%arg17 : memref<128x64xf32, #tpu.memory_space<vmem>>) offsets(%dma_start3A_278 : memref<128xi32, #tpu.memory_space<vmem>>) semaphore(%arg22 : memref<!tpu.dma_semaphore, #tpu.memory_space<semaphore_mem>>)
      } else {
      }
      %add3A_262 = arith.constant 5 : i32
      %add3A_263 = arith.addi %mul3A_150, %add3A_262 : i32
      %add3A_264 = arith.constant 4 : i32
      %add3A_265 = arith.addi %add3A_263, %add3A_264 : i32
      %lt3A_266 = arith.cmpi slt, %add3A_265, %select_n3A_10 : i32
      %convert_element_type3A_267 = arith.extui %lt3A_266 : i1 to i32
      %cond3A_268 = arith.constant 0 : i32
      %cond3A_269 = arith.cmpi ne, %convert_element_type3A_267, %cond3A_268 : i32
      scf.if %cond3A_269 {
        %dma_wait3A_270 = arith.constant 0 : i32
        %dma_wait3A_271 = tpu.memref_slice %arg13[%add3A_265, %dma_wait3A_270] : memref<80x128xi32, #tpu.memory_space<vmem>> -> memref<1x128xi32, #tpu.memory_space<vmem>>
        %dma_wait3A_272 = tpu.memref_squeeze %dma_wait3A_271 : memref<1x128xi32, #tpu.memory_space<vmem>> -> memref<128xi32, #tpu.memory_space<vmem>>
        %dma_wait3A_273 = arith.constant 0 : i32
        %dma_wait3A_274 = arith.constant 0 : i32
        %dma_wait3A_275 = tpu.memref_slice %arg31[%dma_wait3A_273, %dma_wait3A_274] : memref<10240x64xf32, #tpu.memory_space<vmem_shared>> -> memref<10240x64xf32, #tpu.memory_space<vmem_shared>>
        tpu.wait_indirect_dma semaphore(%arg28 : memref<!tpu.dma_semaphore, #tpu.memory_space<semaphore_mem>>) src(%arg18 : memref<128x64xf32, #tpu.memory_space<vmem>>) dst(%dma_wait3A_275 : memref<10240x64xf32, #tpu.memory_space<vmem_shared>>)
        %dma_start3A_276 = arith.constant 0 : i32
        %dma_start3A_277 = tpu.memref_slice %arg12[%add3A_265, %dma_start3A_276] : memref<80x128xi32, #tpu.memory_space<vmem>> -> memref<1x128xi32, #tpu.memory_space<vmem>>
        %dma_start3A_278 = tpu.memref_squeeze %dma_start3A_277 : memref<1x128xi32, #tpu.memory_space<vmem>> -> memref<128xi32, #tpu.memory_space<vmem>>
        %dma_start3A_279 = arith.constant 0 : i32
        %dma_start3A_280 = arith.constant 0 : i32
        %dma_start3A_281 = tpu.memref_slice %arg2[%dma_start3A_279, %dma_start3A_280] : memref<10240x64xf32, #tpu.memory_space<hbm>> -> memref<10240x64xf32, #tpu.memory_space<hbm>>
        tpu.enqueue_indirect_dma source(%dma_start3A_281 : memref<10240x64xf32, #tpu.memory_space<hbm>>) target(%arg18 : memref<128x64xf32, #tpu.memory_space<vmem>>) offsets(%dma_start3A_278 : memref<128xi32, #tpu.memory_space<vmem>>) semaphore(%arg23 : memref<!tpu.dma_semaphore, #tpu.memory_space<semaphore_mem>>)
      } else {
      }
    }
    %dma_wait3A = arith.constant 0 : i32
    %dma_wait3A_86 = arith.constant 0 : i32
    %dma_wait3A_87 = tpu.memref_slice %arg13[%dma_wait3A, %dma_wait3A_86] : memref<80x128xi32, #tpu.memory_space<vmem>> -> memref<1x128xi32, #tpu.memory_space<vmem>>
    %dma_wait3A_88 = tpu.memref_squeeze %dma_wait3A_87 : memref<1x128xi32, #tpu.memory_space<vmem>> -> memref<128xi32, #tpu.memory_space<vmem>>
    %dma_wait3A_89 = arith.constant 0 : i32
    %dma_wait3A_90 = arith.constant 0 : i32
    %dma_wait3A_91 = tpu.memref_slice %arg31[%dma_wait3A_89, %dma_wait3A_90] : memref<10240x64xf32, #tpu.memory_space<vmem_shared>> -> memref<10240x64xf32, #tpu.memory_space<vmem_shared>>
    tpu.wait_indirect_dma semaphore(%arg24 : memref<!tpu.dma_semaphore, #tpu.memory_space<semaphore_mem>>) src(%arg14 : memref<128x64xf32, #tpu.memory_space<vmem>>) dst(%dma_wait3A_91 : memref<10240x64xf32, #tpu.memory_space<vmem_shared>>)
    %dma_wait3A_92 = arith.constant 1 : i32
    %dma_wait3A_93 = arith.constant 0 : i32
    %dma_wait3A_94 = tpu.memref_slice %arg13[%dma_wait3A_92, %dma_wait3A_93] : memref<80x128xi32, #tpu.memory_space<vmem>> -> memref<1x128xi32, #tpu.memory_space<vmem>>
    %dma_wait3A_95 = tpu.memref_squeeze %dma_wait3A_94 : memref<1x128xi32, #tpu.memory_space<vmem>> -> memref<128xi32, #tpu.memory_space<vmem>>
    %dma_wait3A_96 = arith.constant 0 : i32
    %dma_wait3A_97 = arith.constant 0 : i32
    %dma_wait3A_98 = tpu.memref_slice %arg31[%dma_wait3A_96, %dma_wait3A_97] : memref<10240x64xf32, #tpu.memory_space<vmem_shared>> -> memref<10240x64xf32, #tpu.memory_space<vmem_shared>>
    tpu.wait_indirect_dma semaphore(%arg25 : memref<!tpu.dma_semaphore, #tpu.memory_space<semaphore_mem>>) src(%arg15 : memref<128x64xf32, #tpu.memory_space<vmem>>) dst(%dma_wait3A_98 : memref<10240x64xf32, #tpu.memory_space<vmem_shared>>)
    %dma_wait3A_99 = arith.constant 2 : i32
    %dma_wait3A_100 = arith.constant 0 : i32
    %dma_wait3A_101 = tpu.memref_slice %arg13[%dma_wait3A_99, %dma_wait3A_100] : memref<80x128xi32, #tpu.memory_space<vmem>> -> memref<1x128xi32, #tpu.memory_space<vmem>>
    %dma_wait3A_102 = tpu.memref_squeeze %dma_wait3A_101 : memref<1x128xi32, #tpu.memory_space<vmem>> -> memref<128xi32, #tpu.memory_space<vmem>>
    %dma_wait3A_103 = arith.constant 0 : i32
    %dma_wait3A_104 = arith.constant 0 : i32
    %dma_wait3A_105 = tpu.memref_slice %arg31[%dma_wait3A_103, %dma_wait3A_104] : memref<10240x64xf32, #tpu.memory_space<vmem_shared>> -> memref<10240x64xf32, #tpu.memory_space<vmem_shared>>
    tpu.wait_indirect_dma semaphore(%arg26 : memref<!tpu.dma_semaphore, #tpu.memory_space<semaphore_mem>>) src(%arg16 : memref<128x64xf32, #tpu.memory_space<vmem>>) dst(%dma_wait3A_105 : memref<10240x64xf32, #tpu.memory_space<vmem_shared>>)
    %dma_wait3A_106 = arith.constant 3 : i32
    %dma_wait3A_107 = arith.constant 0 : i32
    %dma_wait3A_108 = tpu.memref_slice %arg13[%dma_wait3A_106, %dma_wait3A_107] : memref<80x128xi32, #tpu.memory_space<vmem>> -> memref<1x128xi32, #tpu.memory_space<vmem>>
    %dma_wait3A_109 = tpu.memref_squeeze %dma_wait3A_108 : memref<1x128xi32, #tpu.memory_space<vmem>> -> memref<128xi32, #tpu.memory_space<vmem>>
    %dma_wait3A_110 = arith.constant 0 : i32
    %dma_wait3A_111 = arith.constant 0 : i32
    %dma_wait3A_112 = tpu.memref_slice %arg31[%dma_wait3A_110, %dma_wait3A_111] : memref<10240x64xf32, #tpu.memory_space<vmem_shared>> -> memref<10240x64xf32, #tpu.memory_space<vmem_shared>>
    tpu.wait_indirect_dma semaphore(%arg27 : memref<!tpu.dma_semaphore, #tpu.memory_space<semaphore_mem>>) src(%arg17 : memref<128x64xf32, #tpu.memory_space<vmem>>) dst(%dma_wait3A_112 : memref<10240x64xf32, #tpu.memory_space<vmem_shared>>)
    %dma_wait3A_113 = arith.constant 4 : i32
    %dma_wait3A_114 = arith.constant 0 : i32
    %dma_wait3A_115 = tpu.memref_slice %arg13[%dma_wait3A_113, %dma_wait3A_114] : memref<80x128xi32, #tpu.memory_space<vmem>> -> memref<1x128xi32, #tpu.memory_space<vmem>>
    %dma_wait3A_116 = tpu.memref_squeeze %dma_wait3A_115 : memref<1x128xi32, #tpu.memory_space<vmem>> -> memref<128xi32, #tpu.memory_space<vmem>>
    %dma_wait3A_117 = arith.constant 0 : i32
    %dma_wait3A_118 = arith.constant 0 : i32
    %dma_wait3A_119 = tpu.memref_slice %arg31[%dma_wait3A_117, %dma_wait3A_118] : memref<10240x64xf32, #tpu.memory_space<vmem_shared>> -> memref<10240x64xf32, #tpu.memory_space<vmem_shared>>
    tpu.wait_indirect_dma semaphore(%arg28 : memref<!tpu.dma_semaphore, #tpu.memory_space<semaphore_mem>>) src(%arg18 : memref<128x64xf32, #tpu.memory_space<vmem>>) dst(%dma_wait3A_119 : memref<10240x64xf32, #tpu.memory_space<vmem_shared>>)
    %barrier3A_120 = arith.constant 0 : index
    tpu.barrier barrier_id(%barrier3A_120)
    "tpu.region"() ({
      %run_scoped3A = tpu.sem_alloc : memref<!tpu.dma_semaphore, #tpu.memory_space<semaphore_mem>>
      %dma_start3A_148 = arith.constant 0 : i32
      %dma_start3A_149 = arith.constant 0 : i32
      %dma_start3A_150 = tpu.memref_slice %arg8[%arg0, %dma_start3A_148, %dma_start3A_149] : memref<2x10240x64xf32, #tpu.memory_space<hbm>> -> memref<1x10240x64xf32, #tpu.memory_space<hbm>>
      %dma_start3A_151 = tpu.memref_squeeze %dma_start3A_150 : memref<1x10240x64xf32, #tpu.memory_space<hbm>> -> memref<10240x64xf32, #tpu.memory_space<hbm>>
      %dma_start3A_152 = arith.constant 0 : i32
      %dma_start3A_153 = tpu.memref_slice %dma_start3A_151[%mul3A_25, %dma_start3A_152] : memref<10240x64xf32, #tpu.memory_space<hbm>> -> memref<640x64xf32, #tpu.memory_space<hbm>>
      %dma_start3A_154 = arith.constant 0 : i32
      %dma_start3A_155 = tpu.memref_slice %arg31[%mul3A_25, %dma_start3A_154] : memref<10240x64xf32, #tpu.memory_space<vmem_shared>> -> memref<640x64xf32, #tpu.memory_space<vmem_shared>>
      tpu.enqueue_dma source(%dma_start3A_155 : memref<640x64xf32, #tpu.memory_space<vmem_shared>>) target(%dma_start3A_153 : memref<640x64xf32, #tpu.memory_space<hbm>>) target_semaphore(%run_scoped3A : memref<!tpu.dma_semaphore, #tpu.memory_space<semaphore_mem>>)
      %dma_wait3A_156 = arith.constant 0 : i32
      %dma_wait3A_157 = arith.constant 0 : i32
      %dma_wait3A_158 = tpu.memref_slice %arg8[%arg0, %dma_wait3A_156, %dma_wait3A_157] : memref<2x10240x64xf32, #tpu.memory_space<hbm>> -> memref<1x10240x64xf32, #tpu.memory_space<hbm>>
      %dma_wait3A_159 = tpu.memref_squeeze %dma_wait3A_158 : memref<1x10240x64xf32, #tpu.memory_space<hbm>> -> memref<10240x64xf32, #tpu.memory_space<hbm>>
      %dma_wait3A_160 = arith.constant 0 : i32
      %dma_wait3A_161 = tpu.memref_slice %dma_wait3A_159[%mul3A_25, %dma_wait3A_160] : memref<10240x64xf32, #tpu.memory_space<hbm>> -> memref<640x64xf32, #tpu.memory_space<hbm>>
      %dma_wait3A_162 = arith.constant 0 : i32
      %dma_wait3A_163 = tpu.memref_slice %arg31[%mul3A_25, %dma_wait3A_162] : memref<10240x64xf32, #tpu.memory_space<vmem_shared>> -> memref<640x64xf32, #tpu.memory_space<vmem_shared>>
      tpu.wait_dma2 semaphore(%run_scoped3A : memref<!tpu.dma_semaphore, #tpu.memory_space<semaphore_mem>>) src(%dma_wait3A_163 : memref<640x64xf32, #tpu.memory_space<vmem_shared>>) dst(%dma_wait3A_161 : memref<640x64xf32, #tpu.memory_space<hbm>>)
      tpu.yield
    }) : () -> ()
    %mul3A_121 = arith.constant 128 : i32
    %mul3A_122 = arith.muli %arg1, %mul3A_121 : i32
    "tpu.region"() ({
      %run_scoped3A = tpu.sem_alloc : memref<!tpu.dma_semaphore, #tpu.memory_space<semaphore_mem>>
      %dma_start3A_148 = tpu.memref_slice %arg7[%mul3A_122] : memref<2048xi32, #tpu.memory_space<hbm>> -> memref<128xi32, #tpu.memory_space<hbm>>
      %dma_start3A_149 = tpu.memref_slice %arg7[%mul3A_122] : memref<2048xi32, #tpu.memory_space<hbm>> -> memref<128xi32, #tpu.memory_space<hbm>>
      tpu.enqueue_dma source(%dma_start3A_149 : memref<128xi32, #tpu.memory_space<hbm>>) target(%arg29 : memref<128xi32, #tpu.memory_space<vmem>>) target_semaphore(%run_scoped3A : memref<!tpu.dma_semaphore, #tpu.memory_space<semaphore_mem>>)
      %dma_wait3A_150 = tpu.memref_slice %arg7[%mul3A_122] : memref<2048xi32, #tpu.memory_space<hbm>> -> memref<128xi32, #tpu.memory_space<hbm>>
      %dma_wait3A_151 = tpu.memref_slice %arg7[%mul3A_122] : memref<2048xi32, #tpu.memory_space<hbm>> -> memref<128xi32, #tpu.memory_space<hbm>>
      tpu.wait_dma2 semaphore(%run_scoped3A : memref<!tpu.dma_semaphore, #tpu.memory_space<semaphore_mem>>) src(%dma_wait3A_151 : memref<128xi32, #tpu.memory_space<hbm>>) dst(%arg29 : memref<128xi32, #tpu.memory_space<vmem>>)
      tpu.yield
    }) : () -> ()
    %eq3A_123 = arith.constant 0 : i32
    %eq3A_124 = arith.cmpi eq, %arg0, %eq3A_123 : i32
    %convert_element_type3A_125 = arith.extui %eq3A_124 : i1 to i32
    %cond3A_126 = arith.constant 0 : i32
    %cond3A_127 = arith.cmpi ne, %convert_element_type3A_125, %cond3A_126 : i32
    scf.if %cond3A_127 {
      %dma_start3A_148 = arith.constant 0 : i32
      %dma_start3A_149 = arith.constant 0 : i32
      %dma_start3A_150 = tpu.memref_slice %arg2[%dma_start3A_148, %dma_start3A_149] : memref<10240x64xf32, #tpu.memory_space<hbm>> -> memref<10240x64xf32, #tpu.memory_space<hbm>>
      tpu.enqueue_indirect_dma source(%dma_start3A_150 : memref<10240x64xf32, #tpu.memory_space<hbm>>) target(%arg30 : memref<128x64xf32, #tpu.memory_space<vmem>>) offsets(%arg29 : memref<128xi32, #tpu.memory_space<vmem>>) semaphore(%arg19 : memref<!tpu.dma_semaphore, #tpu.memory_space<semaphore_mem>>)
      %dma_wait3A_151 = arith.constant 0 : i32
      %dma_wait3A_152 = arith.constant 0 : i32
      %dma_wait3A_153 = tpu.memref_slice %arg2[%dma_wait3A_151, %dma_wait3A_152] : memref<10240x64xf32, #tpu.memory_space<hbm>> -> memref<10240x64xf32, #tpu.memory_space<hbm>>
      tpu.wait_indirect_dma semaphore(%arg19 : memref<!tpu.dma_semaphore, #tpu.memory_space<semaphore_mem>>) src(%dma_wait3A_153 : memref<10240x64xf32, #tpu.memory_space<hbm>>) dst(%arg30 : memref<128x64xf32, #tpu.memory_space<vmem>>)
      "tpu.region"() ({
        %run_scoped3A = tpu.sem_alloc : memref<!tpu.dma_semaphore, #tpu.memory_space<semaphore_mem>>
        %dma_start3A_154 = arith.constant 0 : i32
        %dma_start3A_155 = tpu.memref_slice %arg10[%mul3A_122, %dma_start3A_154] : memref<2048x64xf32, #tpu.memory_space<hbm>> -> memref<128x64xf32, #tpu.memory_space<hbm>>
        %dma_start3A_156 = arith.constant 0 : i32
        %dma_start3A_157 = tpu.memref_slice %arg10[%mul3A_122, %dma_start3A_156] : memref<2048x64xf32, #tpu.memory_space<hbm>> -> memref<128x64xf32, #tpu.memory_space<hbm>>
        tpu.enqueue_dma source(%arg30 : memref<128x64xf32, #tpu.memory_space<vmem>>) target(%dma_start3A_157 : memref<128x64xf32, #tpu.memory_space<hbm>>) target_semaphore(%run_scoped3A : memref<!tpu.dma_semaphore, #tpu.memory_space<semaphore_mem>>)
        %dma_wait3A_158 = arith.constant 0 : i32
        %dma_wait3A_159 = tpu.memref_slice %arg10[%mul3A_122, %dma_wait3A_158] : memref<2048x64xf32, #tpu.memory_space<hbm>> -> memref<128x64xf32, #tpu.memory_space<hbm>>
        %dma_wait3A_160 = arith.constant 0 : i32
        %dma_wait3A_161 = tpu.memref_slice %arg10[%mul3A_122, %dma_wait3A_160] : memref<2048x64xf32, #tpu.memory_space<hbm>> -> memref<128x64xf32, #tpu.memory_space<hbm>>
        tpu.wait_dma2 semaphore(%run_scoped3A : memref<!tpu.dma_semaphore, #tpu.memory_space<semaphore_mem>>) src(%arg30 : memref<128x64xf32, #tpu.memory_space<vmem>>) dst(%dma_wait3A_161 : memref<128x64xf32, #tpu.memory_space<hbm>>)
        tpu.yield
      }) : () -> ()
    } else {
    }
    %eq3A_128 = arith.constant 1 : i32
    %eq3A_129 = arith.cmpi eq, %arg0, %eq3A_128 : i32
    %convert_element_type3A_130 = arith.extui %eq3A_129 : i1 to i32
    %cond3A_131 = arith.constant 0 : i32
    %cond3A_132 = arith.cmpi ne, %convert_element_type3A_130, %cond3A_131 : i32
    scf.if %cond3A_132 {
      %dma_start3A_148 = arith.constant 0 : i32
      %dma_start3A_149 = arith.constant 0 : i32
      %dma_start3A_150 = tpu.memref_slice %arg6[%dma_start3A_148, %dma_start3A_149] : memref<10240x64xf32, #tpu.memory_space<hbm>> -> memref<10240x64xf32, #tpu.memory_space<hbm>>
      tpu.enqueue_indirect_dma source(%dma_start3A_150 : memref<10240x64xf32, #tpu.memory_space<hbm>>) target(%arg30 : memref<128x64xf32, #tpu.memory_space<vmem>>) offsets(%arg29 : memref<128xi32, #tpu.memory_space<vmem>>) semaphore(%arg19 : memref<!tpu.dma_semaphore, #tpu.memory_space<semaphore_mem>>)
      %dma_wait3A_151 = arith.constant 0 : i32
      %dma_wait3A_152 = arith.constant 0 : i32
      %dma_wait3A_153 = tpu.memref_slice %arg6[%dma_wait3A_151, %dma_wait3A_152] : memref<10240x64xf32, #tpu.memory_space<hbm>> -> memref<10240x64xf32, #tpu.memory_space<hbm>>
      tpu.wait_indirect_dma semaphore(%arg19 : memref<!tpu.dma_semaphore, #tpu.memory_space<semaphore_mem>>) src(%dma_wait3A_153 : memref<10240x64xf32, #tpu.memory_space<hbm>>) dst(%arg30 : memref<128x64xf32, #tpu.memory_space<vmem>>)
      "tpu.region"() ({
        %run_scoped3A = tpu.sem_alloc : memref<!tpu.dma_semaphore, #tpu.memory_space<semaphore_mem>>
        %dma_start3A_154 = arith.constant 0 : i32
        %dma_start3A_155 = tpu.memref_slice %arg11[%mul3A_122, %dma_start3A_154] : memref<2048x64xf32, #tpu.memory_space<hbm>> -> memref<128x64xf32, #tpu.memory_space<hbm>>
        %dma_start3A_156 = arith.constant 0 : i32
        %dma_start3A_157 = tpu.memref_slice %arg11[%mul3A_122, %dma_start3A_156] : memref<2048x64xf32, #tpu.memory_space<hbm>> -> memref<128x64xf32, #tpu.memory_space<hbm>>
        tpu.enqueue_dma source(%arg30 : memref<128x64xf32, #tpu.memory_space<vmem>>) target(%dma_start3A_157 : memref<128x64xf32, #tpu.memory_space<hbm>>) target_semaphore(%run_scoped3A : memref<!tpu.dma_semaphore, #tpu.memory_space<semaphore_mem>>)
        %dma_wait3A_158 = arith.constant 0 : i32
        %dma_wait3A_159 = tpu.memref_slice %arg11[%mul3A_122, %dma_wait3A_158] : memref<2048x64xf32, #tpu.memory_space<hbm>> -> memref<128x64xf32, #tpu.memory_space<hbm>>
        %dma_wait3A_160 = arith.constant 0 : i32
        %dma_wait3A_161 = tpu.memref_slice %arg11[%mul3A_122, %dma_wait3A_160] : memref<2048x64xf32, #tpu.memory_space<hbm>> -> memref<128x64xf32, #tpu.memory_space<hbm>>
        tpu.wait_dma2 semaphore(%run_scoped3A : memref<!tpu.dma_semaphore, #tpu.memory_space<semaphore_mem>>) src(%arg30 : memref<128x64xf32, #tpu.memory_space<vmem>>) dst(%dma_wait3A_161 : memref<128x64xf32, #tpu.memory_space<hbm>>)
        tpu.yield
      }) : () -> ()
    } else {
    }
    %barrier3A_133 = arith.constant 0 : index
    tpu.barrier barrier_id(%barrier3A_133)
    %dma_start3A_134 = arith.constant 0 : i32
    %dma_start3A_135 = arith.constant 0 : i32
    %dma_start3A_136 = tpu.memref_slice %arg8[%arg0, %dma_start3A_134, %dma_start3A_135] : memref<2x10240x64xf32, #tpu.memory_space<hbm>> -> memref<1x10240x64xf32, #tpu.memory_space<hbm>>
    %dma_start3A_137 = tpu.memref_squeeze %dma_start3A_136 : memref<1x10240x64xf32, #tpu.memory_space<hbm>> -> memref<10240x64xf32, #tpu.memory_space<hbm>>
    %dma_start3A_138 = arith.constant 0 : i32
    %dma_start3A_139 = arith.constant 0 : i32
    %dma_start3A_140 = tpu.memref_slice %dma_start3A_137[%dma_start3A_138, %dma_start3A_139] : memref<10240x64xf32, #tpu.memory_space<hbm>> -> memref<10240x64xf32, #tpu.memory_space<hbm>>
    tpu.enqueue_indirect_dma source(%dma_start3A_140 : memref<10240x64xf32, #tpu.memory_space<hbm>>) target(%arg30 : memref<128x64xf32, #tpu.memory_space<vmem>>) offsets(%arg29 : memref<128xi32, #tpu.memory_space<vmem>>) semaphore(%arg20 : memref<!tpu.dma_semaphore, #tpu.memory_space<semaphore_mem>>)
    %dma_wait3A_141 = arith.constant 0 : i32
    %dma_wait3A_142 = arith.constant 0 : i32
    %dma_wait3A_143 = tpu.memref_slice %arg8[%arg0, %dma_wait3A_141, %dma_wait3A_142] : memref<2x10240x64xf32, #tpu.memory_space<hbm>> -> memref<1x10240x64xf32, #tpu.memory_space<hbm>>
    %dma_wait3A_144 = tpu.memref_squeeze %dma_wait3A_143 : memref<1x10240x64xf32, #tpu.memory_space<hbm>> -> memref<10240x64xf32, #tpu.memory_space<hbm>>
    %dma_wait3A_145 = arith.constant 0 : i32
    %dma_wait3A_146 = arith.constant 0 : i32
    %dma_wait3A_147 = tpu.memref_slice %dma_wait3A_144[%dma_wait3A_145, %dma_wait3A_146] : memref<10240x64xf32, #tpu.memory_space<hbm>> -> memref<10240x64xf32, #tpu.memory_space<hbm>>
    tpu.wait_indirect_dma semaphore(%arg20 : memref<!tpu.dma_semaphore, #tpu.memory_space<semaphore_mem>>) src(%dma_wait3A_147 : memref<10240x64xf32, #tpu.memory_space<hbm>>) dst(%arg30 : memref<128x64xf32, #tpu.memory_space<vmem>>)
    "tpu.region"() ({
      %run_scoped3A = tpu.sem_alloc : memref<!tpu.dma_semaphore, #tpu.memory_space<semaphore_mem>>
      %dma_start3A_148 = arith.constant 0 : i32
      %dma_start3A_149 = arith.constant 0 : i32
      %dma_start3A_150 = tpu.memref_slice %arg9[%arg0, %dma_start3A_148, %dma_start3A_149] : memref<2x2048x64xf32, #tpu.memory_space<hbm>> -> memref<1x2048x64xf32, #tpu.memory_space<hbm>>
      %dma_start3A_151 = tpu.memref_squeeze %dma_start3A_150 : memref<1x2048x64xf32, #tpu.memory_space<hbm>> -> memref<2048x64xf32, #tpu.memory_space<hbm>>
      %dma_start3A_152 = arith.constant 0 : i32
      %dma_start3A_153 = tpu.memref_slice %dma_start3A_151[%mul3A_122, %dma_start3A_152] : memref<2048x64xf32, #tpu.memory_space<hbm>> -> memref<128x64xf32, #tpu.memory_space<hbm>>
      %dma_start3A_154 = arith.constant 0 : i32
      %dma_start3A_155 = arith.constant 0 : i32
      %dma_start3A_156 = tpu.memref_slice %arg9[%arg0, %dma_start3A_154, %dma_start3A_155] : memref<2x2048x64xf32, #tpu.memory_space<hbm>> -> memref<1x2048x64xf32, #tpu.memory_space<hbm>>
      %dma_start3A_157 = tpu.memref_squeeze %dma_start3A_156 : memref<1x2048x64xf32, #tpu.memory_space<hbm>> -> memref<2048x64xf32, #tpu.memory_space<hbm>>
      %dma_start3A_158 = arith.constant 0 : i32
      %dma_start3A_159 = tpu.memref_slice %dma_start3A_157[%mul3A_122, %dma_start3A_158] : memref<2048x64xf32, #tpu.memory_space<hbm>> -> memref<128x64xf32, #tpu.memory_space<hbm>>
      tpu.enqueue_dma source(%arg30 : memref<128x64xf32, #tpu.memory_space<vmem>>) target(%dma_start3A_159 : memref<128x64xf32, #tpu.memory_space<hbm>>) target_semaphore(%run_scoped3A : memref<!tpu.dma_semaphore, #tpu.memory_space<semaphore_mem>>)
      %dma_wait3A_160 = arith.constant 0 : i32
      %dma_wait3A_161 = arith.constant 0 : i32
      %dma_wait3A_162 = tpu.memref_slice %arg9[%arg0, %dma_wait3A_160, %dma_wait3A_161] : memref<2x2048x64xf32, #tpu.memory_space<hbm>> -> memref<1x2048x64xf32, #tpu.memory_space<hbm>>
      %dma_wait3A_163 = tpu.memref_squeeze %dma_wait3A_162 : memref<1x2048x64xf32, #tpu.memory_space<hbm>> -> memref<2048x64xf32, #tpu.memory_space<hbm>>
      %dma_wait3A_164 = arith.constant 0 : i32
      %dma_wait3A_165 = tpu.memref_slice %dma_wait3A_163[%mul3A_122, %dma_wait3A_164] : memref<2048x64xf32, #tpu.memory_space<hbm>> -> memref<128x64xf32, #tpu.memory_space<hbm>>
      %dma_wait3A_166 = arith.constant 0 : i32
      %dma_wait3A_167 = arith.constant 0 : i32
      %dma_wait3A_168 = tpu.memref_slice %arg9[%arg0, %dma_wait3A_166, %dma_wait3A_167] : memref<2x2048x64xf32, #tpu.memory_space<hbm>> -> memref<1x2048x64xf32, #tpu.memory_space<hbm>>
      %dma_wait3A_169 = tpu.memref_squeeze %dma_wait3A_168 : memref<1x2048x64xf32, #tpu.memory_space<hbm>> -> memref<2048x64xf32, #tpu.memory_space<hbm>>
      %dma_wait3A_170 = arith.constant 0 : i32
      %dma_wait3A_171 = tpu.memref_slice %dma_wait3A_169[%mul3A_122, %dma_wait3A_170] : memref<2048x64xf32, #tpu.memory_space<hbm>> -> memref<128x64xf32, #tpu.memory_space<hbm>>
      tpu.wait_dma2 semaphore(%run_scoped3A : memref<!tpu.dma_semaphore, #tpu.memory_space<semaphore_mem>>) src(%arg30 : memref<128x64xf32, #tpu.memory_space<vmem>>) dst(%dma_wait3A_171 : memref<128x64xf32, #tpu.memory_space<hbm>>)
      tpu.yield
    }) : () -> ()
    return
  }
}

#map = affine_map<(d0, d1) -> (0, 0)>
module attributes {stable_mosaic.version = 14 : i64} {
  func.func @_dis_kernel(%arg0: i32, %arg1: i32, %arg2: memref<2500x128xi32, #tpu.memory_space<hbm>>, %arg3: memref<128x16xf32, #tpu.memory_space<hbm>>, %arg4: memref<640x16xf32, #tpu.memory_space<hbm>>, %arg5: memref<10240x64xf32, #tpu.memory_space<hbm>>, %arg6: memref<160x128xi32, #tpu.memory_space<vmem>>, %arg7: memref<128x16xf32, #tpu.memory_space<vmem>>, %arg8: memref<320x16xf32, #tpu.memory_space<vmem>>, %arg9: memref<320x64xf32, #tpu.memory_space<vmem>>, %arg10: memref<10240x16xf32, #tpu.memory_space<vmem_shared>>, %arg11: memref<!tpu.dma_semaphore, #tpu.memory_space<semaphore_mem>>) attributes {dimension_semantics = [#tpu.dimension_semantics<core_parallel>, #tpu.dimension_semantics<subcore_parallel>], iteration_bounds = array<i64: 2, 16>, scalar_prefetch = 0 : i64, scratch_operands = 6 : i64, tpu.core_type = #tpu.core_type<sc_vector_subcore>, window_params = [{transform_indices = #map}, {transform_indices = #map}, {transform_indices = #map}, {transform_indices = #map}]} {
    "tpu.region"() ({
      %run_scoped3A = tpu.sem_alloc : memref<!tpu.dma_semaphore, #tpu.memory_space<semaphore_mem>>
      tpu.enqueue_dma source(%arg3 : memref<128x16xf32, #tpu.memory_space<hbm>>) target(%arg7 : memref<128x16xf32, #tpu.memory_space<vmem>>) target_semaphore(%run_scoped3A : memref<!tpu.dma_semaphore, #tpu.memory_space<semaphore_mem>>)
      tpu.wait_dma2 semaphore(%run_scoped3A : memref<!tpu.dma_semaphore, #tpu.memory_space<semaphore_mem>>) src(%arg3 : memref<128x16xf32, #tpu.memory_space<hbm>>) dst(%arg7 : memref<128x16xf32, #tpu.memory_space<vmem>>)
      tpu.yield
    }) : () -> ()
    %mul3A = arith.constant 160 : i32
    %mul3A_0 = arith.muli %arg1, %mul3A : i32
    %eq3A = arith.constant 15 : i32
    %eq3A_1 = arith.cmpi eq, %arg1, %eq3A : i32
    %not3A = arith.constant true
    %not3A_2 = arith.xori %eq3A_1, %not3A : i1
    %convert_element_type3A = arith.extui %not3A_2 : i1 to i32
    %cond3A = arith.constant 0 : i32
    %cond3A_3 = arith.cmpi ne, %convert_element_type3A, %cond3A : i32
    scf.if %cond3A_3 {
      "tpu.region"() ({
        %run_scoped3A = tpu.sem_alloc : memref<!tpu.dma_semaphore, #tpu.memory_space<semaphore_mem>>
        %dma_start3A_141 = arith.constant 0 : i32
        %dma_start3A_142 = tpu.memref_slice %arg2[%mul3A_0, %dma_start3A_141] : memref<2500x128xi32, #tpu.memory_space<hbm>> -> memref<160x128xi32, #tpu.memory_space<hbm>>
        %dma_start3A_143 = arith.constant 0 : i32
        %dma_start3A_144 = tpu.memref_slice %arg2[%mul3A_0, %dma_start3A_143] : memref<2500x128xi32, #tpu.memory_space<hbm>> -> memref<160x128xi32, #tpu.memory_space<hbm>>
        tpu.enqueue_dma source(%dma_start3A_144 : memref<160x128xi32, #tpu.memory_space<hbm>>) target(%arg6 : memref<160x128xi32, #tpu.memory_space<vmem>>) target_semaphore(%run_scoped3A : memref<!tpu.dma_semaphore, #tpu.memory_space<semaphore_mem>>)
        %dma_wait3A_145 = arith.constant 0 : i32
        %dma_wait3A_146 = tpu.memref_slice %arg2[%mul3A_0, %dma_wait3A_145] : memref<2500x128xi32, #tpu.memory_space<hbm>> -> memref<160x128xi32, #tpu.memory_space<hbm>>
        %dma_wait3A_147 = arith.constant 0 : i32
        %dma_wait3A_148 = tpu.memref_slice %arg2[%mul3A_0, %dma_wait3A_147] : memref<2500x128xi32, #tpu.memory_space<hbm>> -> memref<160x128xi32, #tpu.memory_space<hbm>>
        tpu.wait_dma2 semaphore(%run_scoped3A : memref<!tpu.dma_semaphore, #tpu.memory_space<semaphore_mem>>) src(%dma_wait3A_148 : memref<160x128xi32, #tpu.memory_space<hbm>>) dst(%arg6 : memref<160x128xi32, #tpu.memory_space<vmem>>)
        tpu.yield
      }) : () -> ()
    } else {
    }
    %convert_element_type3A_4 = arith.extui %eq3A_1 : i1 to i32
    %cond3A_5 = arith.constant 0 : i32
    %cond3A_6 = arith.cmpi ne, %convert_element_type3A_4, %cond3A_5 : i32
    scf.if %cond3A_6 {
      "tpu.region"() ({
        %run_scoped3A = tpu.sem_alloc : memref<!tpu.dma_semaphore, #tpu.memory_space<semaphore_mem>>
        %dma_start3A_141 = arith.constant 0 : i32
        %dma_start3A_142 = arith.constant 0 : i32
        %dma_start3A_143 = tpu.memref_slice %arg6[%dma_start3A_141, %dma_start3A_142] : memref<160x128xi32, #tpu.memory_space<vmem>> -> memref<100x128xi32, #tpu.memory_space<vmem>>
        %dma_start3A_144 = arith.constant 2400 : i32
        %dma_start3A_145 = arith.constant 0 : i32
        %dma_start3A_146 = tpu.memref_slice %arg2[%dma_start3A_144, %dma_start3A_145] : memref<2500x128xi32, #tpu.memory_space<hbm>> -> memref<100x128xi32, #tpu.memory_space<hbm>>
        %dma_start3A_147 = arith.constant 0 : i32
        %dma_start3A_148 = arith.constant 0 : i32
        %dma_start3A_149 = tpu.memref_slice %arg6[%dma_start3A_147, %dma_start3A_148] : memref<160x128xi32, #tpu.memory_space<vmem>> -> memref<100x128xi32, #tpu.memory_space<vmem>>
        %dma_start3A_150 = arith.constant 2400 : i32
        %dma_start3A_151 = arith.constant 0 : i32
        %dma_start3A_152 = tpu.memref_slice %arg2[%dma_start3A_150, %dma_start3A_151] : memref<2500x128xi32, #tpu.memory_space<hbm>> -> memref<100x128xi32, #tpu.memory_space<hbm>>
        tpu.enqueue_dma source(%dma_start3A_152 : memref<100x128xi32, #tpu.memory_space<hbm>>) target(%dma_start3A_149 : memref<100x128xi32, #tpu.memory_space<vmem>>) target_semaphore(%run_scoped3A : memref<!tpu.dma_semaphore, #tpu.memory_space<semaphore_mem>>)
        %dma_wait3A_153 = arith.constant 0 : i32
        %dma_wait3A_154 = arith.constant 0 : i32
        %dma_wait3A_155 = tpu.memref_slice %arg6[%dma_wait3A_153, %dma_wait3A_154] : memref<160x128xi32, #tpu.memory_space<vmem>> -> memref<100x128xi32, #tpu.memory_space<vmem>>
        %dma_wait3A_156 = arith.constant 2400 : i32
        %dma_wait3A_157 = arith.constant 0 : i32
        %dma_wait3A_158 = tpu.memref_slice %arg2[%dma_wait3A_156, %dma_wait3A_157] : memref<2500x128xi32, #tpu.memory_space<hbm>> -> memref<100x128xi32, #tpu.memory_space<hbm>>
        %dma_wait3A_159 = arith.constant 0 : i32
        %dma_wait3A_160 = arith.constant 0 : i32
        %dma_wait3A_161 = tpu.memref_slice %arg6[%dma_wait3A_159, %dma_wait3A_160] : memref<160x128xi32, #tpu.memory_space<vmem>> -> memref<100x128xi32, #tpu.memory_space<vmem>>
        %dma_wait3A_162 = arith.constant 2400 : i32
        %dma_wait3A_163 = arith.constant 0 : i32
        %dma_wait3A_164 = tpu.memref_slice %arg2[%dma_wait3A_162, %dma_wait3A_163] : memref<2500x128xi32, #tpu.memory_space<hbm>> -> memref<100x128xi32, #tpu.memory_space<hbm>>
        tpu.wait_dma2 semaphore(%run_scoped3A : memref<!tpu.dma_semaphore, #tpu.memory_space<semaphore_mem>>) src(%dma_wait3A_164 : memref<100x128xi32, #tpu.memory_space<hbm>>) dst(%dma_wait3A_161 : memref<100x128xi32, #tpu.memory_space<vmem>>)
        tpu.yield
      }) : () -> ()
    } else {
    }
    %select_n3A = arith.constant 160 : i32
    %select_n3A_7 = arith.constant 100 : i32
    %select_n3A_8 = arith.select %eq3A_1, %select_n3A_7, %select_n3A : i32
    %mul3A_9 = arith.constant 640 : i32
    %mul3A_10 = arith.muli %arg1, %mul3A_9 : i32
    "tpu.region"() ({
      %run_scoped3A = tpu.sem_alloc : memref<!tpu.dma_semaphore, #tpu.memory_space<semaphore_mem>>
      %dma_start3A_141 = arith.constant 0 : i32
      %dma_start3A_142 = tpu.memref_slice %arg10[%mul3A_10, %dma_start3A_141] : memref<10240x16xf32, #tpu.memory_space<vmem_shared>> -> memref<640x16xf32, #tpu.memory_space<vmem_shared>>
      tpu.enqueue_dma source(%arg4 : memref<640x16xf32, #tpu.memory_space<hbm>>) target(%dma_start3A_142 : memref<640x16xf32, #tpu.memory_space<vmem_shared>>) target_semaphore(%run_scoped3A : memref<!tpu.dma_semaphore, #tpu.memory_space<semaphore_mem>>)
      %dma_wait3A_143 = arith.constant 0 : i32
      %dma_wait3A_144 = tpu.memref_slice %arg10[%mul3A_10, %dma_wait3A_143] : memref<10240x16xf32, #tpu.memory_space<vmem_shared>> -> memref<640x16xf32, #tpu.memory_space<vmem_shared>>
      tpu.wait_dma2 semaphore(%run_scoped3A : memref<!tpu.dma_semaphore, #tpu.memory_space<semaphore_mem>>) src(%arg4 : memref<640x16xf32, #tpu.memory_space<hbm>>) dst(%dma_wait3A_144 : memref<640x16xf32, #tpu.memory_space<vmem_shared>>)
      tpu.yield
    }) : () -> ()
    %barrier3A = arith.constant 0 : index
    tpu.barrier barrier_id(%barrier3A)
    %dma_start3A = arith.constant 0 : i32
    %dma_start3A_11 = arith.constant 0 : i32
    %dma_start3A_12 = tpu.memref_slice %arg6[%dma_start3A, %dma_start3A_11] : memref<160x128xi32, #tpu.memory_space<vmem>> -> memref<1x128xi32, #tpu.memory_space<vmem>>
    %dma_start3A_13 = tpu.memref_squeeze %dma_start3A_12 : memref<1x128xi32, #tpu.memory_space<vmem>> -> memref<128xi32, #tpu.memory_space<vmem>>
    %dma_start3A_14 = arith.constant 0 : i32
    %dma_start3A_15 = arith.constant 0 : i32
    %dma_start3A_16 = tpu.memref_slice %arg10[%dma_start3A_14, %dma_start3A_15] : memref<10240x16xf32, #tpu.memory_space<vmem_shared>> -> memref<10240x16xf32, #tpu.memory_space<vmem_shared>>
    tpu.enqueue_indirect_dma source(%arg7 : memref<128x16xf32, #tpu.memory_space<vmem>>) target(%dma_start3A_16 : memref<10240x16xf32, #tpu.memory_space<vmem_shared>>) offsets(%dma_start3A_13 : memref<128xi32, #tpu.memory_space<vmem>>) semaphore(%arg11 : memref<!tpu.dma_semaphore, #tpu.memory_space<semaphore_mem>>) {add = true}
    %dma_start3A_17 = arith.constant 1 : i32
    %dma_start3A_18 = arith.constant 0 : i32
    %dma_start3A_19 = tpu.memref_slice %arg6[%dma_start3A_17, %dma_start3A_18] : memref<160x128xi32, #tpu.memory_space<vmem>> -> memref<1x128xi32, #tpu.memory_space<vmem>>
    %dma_start3A_20 = tpu.memref_squeeze %dma_start3A_19 : memref<1x128xi32, #tpu.memory_space<vmem>> -> memref<128xi32, #tpu.memory_space<vmem>>
    %dma_start3A_21 = arith.constant 0 : i32
    %dma_start3A_22 = arith.constant 0 : i32
    %dma_start3A_23 = tpu.memref_slice %arg10[%dma_start3A_21, %dma_start3A_22] : memref<10240x16xf32, #tpu.memory_space<vmem_shared>> -> memref<10240x16xf32, #tpu.memory_space<vmem_shared>>
    tpu.enqueue_indirect_dma source(%arg7 : memref<128x16xf32, #tpu.memory_space<vmem>>) target(%dma_start3A_23 : memref<10240x16xf32, #tpu.memory_space<vmem_shared>>) offsets(%dma_start3A_20 : memref<128xi32, #tpu.memory_space<vmem>>) semaphore(%arg11 : memref<!tpu.dma_semaphore, #tpu.memory_space<semaphore_mem>>) {add = true}
    %dma_start3A_24 = arith.constant 2 : i32
    %dma_start3A_25 = arith.constant 0 : i32
    %dma_start3A_26 = tpu.memref_slice %arg6[%dma_start3A_24, %dma_start3A_25] : memref<160x128xi32, #tpu.memory_space<vmem>> -> memref<1x128xi32, #tpu.memory_space<vmem>>
    %dma_start3A_27 = tpu.memref_squeeze %dma_start3A_26 : memref<1x128xi32, #tpu.memory_space<vmem>> -> memref<128xi32, #tpu.memory_space<vmem>>
    %dma_start3A_28 = arith.constant 0 : i32
    %dma_start3A_29 = arith.constant 0 : i32
    %dma_start3A_30 = tpu.memref_slice %arg10[%dma_start3A_28, %dma_start3A_29] : memref<10240x16xf32, #tpu.memory_space<vmem_shared>> -> memref<10240x16xf32, #tpu.memory_space<vmem_shared>>
    tpu.enqueue_indirect_dma source(%arg7 : memref<128x16xf32, #tpu.memory_space<vmem>>) target(%dma_start3A_30 : memref<10240x16xf32, #tpu.memory_space<vmem_shared>>) offsets(%dma_start3A_27 : memref<128xi32, #tpu.memory_space<vmem>>) semaphore(%arg11 : memref<!tpu.dma_semaphore, #tpu.memory_space<semaphore_mem>>) {add = true}
    %dma_start3A_31 = arith.constant 3 : i32
    %dma_start3A_32 = arith.constant 0 : i32
    %dma_start3A_33 = tpu.memref_slice %arg6[%dma_start3A_31, %dma_start3A_32] : memref<160x128xi32, #tpu.memory_space<vmem>> -> memref<1x128xi32, #tpu.memory_space<vmem>>
    %dma_start3A_34 = tpu.memref_squeeze %dma_start3A_33 : memref<1x128xi32, #tpu.memory_space<vmem>> -> memref<128xi32, #tpu.memory_space<vmem>>
    %dma_start3A_35 = arith.constant 0 : i32
    %dma_start3A_36 = arith.constant 0 : i32
    %dma_start3A_37 = tpu.memref_slice %arg10[%dma_start3A_35, %dma_start3A_36] : memref<10240x16xf32, #tpu.memory_space<vmem_shared>> -> memref<10240x16xf32, #tpu.memory_space<vmem_shared>>
    tpu.enqueue_indirect_dma source(%arg7 : memref<128x16xf32, #tpu.memory_space<vmem>>) target(%dma_start3A_37 : memref<10240x16xf32, #tpu.memory_space<vmem_shared>>) offsets(%dma_start3A_34 : memref<128xi32, #tpu.memory_space<vmem>>) semaphore(%arg11 : memref<!tpu.dma_semaphore, #tpu.memory_space<semaphore_mem>>) {add = true}
    %dma_start3A_38 = arith.constant 4 : i32
    %dma_start3A_39 = arith.constant 0 : i32
    %dma_start3A_40 = tpu.memref_slice %arg6[%dma_start3A_38, %dma_start3A_39] : memref<160x128xi32, #tpu.memory_space<vmem>> -> memref<1x128xi32, #tpu.memory_space<vmem>>
    %dma_start3A_41 = tpu.memref_squeeze %dma_start3A_40 : memref<1x128xi32, #tpu.memory_space<vmem>> -> memref<128xi32, #tpu.memory_space<vmem>>
    %dma_start3A_42 = arith.constant 0 : i32
    %dma_start3A_43 = arith.constant 0 : i32
    %dma_start3A_44 = tpu.memref_slice %arg10[%dma_start3A_42, %dma_start3A_43] : memref<10240x16xf32, #tpu.memory_space<vmem_shared>> -> memref<10240x16xf32, #tpu.memory_space<vmem_shared>>
    tpu.enqueue_indirect_dma source(%arg7 : memref<128x16xf32, #tpu.memory_space<vmem>>) target(%dma_start3A_44 : memref<10240x16xf32, #tpu.memory_space<vmem_shared>>) offsets(%dma_start3A_41 : memref<128xi32, #tpu.memory_space<vmem>>) semaphore(%arg11 : memref<!tpu.dma_semaphore, #tpu.memory_space<semaphore_mem>>) {add = true}
    %dma_start3A_45 = arith.constant 5 : i32
    %dma_start3A_46 = arith.constant 0 : i32
    %dma_start3A_47 = tpu.memref_slice %arg6[%dma_start3A_45, %dma_start3A_46] : memref<160x128xi32, #tpu.memory_space<vmem>> -> memref<1x128xi32, #tpu.memory_space<vmem>>
    %dma_start3A_48 = tpu.memref_squeeze %dma_start3A_47 : memref<1x128xi32, #tpu.memory_space<vmem>> -> memref<128xi32, #tpu.memory_space<vmem>>
    %dma_start3A_49 = arith.constant 0 : i32
    %dma_start3A_50 = arith.constant 0 : i32
    %dma_start3A_51 = tpu.memref_slice %arg10[%dma_start3A_49, %dma_start3A_50] : memref<10240x16xf32, #tpu.memory_space<vmem_shared>> -> memref<10240x16xf32, #tpu.memory_space<vmem_shared>>
    tpu.enqueue_indirect_dma source(%arg7 : memref<128x16xf32, #tpu.memory_space<vmem>>) target(%dma_start3A_51 : memref<10240x16xf32, #tpu.memory_space<vmem_shared>>) offsets(%dma_start3A_48 : memref<128xi32, #tpu.memory_space<vmem>>) semaphore(%arg11 : memref<!tpu.dma_semaphore, #tpu.memory_space<semaphore_mem>>) {add = true}
    %dma_start3A_52 = arith.constant 6 : i32
    %dma_start3A_53 = arith.constant 0 : i32
    %dma_start3A_54 = tpu.memref_slice %arg6[%dma_start3A_52, %dma_start3A_53] : memref<160x128xi32, #tpu.memory_space<vmem>> -> memref<1x128xi32, #tpu.memory_space<vmem>>
    %dma_start3A_55 = tpu.memref_squeeze %dma_start3A_54 : memref<1x128xi32, #tpu.memory_space<vmem>> -> memref<128xi32, #tpu.memory_space<vmem>>
    %dma_start3A_56 = arith.constant 0 : i32
    %dma_start3A_57 = arith.constant 0 : i32
    %dma_start3A_58 = tpu.memref_slice %arg10[%dma_start3A_56, %dma_start3A_57] : memref<10240x16xf32, #tpu.memory_space<vmem_shared>> -> memref<10240x16xf32, #tpu.memory_space<vmem_shared>>
    tpu.enqueue_indirect_dma source(%arg7 : memref<128x16xf32, #tpu.memory_space<vmem>>) target(%dma_start3A_58 : memref<10240x16xf32, #tpu.memory_space<vmem_shared>>) offsets(%dma_start3A_55 : memref<128xi32, #tpu.memory_space<vmem>>) semaphore(%arg11 : memref<!tpu.dma_semaphore, #tpu.memory_space<semaphore_mem>>) {add = true}
    %dma_start3A_59 = arith.constant 7 : i32
    %dma_start3A_60 = arith.constant 0 : i32
    %dma_start3A_61 = tpu.memref_slice %arg6[%dma_start3A_59, %dma_start3A_60] : memref<160x128xi32, #tpu.memory_space<vmem>> -> memref<1x128xi32, #tpu.memory_space<vmem>>
    %dma_start3A_62 = tpu.memref_squeeze %dma_start3A_61 : memref<1x128xi32, #tpu.memory_space<vmem>> -> memref<128xi32, #tpu.memory_space<vmem>>
    %dma_start3A_63 = arith.constant 0 : i32
    %dma_start3A_64 = arith.constant 0 : i32
    %dma_start3A_65 = tpu.memref_slice %arg10[%dma_start3A_63, %dma_start3A_64] : memref<10240x16xf32, #tpu.memory_space<vmem_shared>> -> memref<10240x16xf32, #tpu.memory_space<vmem_shared>>
    tpu.enqueue_indirect_dma source(%arg7 : memref<128x16xf32, #tpu.memory_space<vmem>>) target(%dma_start3A_65 : memref<10240x16xf32, #tpu.memory_space<vmem_shared>>) offsets(%dma_start3A_62 : memref<128xi32, #tpu.memory_space<vmem>>) semaphore(%arg11 : memref<!tpu.dma_semaphore, #tpu.memory_space<semaphore_mem>>) {add = true}
    %sub3A = arith.constant 8 : i32
    %sub3A_66 = arith.subi %select_n3A_8, %sub3A : i32
    %while3A = arith.constant 0 : i32
    %while3A_67 = arith.constant 0 : i32
    %while3A_68 = arith.subi %sub3A_66, %while3A_67 : i32
    %while3A_69 = arith.addi %while3A_67, %while3A_68 : i32
    %while3A_70 = arith.constant 1 : i32
    %while3A_71 = arith.divsi %while3A_68, %while3A_70 : i32
    %while3A_72 = arith.muli %while3A_71, %while3A_70 : i32
    %while3A_73 = arith.addi %while3A_67, %while3A_72 : i32
    %while3A_74 = arith.constant 1 : i32
    scf.for %while3A_141 = %while3A_67 to %while3A_73 step %while3A_74  : i32 {
      %dma_wait3A_142 = arith.constant 0 : i32
      %dma_wait3A_143 = tpu.memref_slice %arg6[%while3A_141, %dma_wait3A_142] : memref<160x128xi32, #tpu.memory_space<vmem>> -> memref<1x128xi32, #tpu.memory_space<vmem>>
      %dma_wait3A_144 = tpu.memref_squeeze %dma_wait3A_143 : memref<1x128xi32, #tpu.memory_space<vmem>> -> memref<128xi32, #tpu.memory_space<vmem>>
      %dma_wait3A_145 = arith.constant 0 : i32
      %dma_wait3A_146 = arith.constant 0 : i32
      %dma_wait3A_147 = tpu.memref_slice %arg10[%dma_wait3A_145, %dma_wait3A_146] : memref<10240x16xf32, #tpu.memory_space<vmem_shared>> -> memref<10240x16xf32, #tpu.memory_space<vmem_shared>>
      tpu.wait_indirect_dma semaphore(%arg11 : memref<!tpu.dma_semaphore, #tpu.memory_space<semaphore_mem>>) src(%arg7 : memref<128x16xf32, #tpu.memory_space<vmem>>) dst(%dma_wait3A_147 : memref<10240x16xf32, #tpu.memory_space<vmem_shared>>)
      %add3A_148 = arith.constant 8 : i32
      %add3A_149 = arith.addi %while3A_141, %add3A_148 : i32
      %dma_start3A_150 = arith.constant 0 : i32
      %dma_start3A_151 = tpu.memref_slice %arg6[%add3A_149, %dma_start3A_150] : memref<160x128xi32, #tpu.memory_space<vmem>> -> memref<1x128xi32, #tpu.memory_space<vmem>>
      %dma_start3A_152 = tpu.memref_squeeze %dma_start3A_151 : memref<1x128xi32, #tpu.memory_space<vmem>> -> memref<128xi32, #tpu.memory_space<vmem>>
      %dma_start3A_153 = arith.constant 0 : i32
      %dma_start3A_154 = arith.constant 0 : i32
      %dma_start3A_155 = tpu.memref_slice %arg10[%dma_start3A_153, %dma_start3A_154] : memref<10240x16xf32, #tpu.memory_space<vmem_shared>> -> memref<10240x16xf32, #tpu.memory_space<vmem_shared>>
      tpu.enqueue_indirect_dma source(%arg7 : memref<128x16xf32, #tpu.memory_space<vmem>>) target(%dma_start3A_155 : memref<10240x16xf32, #tpu.memory_space<vmem_shared>>) offsets(%dma_start3A_152 : memref<128xi32, #tpu.memory_space<vmem>>) semaphore(%arg11 : memref<!tpu.dma_semaphore, #tpu.memory_space<semaphore_mem>>) {add = true}
    }
    %while3A_75 = arith.constant 1 : i32
    scf.for %while3A_141 = %while3A_73 to %while3A_69 step %while3A_75  : i32 {
      %dma_wait3A_142 = arith.constant 0 : i32
      %dma_wait3A_143 = tpu.memref_slice %arg6[%while3A_141, %dma_wait3A_142] : memref<160x128xi32, #tpu.memory_space<vmem>> -> memref<1x128xi32, #tpu.memory_space<vmem>>
      %dma_wait3A_144 = tpu.memref_squeeze %dma_wait3A_143 : memref<1x128xi32, #tpu.memory_space<vmem>> -> memref<128xi32, #tpu.memory_space<vmem>>
      %dma_wait3A_145 = arith.constant 0 : i32
      %dma_wait3A_146 = arith.constant 0 : i32
      %dma_wait3A_147 = tpu.memref_slice %arg10[%dma_wait3A_145, %dma_wait3A_146] : memref<10240x16xf32, #tpu.memory_space<vmem_shared>> -> memref<10240x16xf32, #tpu.memory_space<vmem_shared>>
      tpu.wait_indirect_dma semaphore(%arg11 : memref<!tpu.dma_semaphore, #tpu.memory_space<semaphore_mem>>) src(%arg7 : memref<128x16xf32, #tpu.memory_space<vmem>>) dst(%dma_wait3A_147 : memref<10240x16xf32, #tpu.memory_space<vmem_shared>>)
      %add3A_148 = arith.constant 8 : i32
      %add3A_149 = arith.addi %while3A_141, %add3A_148 : i32
      %dma_start3A_150 = arith.constant 0 : i32
      %dma_start3A_151 = tpu.memref_slice %arg6[%add3A_149, %dma_start3A_150] : memref<160x128xi32, #tpu.memory_space<vmem>> -> memref<1x128xi32, #tpu.memory_space<vmem>>
      %dma_start3A_152 = tpu.memref_squeeze %dma_start3A_151 : memref<1x128xi32, #tpu.memory_space<vmem>> -> memref<128xi32, #tpu.memory_space<vmem>>
      %dma_start3A_153 = arith.constant 0 : i32
      %dma_start3A_154 = arith.constant 0 : i32
      %dma_start3A_155 = tpu.memref_slice %arg10[%dma_start3A_153, %dma_start3A_154] : memref<10240x16xf32, #tpu.memory_space<vmem_shared>> -> memref<10240x16xf32, #tpu.memory_space<vmem_shared>>
      tpu.enqueue_indirect_dma source(%arg7 : memref<128x16xf32, #tpu.memory_space<vmem>>) target(%dma_start3A_155 : memref<10240x16xf32, #tpu.memory_space<vmem_shared>>) offsets(%dma_start3A_152 : memref<128xi32, #tpu.memory_space<vmem>>) semaphore(%arg11 : memref<!tpu.dma_semaphore, #tpu.memory_space<semaphore_mem>>) {add = true}
    }
    %dma_wait3A = arith.constant 0 : i32
    %dma_wait3A_76 = arith.constant 0 : i32
    %dma_wait3A_77 = tpu.memref_slice %arg6[%dma_wait3A, %dma_wait3A_76] : memref<160x128xi32, #tpu.memory_space<vmem>> -> memref<1x128xi32, #tpu.memory_space<vmem>>
    %dma_wait3A_78 = tpu.memref_squeeze %dma_wait3A_77 : memref<1x128xi32, #tpu.memory_space<vmem>> -> memref<128xi32, #tpu.memory_space<vmem>>
    %dma_wait3A_79 = arith.constant 0 : i32
    %dma_wait3A_80 = arith.constant 0 : i32
    %dma_wait3A_81 = tpu.memref_slice %arg10[%dma_wait3A_79, %dma_wait3A_80] : memref<10240x16xf32, #tpu.memory_space<vmem_shared>> -> memref<10240x16xf32, #tpu.memory_space<vmem_shared>>
    tpu.wait_indirect_dma semaphore(%arg11 : memref<!tpu.dma_semaphore, #tpu.memory_space<semaphore_mem>>) src(%arg7 : memref<128x16xf32, #tpu.memory_space<vmem>>) dst(%dma_wait3A_81 : memref<10240x16xf32, #tpu.memory_space<vmem_shared>>)
    %dma_wait3A_82 = arith.constant 1 : i32
    %dma_wait3A_83 = arith.constant 0 : i32
    %dma_wait3A_84 = tpu.memref_slice %arg6[%dma_wait3A_82, %dma_wait3A_83] : memref<160x128xi32, #tpu.memory_space<vmem>> -> memref<1x128xi32, #tpu.memory_space<vmem>>
    %dma_wait3A_85 = tpu.memref_squeeze %dma_wait3A_84 : memref<1x128xi32, #tpu.memory_space<vmem>> -> memref<128xi32, #tpu.memory_space<vmem>>
    %dma_wait3A_86 = arith.constant 0 : i32
    %dma_wait3A_87 = arith.constant 0 : i32
    %dma_wait3A_88 = tpu.memref_slice %arg10[%dma_wait3A_86, %dma_wait3A_87] : memref<10240x16xf32, #tpu.memory_space<vmem_shared>> -> memref<10240x16xf32, #tpu.memory_space<vmem_shared>>
    tpu.wait_indirect_dma semaphore(%arg11 : memref<!tpu.dma_semaphore, #tpu.memory_space<semaphore_mem>>) src(%arg7 : memref<128x16xf32, #tpu.memory_space<vmem>>) dst(%dma_wait3A_88 : memref<10240x16xf32, #tpu.memory_space<vmem_shared>>)
    %dma_wait3A_89 = arith.constant 2 : i32
    %dma_wait3A_90 = arith.constant 0 : i32
    %dma_wait3A_91 = tpu.memref_slice %arg6[%dma_wait3A_89, %dma_wait3A_90] : memref<160x128xi32, #tpu.memory_space<vmem>> -> memref<1x128xi32, #tpu.memory_space<vmem>>
    %dma_wait3A_92 = tpu.memref_squeeze %dma_wait3A_91 : memref<1x128xi32, #tpu.memory_space<vmem>> -> memref<128xi32, #tpu.memory_space<vmem>>
    %dma_wait3A_93 = arith.constant 0 : i32
    %dma_wait3A_94 = arith.constant 0 : i32
    %dma_wait3A_95 = tpu.memref_slice %arg10[%dma_wait3A_93, %dma_wait3A_94] : memref<10240x16xf32, #tpu.memory_space<vmem_shared>> -> memref<10240x16xf32, #tpu.memory_space<vmem_shared>>
    tpu.wait_indirect_dma semaphore(%arg11 : memref<!tpu.dma_semaphore, #tpu.memory_space<semaphore_mem>>) src(%arg7 : memref<128x16xf32, #tpu.memory_space<vmem>>) dst(%dma_wait3A_95 : memref<10240x16xf32, #tpu.memory_space<vmem_shared>>)
    %dma_wait3A_96 = arith.constant 3 : i32
    %dma_wait3A_97 = arith.constant 0 : i32
    %dma_wait3A_98 = tpu.memref_slice %arg6[%dma_wait3A_96, %dma_wait3A_97] : memref<160x128xi32, #tpu.memory_space<vmem>> -> memref<1x128xi32, #tpu.memory_space<vmem>>
    %dma_wait3A_99 = tpu.memref_squeeze %dma_wait3A_98 : memref<1x128xi32, #tpu.memory_space<vmem>> -> memref<128xi32, #tpu.memory_space<vmem>>
    %dma_wait3A_100 = arith.constant 0 : i32
    %dma_wait3A_101 = arith.constant 0 : i32
    %dma_wait3A_102 = tpu.memref_slice %arg10[%dma_wait3A_100, %dma_wait3A_101] : memref<10240x16xf32, #tpu.memory_space<vmem_shared>> -> memref<10240x16xf32, #tpu.memory_space<vmem_shared>>
    tpu.wait_indirect_dma semaphore(%arg11 : memref<!tpu.dma_semaphore, #tpu.memory_space<semaphore_mem>>) src(%arg7 : memref<128x16xf32, #tpu.memory_space<vmem>>) dst(%dma_wait3A_102 : memref<10240x16xf32, #tpu.memory_space<vmem_shared>>)
    %dma_wait3A_103 = arith.constant 4 : i32
    %dma_wait3A_104 = arith.constant 0 : i32
    %dma_wait3A_105 = tpu.memref_slice %arg6[%dma_wait3A_103, %dma_wait3A_104] : memref<160x128xi32, #tpu.memory_space<vmem>> -> memref<1x128xi32, #tpu.memory_space<vmem>>
    %dma_wait3A_106 = tpu.memref_squeeze %dma_wait3A_105 : memref<1x128xi32, #tpu.memory_space<vmem>> -> memref<128xi32, #tpu.memory_space<vmem>>
    %dma_wait3A_107 = arith.constant 0 : i32
    %dma_wait3A_108 = arith.constant 0 : i32
    %dma_wait3A_109 = tpu.memref_slice %arg10[%dma_wait3A_107, %dma_wait3A_108] : memref<10240x16xf32, #tpu.memory_space<vmem_shared>> -> memref<10240x16xf32, #tpu.memory_space<vmem_shared>>
    tpu.wait_indirect_dma semaphore(%arg11 : memref<!tpu.dma_semaphore, #tpu.memory_space<semaphore_mem>>) src(%arg7 : memref<128x16xf32, #tpu.memory_space<vmem>>) dst(%dma_wait3A_109 : memref<10240x16xf32, #tpu.memory_space<vmem_shared>>)
    %dma_wait3A_110 = arith.constant 5 : i32
    %dma_wait3A_111 = arith.constant 0 : i32
    %dma_wait3A_112 = tpu.memref_slice %arg6[%dma_wait3A_110, %dma_wait3A_111] : memref<160x128xi32, #tpu.memory_space<vmem>> -> memref<1x128xi32, #tpu.memory_space<vmem>>
    %dma_wait3A_113 = tpu.memref_squeeze %dma_wait3A_112 : memref<1x128xi32, #tpu.memory_space<vmem>> -> memref<128xi32, #tpu.memory_space<vmem>>
    %dma_wait3A_114 = arith.constant 0 : i32
    %dma_wait3A_115 = arith.constant 0 : i32
    %dma_wait3A_116 = tpu.memref_slice %arg10[%dma_wait3A_114, %dma_wait3A_115] : memref<10240x16xf32, #tpu.memory_space<vmem_shared>> -> memref<10240x16xf32, #tpu.memory_space<vmem_shared>>
    tpu.wait_indirect_dma semaphore(%arg11 : memref<!tpu.dma_semaphore, #tpu.memory_space<semaphore_mem>>) src(%arg7 : memref<128x16xf32, #tpu.memory_space<vmem>>) dst(%dma_wait3A_116 : memref<10240x16xf32, #tpu.memory_space<vmem_shared>>)
    %dma_wait3A_117 = arith.constant 6 : i32
    %dma_wait3A_118 = arith.constant 0 : i32
    %dma_wait3A_119 = tpu.memref_slice %arg6[%dma_wait3A_117, %dma_wait3A_118] : memref<160x128xi32, #tpu.memory_space<vmem>> -> memref<1x128xi32, #tpu.memory_space<vmem>>
    %dma_wait3A_120 = tpu.memref_squeeze %dma_wait3A_119 : memref<1x128xi32, #tpu.memory_space<vmem>> -> memref<128xi32, #tpu.memory_space<vmem>>
    %dma_wait3A_121 = arith.constant 0 : i32
    %dma_wait3A_122 = arith.constant 0 : i32
    %dma_wait3A_123 = tpu.memref_slice %arg10[%dma_wait3A_121, %dma_wait3A_122] : memref<10240x16xf32, #tpu.memory_space<vmem_shared>> -> memref<10240x16xf32, #tpu.memory_space<vmem_shared>>
    tpu.wait_indirect_dma semaphore(%arg11 : memref<!tpu.dma_semaphore, #tpu.memory_space<semaphore_mem>>) src(%arg7 : memref<128x16xf32, #tpu.memory_space<vmem>>) dst(%dma_wait3A_123 : memref<10240x16xf32, #tpu.memory_space<vmem_shared>>)
    %dma_wait3A_124 = arith.constant 7 : i32
    %dma_wait3A_125 = arith.constant 0 : i32
    %dma_wait3A_126 = tpu.memref_slice %arg6[%dma_wait3A_124, %dma_wait3A_125] : memref<160x128xi32, #tpu.memory_space<vmem>> -> memref<1x128xi32, #tpu.memory_space<vmem>>
    %dma_wait3A_127 = tpu.memref_squeeze %dma_wait3A_126 : memref<1x128xi32, #tpu.memory_space<vmem>> -> memref<128xi32, #tpu.memory_space<vmem>>
    %dma_wait3A_128 = arith.constant 0 : i32
    %dma_wait3A_129 = arith.constant 0 : i32
    %dma_wait3A_130 = tpu.memref_slice %arg10[%dma_wait3A_128, %dma_wait3A_129] : memref<10240x16xf32, #tpu.memory_space<vmem_shared>> -> memref<10240x16xf32, #tpu.memory_space<vmem_shared>>
    tpu.wait_indirect_dma semaphore(%arg11 : memref<!tpu.dma_semaphore, #tpu.memory_space<semaphore_mem>>) src(%arg7 : memref<128x16xf32, #tpu.memory_space<vmem>>) dst(%dma_wait3A_130 : memref<10240x16xf32, #tpu.memory_space<vmem_shared>>)
    %barrier3A_131 = arith.constant 0 : index
    tpu.barrier barrier_id(%barrier3A_131)
    %mul3A_132 = arith.constant 16 : i32
    %mul3A_133 = arith.muli %arg0, %mul3A_132 : i32
    %add3A = arith.addi %mul3A_133, %arg1 : i32
    %mul3A_134 = arith.constant 320 : i32
    %mul3A_135 = arith.muli %add3A, %mul3A_134 : i32
    "tpu.region"() ({
      %run_scoped3A = tpu.sem_alloc : memref<!tpu.dma_semaphore, #tpu.memory_space<semaphore_mem>>
      %dma_start3A_141 = arith.constant 0 : i32
      %dma_start3A_142 = tpu.memref_slice %arg10[%mul3A_135, %dma_start3A_141] : memref<10240x16xf32, #tpu.memory_space<vmem_shared>> -> memref<320x16xf32, #tpu.memory_space<vmem_shared>>
      %dma_start3A_143 = arith.constant 0 : i32
      %dma_start3A_144 = tpu.memref_slice %arg10[%mul3A_135, %dma_start3A_143] : memref<10240x16xf32, #tpu.memory_space<vmem_shared>> -> memref<320x16xf32, #tpu.memory_space<vmem_shared>>
      tpu.enqueue_dma source(%dma_start3A_144 : memref<320x16xf32, #tpu.memory_space<vmem_shared>>) target(%arg8 : memref<320x16xf32, #tpu.memory_space<vmem>>) target_semaphore(%run_scoped3A : memref<!tpu.dma_semaphore, #tpu.memory_space<semaphore_mem>>)
      %dma_wait3A_145 = arith.constant 0 : i32
      %dma_wait3A_146 = tpu.memref_slice %arg10[%mul3A_135, %dma_wait3A_145] : memref<10240x16xf32, #tpu.memory_space<vmem_shared>> -> memref<320x16xf32, #tpu.memory_space<vmem_shared>>
      %dma_wait3A_147 = arith.constant 0 : i32
      %dma_wait3A_148 = tpu.memref_slice %arg10[%mul3A_135, %dma_wait3A_147] : memref<10240x16xf32, #tpu.memory_space<vmem_shared>> -> memref<320x16xf32, #tpu.memory_space<vmem_shared>>
      tpu.wait_dma2 semaphore(%run_scoped3A : memref<!tpu.dma_semaphore, #tpu.memory_space<semaphore_mem>>) src(%dma_wait3A_148 : memref<320x16xf32, #tpu.memory_space<vmem_shared>>) dst(%arg8 : memref<320x16xf32, #tpu.memory_space<vmem>>)
      tpu.yield
    }) : () -> ()
    %scan3A = arith.constant 0 : i32
    %scan3A_136 = arith.constant 0 : i32
    %scan3A_137 = arith.constant 320 : i32
    %scan3A_138 = arith.addi %scan3A_136, %scan3A_137 : i32
    %scan3A_139 = arith.constant 1 : i32
    scf.for %scan3A_141 = %scan3A_136 to %scan3A_138 step %scan3A_139  : i32 {
      %get3A = arith.index_cast %scan3A_141 : i32 to index
      %get3A_142 = arith.constant 0 : index
      %get3A_143 = tpu.vector_load %arg8[%get3A, %get3A_142] {strides = array<i32>} : memref<320x16xf32, #tpu.memory_space<vmem>>, vector<16xf32>,
      %add3A_144 = arith.constant 1.000000e+00 : f32
      %add3A_145 = vector.broadcast %add3A_144 : f32 to vector<16xf32>
      %add3A_146 = arith.addf %get3A_143, %add3A_145 : vector<16xf32>
      %bitcast3A = vector.bitcast %add3A_146 : vector<16xf32> to vector<16xi32>
      %shift_right_logical3A = arith.constant 1 : i32
      %shift_right_logical3A_147 = vector.broadcast %shift_right_logical3A : i32 to vector<16xi32>
      %shift_right_logical3A_148 = arith.shrui %bitcast3A, %shift_right_logical3A_147 : vector<16xi32>
      %sub3A_149 = arith.constant 1597463007 : i32
      %sub3A_150 = vector.broadcast %sub3A_149 : i32 to vector<16xi32>
      %sub3A_151 = arith.subi %sub3A_150, %shift_right_logical3A_148 : vector<16xi32>
      %bitcast3A_152 = vector.bitcast %sub3A_151 : vector<16xi32> to vector<16xf32>
      %mul3A_153 = arith.constant 5.000000e-01 : f32
      %mul3A_154 = vector.broadcast %mul3A_153 : f32 to vector<16xf32>
      %mul3A_155 = arith.mulf %mul3A_154, %add3A_146 : vector<16xf32>
      %mul3A_156 = arith.mulf %mul3A_155, %bitcast3A_152 : vector<16xf32>
      %mul3A_157 = arith.mulf %mul3A_156, %bitcast3A_152 : vector<16xf32>
      %sub3A_158 = arith.constant 1.500000e+00 : f32
      %sub3A_159 = vector.broadcast %sub3A_158 : f32 to vector<16xf32>
      %sub3A_160 = arith.subf %sub3A_159, %mul3A_157 : vector<16xf32>
      %mul3A_161 = arith.mulf %bitcast3A_152, %sub3A_160 : vector<16xf32>
      %mul3A_162 = arith.constant 5.000000e-01 : f32
      %mul3A_163 = vector.broadcast %mul3A_162 : f32 to vector<16xf32>
      %mul3A_164 = arith.mulf %mul3A_163, %add3A_146 : vector<16xf32>
      %mul3A_165 = arith.mulf %mul3A_164, %mul3A_161 : vector<16xf32>
      %mul3A_166 = arith.mulf %mul3A_165, %mul3A_161 : vector<16xf32>
      %sub3A_167 = arith.constant 1.500000e+00 : f32
      %sub3A_168 = vector.broadcast %sub3A_167 : f32 to vector<16xf32>
      %sub3A_169 = arith.subf %sub3A_168, %mul3A_166 : vector<16xf32>
      %mul3A_170 = arith.mulf %mul3A_161, %sub3A_169 : vector<16xf32>
      %mul3A_171 = arith.constant 5.000000e-01 : f32
      %mul3A_172 = vector.broadcast %mul3A_171 : f32 to vector<16xf32>
      %mul3A_173 = arith.mulf %mul3A_172, %add3A_146 : vector<16xf32>
      %mul3A_174 = arith.mulf %mul3A_173, %mul3A_170 : vector<16xf32>
      %mul3A_175 = arith.mulf %mul3A_174, %mul3A_170 : vector<16xf32>
      %sub3A_176 = arith.constant 1.500000e+00 : f32
      %sub3A_177 = vector.broadcast %sub3A_176 : f32 to vector<16xf32>
      %sub3A_178 = arith.subf %sub3A_177, %mul3A_175 : vector<16xf32>
      %mul3A_179 = arith.mulf %mul3A_170, %sub3A_178 : vector<16xf32>
      %swap3A = arith.index_cast %scan3A_141 : i32 to index
      %swap3A_180 = arith.constant 0 : index
      %swap3A_181 = tpu.vector_load %arg9[%swap3A, %swap3A_180] {strides = array<i32>} : memref<320x64xf32, #tpu.memory_space<vmem>>, vector<16xf32>,
      tpu.vector_store %arg9[%swap3A, %swap3A_180], %mul3A_179 {strides = array<i32>} : memref<320x64xf32, #tpu.memory_space<vmem>>, vector<16xf32>,
      %swap3A_182 = arith.index_cast %scan3A_141 : i32 to index
      %swap3A_183 = arith.constant 16 : index
      %swap3A_184 = tpu.vector_load %arg9[%swap3A_182, %swap3A_183] {strides = array<i32>} : memref<320x64xf32, #tpu.memory_space<vmem>>, vector<16xf32>,
      tpu.vector_store %arg9[%swap3A_182, %swap3A_183], %mul3A_179 {strides = array<i32>} : memref<320x64xf32, #tpu.memory_space<vmem>>, vector<16xf32>,
      %swap3A_185 = arith.index_cast %scan3A_141 : i32 to index
      %swap3A_186 = arith.constant 32 : index
      %swap3A_187 = tpu.vector_load %arg9[%swap3A_185, %swap3A_186] {strides = array<i32>} : memref<320x64xf32, #tpu.memory_space<vmem>>, vector<16xf32>,
      tpu.vector_store %arg9[%swap3A_185, %swap3A_186], %mul3A_179 {strides = array<i32>} : memref<320x64xf32, #tpu.memory_space<vmem>>, vector<16xf32>,
      %swap3A_188 = arith.index_cast %scan3A_141 : i32 to index
      %swap3A_189 = arith.constant 48 : index
      %swap3A_190 = tpu.vector_load %arg9[%swap3A_188, %swap3A_189] {strides = array<i32>} : memref<320x64xf32, #tpu.memory_space<vmem>>, vector<16xf32>,
      tpu.vector_store %arg9[%swap3A_188, %swap3A_189], %mul3A_179 {strides = array<i32>} : memref<320x64xf32, #tpu.memory_space<vmem>>, vector<16xf32>,
    }
    %scan3A_140 = arith.constant 320 : i32
    "tpu.region"() ({
      %run_scoped3A = tpu.sem_alloc : memref<!tpu.dma_semaphore, #tpu.memory_space<semaphore_mem>>
      %dma_start3A_141 = arith.constant 0 : i32
      %dma_start3A_142 = tpu.memref_slice %arg5[%mul3A_135, %dma_start3A_141] : memref<10240x64xf32, #tpu.memory_space<hbm>> -> memref<320x64xf32, #tpu.memory_space<hbm>>
      %dma_start3A_143 = arith.constant 0 : i32
      %dma_start3A_144 = tpu.memref_slice %arg5[%mul3A_135, %dma_start3A_143] : memref<10240x64xf32, #tpu.memory_space<hbm>> -> memref<320x64xf32, #tpu.memory_space<hbm>>
      tpu.enqueue_dma source(%arg9 : memref<320x64xf32, #tpu.memory_space<vmem>>) target(%dma_start3A_144 : memref<320x64xf32, #tpu.memory_space<hbm>>) target_semaphore(%run_scoped3A : memref<!tpu.dma_semaphore, #tpu.memory_space<semaphore_mem>>)
      %dma_wait3A_145 = arith.constant 0 : i32
      %dma_wait3A_146 = tpu.memref_slice %arg5[%mul3A_135, %dma_wait3A_145] : memref<10240x64xf32, #tpu.memory_space<hbm>> -> memref<320x64xf32, #tpu.memory_space<hbm>>
      %dma_wait3A_147 = arith.constant 0 : i32
      %dma_wait3A_148 = tpu.memref_slice %arg5[%mul3A_135, %dma_wait3A_147] : memref<10240x64xf32, #tpu.memory_space<hbm>> -> memref<320x64xf32, #tpu.memory_space<hbm>>
      tpu.wait_dma2 semaphore(%run_scoped3A : memref<!tpu.dma_semaphore, #tpu.memory_space<semaphore_mem>>) src(%arg9 : memref<320x64xf32, #tpu.memory_space<vmem>>) dst(%dma_wait3A_148 : memref<320x64xf32, #tpu.memory_space<hbm>>)
      tpu.yield
    }) : () -> ()
    return
  }
}

#map = affine_map<(d0, d1) -> (0, 0)>
#map1 = affine_map<(d0, d1) -> (0, 0, 0)>
module attributes {stable_mosaic.version = 14 : i64} {
  func.func @_agg_kernel(%arg0: i32, %arg1: i32, %arg2: memref<10240x64xf32, #tpu.memory_space<hbm>>, %arg3: memref<2500x128xi32, #tpu.memory_space<hbm>>, %arg4: memref<2500x128xi32, #tpu.memory_space<hbm>>, %arg5: memref<640x64xf32, #tpu.memory_space<hbm>>, %arg6: memref<2x10240x64xf32, #tpu.memory_space<hbm>>, %arg7: memref<80x128xi32, #tpu.memory_space<vmem>>, %arg8: memref<80x128xi32, #tpu.memory_space<vmem>>, %arg9: memref<128x64xf32, #tpu.memory_space<vmem>>, %arg10: memref<128x64xf32, #tpu.memory_space<vmem>>, %arg11: memref<128x64xf32, #tpu.memory_space<vmem>>, %arg12: memref<128x64xf32, #tpu.memory_space<vmem>>, %arg13: memref<128x64xf32, #tpu.memory_space<vmem>>, %arg14: memref<!tpu.dma_semaphore, #tpu.memory_space<semaphore_mem>>, %arg15: memref<!tpu.dma_semaphore, #tpu.memory_space<semaphore_mem>>, %arg16: memref<!tpu.dma_semaphore, #tpu.memory_space<semaphore_mem>>, %arg17: memref<!tpu.dma_semaphore, #tpu.memory_space<semaphore_mem>>, %arg18: memref<!tpu.dma_semaphore, #tpu.memory_space<semaphore_mem>>, %arg19: memref<!tpu.dma_semaphore, #tpu.memory_space<semaphore_mem>>, %arg20: memref<!tpu.dma_semaphore, #tpu.memory_space<semaphore_mem>>, %arg21: memref<!tpu.dma_semaphore, #tpu.memory_space<semaphore_mem>>, %arg22: memref<!tpu.dma_semaphore, #tpu.memory_space<semaphore_mem>>, %arg23: memref<!tpu.dma_semaphore, #tpu.memory_space<semaphore_mem>>, %arg24: memref<10240x64xf32, #tpu.memory_space<vmem_shared>>) attributes {dimension_semantics = [#tpu.dimension_semantics<core_parallel>, #tpu.dimension_semantics<subcore_parallel>], iteration_bounds = array<i64: 2, 16>, scalar_prefetch = 0 : i64, scratch_operands = 18 : i64, tpu.core_type = #tpu.core_type<sc_vector_subcore>, window_params = [{transform_indices = #map}, {transform_indices = #map}, {transform_indices = #map}, {transform_indices = #map}, {transform_indices = #map1}]} {
    %mul3A = arith.constant 16 : i32
    %mul3A_0 = arith.muli %arg0, %mul3A : i32
    %add3A = arith.addi %mul3A_0, %arg1 : i32
    %eq3A = arith.constant 31 : i32
    %eq3A_1 = arith.cmpi eq, %add3A, %eq3A : i32
    %mul3A_2 = arith.constant 80 : i32
    %mul3A_3 = arith.muli %add3A, %mul3A_2 : i32
    %not3A = arith.constant true
    %not3A_4 = arith.xori %eq3A_1, %not3A : i1
    %convert_element_type3A = arith.extui %not3A_4 : i1 to i32
    %cond3A = arith.constant 0 : i32
    %cond3A_5 = arith.cmpi ne, %convert_element_type3A, %cond3A : i32
    scf.if %cond3A_5 {
      "tpu.region"() ({
        %run_scoped3A = tpu.sem_alloc : memref<!tpu.dma_semaphore, #tpu.memory_space<semaphore_mem>>
        %dma_start3A_121 = arith.constant 0 : i32
        %dma_start3A_122 = tpu.memref_slice %arg3[%mul3A_3, %dma_start3A_121] : memref<2500x128xi32, #tpu.memory_space<hbm>> -> memref<80x128xi32, #tpu.memory_space<hbm>>
        %dma_start3A_123 = arith.constant 0 : i32
        %dma_start3A_124 = tpu.memref_slice %arg3[%mul3A_3, %dma_start3A_123] : memref<2500x128xi32, #tpu.memory_space<hbm>> -> memref<80x128xi32, #tpu.memory_space<hbm>>
        tpu.enqueue_dma source(%dma_start3A_124 : memref<80x128xi32, #tpu.memory_space<hbm>>) target(%arg7 : memref<80x128xi32, #tpu.memory_space<vmem>>) target_semaphore(%run_scoped3A : memref<!tpu.dma_semaphore, #tpu.memory_space<semaphore_mem>>)
        %dma_wait3A_125 = arith.constant 0 : i32
        %dma_wait3A_126 = tpu.memref_slice %arg3[%mul3A_3, %dma_wait3A_125] : memref<2500x128xi32, #tpu.memory_space<hbm>> -> memref<80x128xi32, #tpu.memory_space<hbm>>
        %dma_wait3A_127 = arith.constant 0 : i32
        %dma_wait3A_128 = tpu.memref_slice %arg3[%mul3A_3, %dma_wait3A_127] : memref<2500x128xi32, #tpu.memory_space<hbm>> -> memref<80x128xi32, #tpu.memory_space<hbm>>
        tpu.wait_dma2 semaphore(%run_scoped3A : memref<!tpu.dma_semaphore, #tpu.memory_space<semaphore_mem>>) src(%dma_wait3A_128 : memref<80x128xi32, #tpu.memory_space<hbm>>) dst(%arg7 : memref<80x128xi32, #tpu.memory_space<vmem>>)
        tpu.yield
      }) : () -> ()
    } else {
    }
    %convert_element_type3A_6 = arith.extui %eq3A_1 : i1 to i32
    %cond3A_7 = arith.constant 0 : i32
    %cond3A_8 = arith.cmpi ne, %convert_element_type3A_6, %cond3A_7 : i32
    scf.if %cond3A_8 {
      "tpu.region"() ({
        %run_scoped3A = tpu.sem_alloc : memref<!tpu.dma_semaphore, #tpu.memory_space<semaphore_mem>>
        %dma_start3A_121 = arith.constant 0 : i32
        %dma_start3A_122 = arith.constant 0 : i32
        %dma_start3A_123 = tpu.memref_slice %arg7[%dma_start3A_121, %dma_start3A_122] : memref<80x128xi32, #tpu.memory_space<vmem>> -> memref<20x128xi32, #tpu.memory_space<vmem>>
        %dma_start3A_124 = arith.constant 2480 : i32
        %dma_start3A_125 = arith.constant 0 : i32
        %dma_start3A_126 = tpu.memref_slice %arg3[%dma_start3A_124, %dma_start3A_125] : memref<2500x128xi32, #tpu.memory_space<hbm>> -> memref<20x128xi32, #tpu.memory_space<hbm>>
        %dma_start3A_127 = arith.constant 0 : i32
        %dma_start3A_128 = arith.constant 0 : i32
        %dma_start3A_129 = tpu.memref_slice %arg7[%dma_start3A_127, %dma_start3A_128] : memref<80x128xi32, #tpu.memory_space<vmem>> -> memref<20x128xi32, #tpu.memory_space<vmem>>
        %dma_start3A_130 = arith.constant 2480 : i32
        %dma_start3A_131 = arith.constant 0 : i32
        %dma_start3A_132 = tpu.memref_slice %arg3[%dma_start3A_130, %dma_start3A_131] : memref<2500x128xi32, #tpu.memory_space<hbm>> -> memref<20x128xi32, #tpu.memory_space<hbm>>
        tpu.enqueue_dma source(%dma_start3A_132 : memref<20x128xi32, #tpu.memory_space<hbm>>) target(%dma_start3A_129 : memref<20x128xi32, #tpu.memory_space<vmem>>) target_semaphore(%run_scoped3A : memref<!tpu.dma_semaphore, #tpu.memory_space<semaphore_mem>>)
        %dma_wait3A_133 = arith.constant 0 : i32
        %dma_wait3A_134 = arith.constant 0 : i32
        %dma_wait3A_135 = tpu.memref_slice %arg7[%dma_wait3A_133, %dma_wait3A_134] : memref<80x128xi32, #tpu.memory_space<vmem>> -> memref<20x128xi32, #tpu.memory_space<vmem>>
        %dma_wait3A_136 = arith.constant 2480 : i32
        %dma_wait3A_137 = arith.constant 0 : i32
        %dma_wait3A_138 = tpu.memref_slice %arg3[%dma_wait3A_136, %dma_wait3A_137] : memref<2500x128xi32, #tpu.memory_space<hbm>> -> memref<20x128xi32, #tpu.memory_space<hbm>>
        %dma_wait3A_139 = arith.constant 0 : i32
        %dma_wait3A_140 = arith.constant 0 : i32
        %dma_wait3A_141 = tpu.memref_slice %arg7[%dma_wait3A_139, %dma_wait3A_140] : memref<80x128xi32, #tpu.memory_space<vmem>> -> memref<20x128xi32, #tpu.memory_space<vmem>>
        %dma_wait3A_142 = arith.constant 2480 : i32
        %dma_wait3A_143 = arith.constant 0 : i32
        %dma_wait3A_144 = tpu.memref_slice %arg3[%dma_wait3A_142, %dma_wait3A_143] : memref<2500x128xi32, #tpu.memory_space<hbm>> -> memref<20x128xi32, #tpu.memory_space<hbm>>
        tpu.wait_dma2 semaphore(%run_scoped3A : memref<!tpu.dma_semaphore, #tpu.memory_space<semaphore_mem>>) src(%dma_wait3A_144 : memref<20x128xi32, #tpu.memory_space<hbm>>) dst(%dma_wait3A_141 : memref<20x128xi32, #tpu.memory_space<vmem>>)
        tpu.yield
      }) : () -> ()
    } else {
    }
    %select_n3A = arith.constant 80 : i32
    %select_n3A_9 = arith.constant 20 : i32
    %select_n3A_10 = arith.select %eq3A_1, %select_n3A_9, %select_n3A : i32
    %mul3A_11 = arith.constant 80 : i32
    %mul3A_12 = arith.muli %add3A, %mul3A_11 : i32
    %not3A_13 = arith.constant true
    %not3A_14 = arith.xori %eq3A_1, %not3A_13 : i1
    %convert_element_type3A_15 = arith.extui %not3A_14 : i1 to i32
    %cond3A_16 = arith.constant 0 : i32
    %cond3A_17 = arith.cmpi ne, %convert_element_type3A_15, %cond3A_16 : i32
    scf.if %cond3A_17 {
      "tpu.region"() ({
        %run_scoped3A = tpu.sem_alloc : memref<!tpu.dma_semaphore, #tpu.memory_space<semaphore_mem>>
        %dma_start3A_121 = arith.constant 0 : i32
        %dma_start3A_122 = tpu.memref_slice %arg4[%mul3A_12, %dma_start3A_121] : memref<2500x128xi32, #tpu.memory_space<hbm>> -> memref<80x128xi32, #tpu.memory_space<hbm>>
        %dma_start3A_123 = arith.constant 0 : i32
        %dma_start3A_124 = tpu.memref_slice %arg4[%mul3A_12, %dma_start3A_123] : memref<2500x128xi32, #tpu.memory_space<hbm>> -> memref<80x128xi32, #tpu.memory_space<hbm>>
        tpu.enqueue_dma source(%dma_start3A_124 : memref<80x128xi32, #tpu.memory_space<hbm>>) target(%arg8 : memref<80x128xi32, #tpu.memory_space<vmem>>) target_semaphore(%run_scoped3A : memref<!tpu.dma_semaphore, #tpu.memory_space<semaphore_mem>>)
        %dma_wait3A_125 = arith.constant 0 : i32
        %dma_wait3A_126 = tpu.memref_slice %arg4[%mul3A_12, %dma_wait3A_125] : memref<2500x128xi32, #tpu.memory_space<hbm>> -> memref<80x128xi32, #tpu.memory_space<hbm>>
        %dma_wait3A_127 = arith.constant 0 : i32
        %dma_wait3A_128 = tpu.memref_slice %arg4[%mul3A_12, %dma_wait3A_127] : memref<2500x128xi32, #tpu.memory_space<hbm>> -> memref<80x128xi32, #tpu.memory_space<hbm>>
        tpu.wait_dma2 semaphore(%run_scoped3A : memref<!tpu.dma_semaphore, #tpu.memory_space<semaphore_mem>>) src(%dma_wait3A_128 : memref<80x128xi32, #tpu.memory_space<hbm>>) dst(%arg8 : memref<80x128xi32, #tpu.memory_space<vmem>>)
        tpu.yield
      }) : () -> ()
    } else {
    }
    %convert_element_type3A_18 = arith.extui %eq3A_1 : i1 to i32
    %cond3A_19 = arith.constant 0 : i32
    %cond3A_20 = arith.cmpi ne, %convert_element_type3A_18, %cond3A_19 : i32
    scf.if %cond3A_20 {
      "tpu.region"() ({
        %run_scoped3A = tpu.sem_alloc : memref<!tpu.dma_semaphore, #tpu.memory_space<semaphore_mem>>
        %dma_start3A_121 = arith.constant 0 : i32
        %dma_start3A_122 = arith.constant 0 : i32
        %dma_start3A_123 = tpu.memref_slice %arg8[%dma_start3A_121, %dma_start3A_122] : memref<80x128xi32, #tpu.memory_space<vmem>> -> memref<20x128xi32, #tpu.memory_space<vmem>>
        %dma_start3A_124 = arith.constant 2480 : i32
        %dma_start3A_125 = arith.constant 0 : i32
        %dma_start3A_126 = tpu.memref_slice %arg4[%dma_start3A_124, %dma_start3A_125] : memref<2500x128xi32, #tpu.memory_space<hbm>> -> memref<20x128xi32, #tpu.memory_space<hbm>>
        %dma_start3A_127 = arith.constant 0 : i32
        %dma_start3A_128 = arith.constant 0 : i32
        %dma_start3A_129 = tpu.memref_slice %arg8[%dma_start3A_127, %dma_start3A_128] : memref<80x128xi32, #tpu.memory_space<vmem>> -> memref<20x128xi32, #tpu.memory_space<vmem>>
        %dma_start3A_130 = arith.constant 2480 : i32
        %dma_start3A_131 = arith.constant 0 : i32
        %dma_start3A_132 = tpu.memref_slice %arg4[%dma_start3A_130, %dma_start3A_131] : memref<2500x128xi32, #tpu.memory_space<hbm>> -> memref<20x128xi32, #tpu.memory_space<hbm>>
        tpu.enqueue_dma source(%dma_start3A_132 : memref<20x128xi32, #tpu.memory_space<hbm>>) target(%dma_start3A_129 : memref<20x128xi32, #tpu.memory_space<vmem>>) target_semaphore(%run_scoped3A : memref<!tpu.dma_semaphore, #tpu.memory_space<semaphore_mem>>)
        %dma_wait3A_133 = arith.constant 0 : i32
        %dma_wait3A_134 = arith.constant 0 : i32
        %dma_wait3A_135 = tpu.memref_slice %arg8[%dma_wait3A_133, %dma_wait3A_134] : memref<80x128xi32, #tpu.memory_space<vmem>> -> memref<20x128xi32, #tpu.memory_space<vmem>>
        %dma_wait3A_136 = arith.constant 2480 : i32
        %dma_wait3A_137 = arith.constant 0 : i32
        %dma_wait3A_138 = tpu.memref_slice %arg4[%dma_wait3A_136, %dma_wait3A_137] : memref<2500x128xi32, #tpu.memory_space<hbm>> -> memref<20x128xi32, #tpu.memory_space<hbm>>
        %dma_wait3A_139 = arith.constant 0 : i32
        %dma_wait3A_140 = arith.constant 0 : i32
        %dma_wait3A_141 = tpu.memref_slice %arg8[%dma_wait3A_139, %dma_wait3A_140] : memref<80x128xi32, #tpu.memory_space<vmem>> -> memref<20x128xi32, #tpu.memory_space<vmem>>
        %dma_wait3A_142 = arith.constant 2480 : i32
        %dma_wait3A_143 = arith.constant 0 : i32
        %dma_wait3A_144 = tpu.memref_slice %arg4[%dma_wait3A_142, %dma_wait3A_143] : memref<2500x128xi32, #tpu.memory_space<hbm>> -> memref<20x128xi32, #tpu.memory_space<hbm>>
        tpu.wait_dma2 semaphore(%run_scoped3A : memref<!tpu.dma_semaphore, #tpu.memory_space<semaphore_mem>>) src(%dma_wait3A_144 : memref<20x128xi32, #tpu.memory_space<hbm>>) dst(%dma_wait3A_141 : memref<20x128xi32, #tpu.memory_space<vmem>>)
        tpu.yield
      }) : () -> ()
    } else {
    }
    %select_n3A_21 = arith.constant 80 : i32
    %select_n3A_22 = arith.constant 20 : i32
    %select_n3A_23 = arith.select %eq3A_1, %select_n3A_22, %select_n3A_21 : i32
    %mul3A_24 = arith.constant 640 : i32
    %mul3A_25 = arith.muli %arg1, %mul3A_24 : i32
    "tpu.region"() ({
      %run_scoped3A = tpu.sem_alloc : memref<!tpu.dma_semaphore, #tpu.memory_space<semaphore_mem>>
      %dma_start3A_121 = arith.constant 0 : i32
      %dma_start3A_122 = tpu.memref_slice %arg24[%mul3A_25, %dma_start3A_121] : memref<10240x64xf32, #tpu.memory_space<vmem_shared>> -> memref<640x64xf32, #tpu.memory_space<vmem_shared>>
      tpu.enqueue_dma source(%arg5 : memref<640x64xf32, #tpu.memory_space<hbm>>) target(%dma_start3A_122 : memref<640x64xf32, #tpu.memory_space<vmem_shared>>) target_semaphore(%run_scoped3A : memref<!tpu.dma_semaphore, #tpu.memory_space<semaphore_mem>>)
      %dma_wait3A_123 = arith.constant 0 : i32
      %dma_wait3A_124 = tpu.memref_slice %arg24[%mul3A_25, %dma_wait3A_123] : memref<10240x64xf32, #tpu.memory_space<vmem_shared>> -> memref<640x64xf32, #tpu.memory_space<vmem_shared>>
      tpu.wait_dma2 semaphore(%run_scoped3A : memref<!tpu.dma_semaphore, #tpu.memory_space<semaphore_mem>>) src(%arg5 : memref<640x64xf32, #tpu.memory_space<hbm>>) dst(%dma_wait3A_124 : memref<640x64xf32, #tpu.memory_space<vmem_shared>>)
      tpu.yield
    }) : () -> ()
    %barrier3A = arith.constant 0 : index
    tpu.barrier barrier_id(%barrier3A)
    %dma_start3A = arith.constant 0 : i32
    %dma_start3A_26 = arith.constant 0 : i32
    %dma_start3A_27 = tpu.memref_slice %arg7[%dma_start3A, %dma_start3A_26] : memref<80x128xi32, #tpu.memory_space<vmem>> -> memref<1x128xi32, #tpu.memory_space<vmem>>
    %dma_start3A_28 = tpu.memref_squeeze %dma_start3A_27 : memref<1x128xi32, #tpu.memory_space<vmem>> -> memref<128xi32, #tpu.memory_space<vmem>>
    %dma_start3A_29 = arith.constant 0 : i32
    %dma_start3A_30 = arith.constant 0 : i32
    %dma_start3A_31 = tpu.memref_slice %arg2[%dma_start3A_29, %dma_start3A_30] : memref<10240x64xf32, #tpu.memory_space<hbm>> -> memref<10240x64xf32, #tpu.memory_space<hbm>>
    tpu.enqueue_indirect_dma source(%dma_start3A_31 : memref<10240x64xf32, #tpu.memory_space<hbm>>) target(%arg9 : memref<128x64xf32, #tpu.memory_space<vmem>>) offsets(%dma_start3A_28 : memref<128xi32, #tpu.memory_space<vmem>>) semaphore(%arg14 : memref<!tpu.dma_semaphore, #tpu.memory_space<semaphore_mem>>)
    %dma_start3A_32 = arith.constant 1 : i32
    %dma_start3A_33 = arith.constant 0 : i32
    %dma_start3A_34 = tpu.memref_slice %arg7[%dma_start3A_32, %dma_start3A_33] : memref<80x128xi32, #tpu.memory_space<vmem>> -> memref<1x128xi32, #tpu.memory_space<vmem>>
    %dma_start3A_35 = tpu.memref_squeeze %dma_start3A_34 : memref<1x128xi32, #tpu.memory_space<vmem>> -> memref<128xi32, #tpu.memory_space<vmem>>
    %dma_start3A_36 = arith.constant 0 : i32
    %dma_start3A_37 = arith.constant 0 : i32
    %dma_start3A_38 = tpu.memref_slice %arg2[%dma_start3A_36, %dma_start3A_37] : memref<10240x64xf32, #tpu.memory_space<hbm>> -> memref<10240x64xf32, #tpu.memory_space<hbm>>
    tpu.enqueue_indirect_dma source(%dma_start3A_38 : memref<10240x64xf32, #tpu.memory_space<hbm>>) target(%arg10 : memref<128x64xf32, #tpu.memory_space<vmem>>) offsets(%dma_start3A_35 : memref<128xi32, #tpu.memory_space<vmem>>) semaphore(%arg15 : memref<!tpu.dma_semaphore, #tpu.memory_space<semaphore_mem>>)
    %dma_start3A_39 = arith.constant 2 : i32
    %dma_start3A_40 = arith.constant 0 : i32
    %dma_start3A_41 = tpu.memref_slice %arg7[%dma_start3A_39, %dma_start3A_40] : memref<80x128xi32, #tpu.memory_space<vmem>> -> memref<1x128xi32, #tpu.memory_space<vmem>>
    %dma_start3A_42 = tpu.memref_squeeze %dma_start3A_41 : memref<1x128xi32, #tpu.memory_space<vmem>> -> memref<128xi32, #tpu.memory_space<vmem>>
    %dma_start3A_43 = arith.constant 0 : i32
    %dma_start3A_44 = arith.constant 0 : i32
    %dma_start3A_45 = tpu.memref_slice %arg2[%dma_start3A_43, %dma_start3A_44] : memref<10240x64xf32, #tpu.memory_space<hbm>> -> memref<10240x64xf32, #tpu.memory_space<hbm>>
    tpu.enqueue_indirect_dma source(%dma_start3A_45 : memref<10240x64xf32, #tpu.memory_space<hbm>>) target(%arg11 : memref<128x64xf32, #tpu.memory_space<vmem>>) offsets(%dma_start3A_42 : memref<128xi32, #tpu.memory_space<vmem>>) semaphore(%arg16 : memref<!tpu.dma_semaphore, #tpu.memory_space<semaphore_mem>>)
    %dma_start3A_46 = arith.constant 3 : i32
    %dma_start3A_47 = arith.constant 0 : i32
    %dma_start3A_48 = tpu.memref_slice %arg7[%dma_start3A_46, %dma_start3A_47] : memref<80x128xi32, #tpu.memory_space<vmem>> -> memref<1x128xi32, #tpu.memory_space<vmem>>
    %dma_start3A_49 = tpu.memref_squeeze %dma_start3A_48 : memref<1x128xi32, #tpu.memory_space<vmem>> -> memref<128xi32, #tpu.memory_space<vmem>>
    %dma_start3A_50 = arith.constant 0 : i32
    %dma_start3A_51 = arith.constant 0 : i32
    %dma_start3A_52 = tpu.memref_slice %arg2[%dma_start3A_50, %dma_start3A_51] : memref<10240x64xf32, #tpu.memory_space<hbm>> -> memref<10240x64xf32, #tpu.memory_space<hbm>>
    tpu.enqueue_indirect_dma source(%dma_start3A_52 : memref<10240x64xf32, #tpu.memory_space<hbm>>) target(%arg12 : memref<128x64xf32, #tpu.memory_space<vmem>>) offsets(%dma_start3A_49 : memref<128xi32, #tpu.memory_space<vmem>>) semaphore(%arg17 : memref<!tpu.dma_semaphore, #tpu.memory_space<semaphore_mem>>)
    %dma_start3A_53 = arith.constant 4 : i32
    %dma_start3A_54 = arith.constant 0 : i32
    %dma_start3A_55 = tpu.memref_slice %arg7[%dma_start3A_53, %dma_start3A_54] : memref<80x128xi32, #tpu.memory_space<vmem>> -> memref<1x128xi32, #tpu.memory_space<vmem>>
    %dma_start3A_56 = tpu.memref_squeeze %dma_start3A_55 : memref<1x128xi32, #tpu.memory_space<vmem>> -> memref<128xi32, #tpu.memory_space<vmem>>
    %dma_start3A_57 = arith.constant 0 : i32
    %dma_start3A_58 = arith.constant 0 : i32
    %dma_start3A_59 = tpu.memref_slice %arg2[%dma_start3A_57, %dma_start3A_58] : memref<10240x64xf32, #tpu.memory_space<hbm>> -> memref<10240x64xf32, #tpu.memory_space<hbm>>
    tpu.enqueue_indirect_dma source(%dma_start3A_59 : memref<10240x64xf32, #tpu.memory_space<hbm>>) target(%arg13 : memref<128x64xf32, #tpu.memory_space<vmem>>) offsets(%dma_start3A_56 : memref<128xi32, #tpu.memory_space<vmem>>) semaphore(%arg18 : memref<!tpu.dma_semaphore, #tpu.memory_space<semaphore_mem>>)
    %jit3A = arith.constant 5 : i32
    %div3A = arith.divsi %select_n3A_10, %jit3A : i32
    %sign3A = arith.constant 0 : i32
    %sign3A_60 = arith.cmpi sgt, %select_n3A_10, %sign3A : i32
    %sign3A_61 = arith.extui %sign3A_60 : i1 to i32
    %sign3A_62 = arith.constant 0 : i32
    %sign3A_63 = arith.cmpi slt, %select_n3A_10, %sign3A_62 : i32
    %sign3A_64 = arith.extui %sign3A_63 : i1 to i32
    %sign3A_65 = arith.subi %sign3A_61, %sign3A_64 : i32
    %sign3A_66 = arith.constant 0 : i32
    %sign3A_67 = arith.cmpi sgt, %jit3A, %sign3A_66 : i32
    %sign3A_68 = arith.extui %sign3A_67 : i1 to i32
    %sign3A_69 = arith.constant 0 : i32
    %sign3A_70 = arith.cmpi slt, %jit3A, %sign3A_69 : i32
    %sign3A_71 = arith.extui %sign3A_70 : i1 to i32
    %sign3A_72 = arith.subi %sign3A_68, %sign3A_71 : i32
    %ne3A = arith.cmpi ne, %sign3A_65, %sign3A_72 : i32
    %rem3A = arith.remsi %select_n3A_10, %jit3A : i32
    %ne3A_73 = arith.constant 0 : i32
    %ne3A_74 = arith.cmpi ne, %rem3A, %ne3A_73 : i32
    %and3A = arith.andi %ne3A, %ne3A_74 : i1
    %sub3A = arith.constant 1 : i32
    %sub3A_75 = arith.subi %div3A, %sub3A : i32
    %select_n3A_76 = arith.select %and3A, %sub3A_75, %div3A : i32
    %while3A = arith.constant 0 : i32
    %while3A_77 = arith.constant 0 : i32
    %while3A_78 = arith.subi %select_n3A_76, %while3A_77 : i32
    %while3A_79 = arith.addi %while3A_77, %while3A_78 : i32
    %while3A_80 = arith.constant 1 : i32
    %while3A_81 = arith.divsi %while3A_78, %while3A_80 : i32
    %while3A_82 = arith.muli %while3A_81, %while3A_80 : i32
    %while3A_83 = arith.addi %while3A_77, %while3A_82 : i32
    %while3A_84 = arith.constant 1 : i32
    scf.for %while3A_121 = %while3A_77 to %while3A_83 step %while3A_84  : i32 {
      %mul3A_122 = arith.constant 5 : i32
      %mul3A_123 = arith.muli %mul3A_122, %while3A_121 : i32
      %add3A_124 = arith.constant 0 : i32
      %add3A_125 = arith.addi %mul3A_123, %add3A_124 : i32
      %dma_wait3A_126 = arith.constant 0 : i32
      %dma_wait3A_127 = tpu.memref_slice %arg7[%add3A_125, %dma_wait3A_126] : memref<80x128xi32, #tpu.memory_space<vmem>> -> memref<1x128xi32, #tpu.memory_space<vmem>>
      %dma_wait3A_128 = tpu.memref_squeeze %dma_wait3A_127 : memref<1x128xi32, #tpu.memory_space<vmem>> -> memref<128xi32, #tpu.memory_space<vmem>>
      %dma_wait3A_129 = arith.constant 0 : i32
      %dma_wait3A_130 = arith.constant 0 : i32
      %dma_wait3A_131 = tpu.memref_slice %arg2[%dma_wait3A_129, %dma_wait3A_130] : memref<10240x64xf32, #tpu.memory_space<hbm>> -> memref<10240x64xf32, #tpu.memory_space<hbm>>
      tpu.wait_indirect_dma semaphore(%arg14 : memref<!tpu.dma_semaphore, #tpu.memory_space<semaphore_mem>>) src(%dma_wait3A_131 : memref<10240x64xf32, #tpu.memory_space<hbm>>) dst(%arg9 : memref<128x64xf32, #tpu.memory_space<vmem>>)
      %add3A_132 = arith.constant 0 : i32
      %add3A_133 = arith.addi %mul3A_123, %add3A_132 : i32
      %dma_start3A_134 = arith.constant 0 : i32
      %dma_start3A_135 = tpu.memref_slice %arg8[%add3A_133, %dma_start3A_134] : memref<80x128xi32, #tpu.memory_space<vmem>> -> memref<1x128xi32, #tpu.memory_space<vmem>>
      %dma_start3A_136 = tpu.memref_squeeze %dma_start3A_135 : memref<1x128xi32, #tpu.memory_space<vmem>> -> memref<128xi32, #tpu.memory_space<vmem>>
      %dma_start3A_137 = arith.constant 0 : i32
      %dma_start3A_138 = arith.constant 0 : i32
      %dma_start3A_139 = tpu.memref_slice %arg24[%dma_start3A_137, %dma_start3A_138] : memref<10240x64xf32, #tpu.memory_space<vmem_shared>> -> memref<10240x64xf32, #tpu.memory_space<vmem_shared>>
      tpu.enqueue_indirect_dma source(%arg9 : memref<128x64xf32, #tpu.memory_space<vmem>>) target(%dma_start3A_139 : memref<10240x64xf32, #tpu.memory_space<vmem_shared>>) offsets(%dma_start3A_136 : memref<128xi32, #tpu.memory_space<vmem>>) semaphore(%arg19 : memref<!tpu.dma_semaphore, #tpu.memory_space<semaphore_mem>>) {add = true}
      %add3A_140 = arith.constant 1 : i32
      %add3A_141 = arith.addi %mul3A_123, %add3A_140 : i32
      %dma_wait3A_142 = arith.constant 0 : i32
      %dma_wait3A_143 = tpu.memref_slice %arg7[%add3A_141, %dma_wait3A_142] : memref<80x128xi32, #tpu.memory_space<vmem>> -> memref<1x128xi32, #tpu.memory_space<vmem>>
      %dma_wait3A_144 = tpu.memref_squeeze %dma_wait3A_143 : memref<1x128xi32, #tpu.memory_space<vmem>> -> memref<128xi32, #tpu.memory_space<vmem>>
      %dma_wait3A_145 = arith.constant 0 : i32
      %dma_wait3A_146 = arith.constant 0 : i32
      %dma_wait3A_147 = tpu.memref_slice %arg2[%dma_wait3A_145, %dma_wait3A_146] : memref<10240x64xf32, #tpu.memory_space<hbm>> -> memref<10240x64xf32, #tpu.memory_space<hbm>>
      tpu.wait_indirect_dma semaphore(%arg15 : memref<!tpu.dma_semaphore, #tpu.memory_space<semaphore_mem>>) src(%dma_wait3A_147 : memref<10240x64xf32, #tpu.memory_space<hbm>>) dst(%arg10 : memref<128x64xf32, #tpu.memory_space<vmem>>)
      %add3A_148 = arith.constant 1 : i32
      %add3A_149 = arith.addi %mul3A_123, %add3A_148 : i32
      %dma_start3A_150 = arith.constant 0 : i32
      %dma_start3A_151 = tpu.memref_slice %arg8[%add3A_149, %dma_start3A_150] : memref<80x128xi32, #tpu.memory_space<vmem>> -> memref<1x128xi32, #tpu.memory_space<vmem>>
      %dma_start3A_152 = tpu.memref_squeeze %dma_start3A_151 : memref<1x128xi32, #tpu.memory_space<vmem>> -> memref<128xi32, #tpu.memory_space<vmem>>
      %dma_start3A_153 = arith.constant 0 : i32
      %dma_start3A_154 = arith.constant 0 : i32
      %dma_start3A_155 = tpu.memref_slice %arg24[%dma_start3A_153, %dma_start3A_154] : memref<10240x64xf32, #tpu.memory_space<vmem_shared>> -> memref<10240x64xf32, #tpu.memory_space<vmem_shared>>
      tpu.enqueue_indirect_dma source(%arg10 : memref<128x64xf32, #tpu.memory_space<vmem>>) target(%dma_start3A_155 : memref<10240x64xf32, #tpu.memory_space<vmem_shared>>) offsets(%dma_start3A_152 : memref<128xi32, #tpu.memory_space<vmem>>) semaphore(%arg20 : memref<!tpu.dma_semaphore, #tpu.memory_space<semaphore_mem>>) {add = true}
      %add3A_156 = arith.constant 2 : i32
      %add3A_157 = arith.addi %mul3A_123, %add3A_156 : i32
      %dma_wait3A_158 = arith.constant 0 : i32
      %dma_wait3A_159 = tpu.memref_slice %arg7[%add3A_157, %dma_wait3A_158] : memref<80x128xi32, #tpu.memory_space<vmem>> -> memref<1x128xi32, #tpu.memory_space<vmem>>
      %dma_wait3A_160 = tpu.memref_squeeze %dma_wait3A_159 : memref<1x128xi32, #tpu.memory_space<vmem>> -> memref<128xi32, #tpu.memory_space<vmem>>
      %dma_wait3A_161 = arith.constant 0 : i32
      %dma_wait3A_162 = arith.constant 0 : i32
      %dma_wait3A_163 = tpu.memref_slice %arg2[%dma_wait3A_161, %dma_wait3A_162] : memref<10240x64xf32, #tpu.memory_space<hbm>> -> memref<10240x64xf32, #tpu.memory_space<hbm>>
      tpu.wait_indirect_dma semaphore(%arg16 : memref<!tpu.dma_semaphore, #tpu.memory_space<semaphore_mem>>) src(%dma_wait3A_163 : memref<10240x64xf32, #tpu.memory_space<hbm>>) dst(%arg11 : memref<128x64xf32, #tpu.memory_space<vmem>>)
      %add3A_164 = arith.constant 2 : i32
      %add3A_165 = arith.addi %mul3A_123, %add3A_164 : i32
      %dma_start3A_166 = arith.constant 0 : i32
      %dma_start3A_167 = tpu.memref_slice %arg8[%add3A_165, %dma_start3A_166] : memref<80x128xi32, #tpu.memory_space<vmem>> -> memref<1x128xi32, #tpu.memory_space<vmem>>
      %dma_start3A_168 = tpu.memref_squeeze %dma_start3A_167 : memref<1x128xi32, #tpu.memory_space<vmem>> -> memref<128xi32, #tpu.memory_space<vmem>>
      %dma_start3A_169 = arith.constant 0 : i32
      %dma_start3A_170 = arith.constant 0 : i32
      %dma_start3A_171 = tpu.memref_slice %arg24[%dma_start3A_169, %dma_start3A_170] : memref<10240x64xf32, #tpu.memory_space<vmem_shared>> -> memref<10240x64xf32, #tpu.memory_space<vmem_shared>>
      tpu.enqueue_indirect_dma source(%arg11 : memref<128x64xf32, #tpu.memory_space<vmem>>) target(%dma_start3A_171 : memref<10240x64xf32, #tpu.memory_space<vmem_shared>>) offsets(%dma_start3A_168 : memref<128xi32, #tpu.memory_space<vmem>>) semaphore(%arg21 : memref<!tpu.dma_semaphore, #tpu.memory_space<semaphore_mem>>) {add = true}
      %add3A_172 = arith.constant 3 : i32
      %add3A_173 = arith.addi %mul3A_123, %add3A_172 : i32
      %dma_wait3A_174 = arith.constant 0 : i32
      %dma_wait3A_175 = tpu.memref_slice %arg7[%add3A_173, %dma_wait3A_174] : memref<80x128xi32, #tpu.memory_space<vmem>> -> memref<1x128xi32, #tpu.memory_space<vmem>>
      %dma_wait3A_176 = tpu.memref_squeeze %dma_wait3A_175 : memref<1x128xi32, #tpu.memory_space<vmem>> -> memref<128xi32, #tpu.memory_space<vmem>>
      %dma_wait3A_177 = arith.constant 0 : i32
      %dma_wait3A_178 = arith.constant 0 : i32
      %dma_wait3A_179 = tpu.memref_slice %arg2[%dma_wait3A_177, %dma_wait3A_178] : memref<10240x64xf32, #tpu.memory_space<hbm>> -> memref<10240x64xf32, #tpu.memory_space<hbm>>
      tpu.wait_indirect_dma semaphore(%arg17 : memref<!tpu.dma_semaphore, #tpu.memory_space<semaphore_mem>>) src(%dma_wait3A_179 : memref<10240x64xf32, #tpu.memory_space<hbm>>) dst(%arg12 : memref<128x64xf32, #tpu.memory_space<vmem>>)
      %add3A_180 = arith.constant 3 : i32
      %add3A_181 = arith.addi %mul3A_123, %add3A_180 : i32
      %dma_start3A_182 = arith.constant 0 : i32
      %dma_start3A_183 = tpu.memref_slice %arg8[%add3A_181, %dma_start3A_182] : memref<80x128xi32, #tpu.memory_space<vmem>> -> memref<1x128xi32, #tpu.memory_space<vmem>>
      %dma_start3A_184 = tpu.memref_squeeze %dma_start3A_183 : memref<1x128xi32, #tpu.memory_space<vmem>> -> memref<128xi32, #tpu.memory_space<vmem>>
      %dma_start3A_185 = arith.constant 0 : i32
      %dma_start3A_186 = arith.constant 0 : i32
      %dma_start3A_187 = tpu.memref_slice %arg24[%dma_start3A_185, %dma_start3A_186] : memref<10240x64xf32, #tpu.memory_space<vmem_shared>> -> memref<10240x64xf32, #tpu.memory_space<vmem_shared>>
      tpu.enqueue_indirect_dma source(%arg12 : memref<128x64xf32, #tpu.memory_space<vmem>>) target(%dma_start3A_187 : memref<10240x64xf32, #tpu.memory_space<vmem_shared>>) offsets(%dma_start3A_184 : memref<128xi32, #tpu.memory_space<vmem>>) semaphore(%arg22 : memref<!tpu.dma_semaphore, #tpu.memory_space<semaphore_mem>>) {add = true}
      %add3A_188 = arith.constant 4 : i32
      %add3A_189 = arith.addi %mul3A_123, %add3A_188 : i32
      %dma_wait3A_190 = arith.constant 0 : i32
      %dma_wait3A_191 = tpu.memref_slice %arg7[%add3A_189, %dma_wait3A_190] : memref<80x128xi32, #tpu.memory_space<vmem>> -> memref<1x128xi32, #tpu.memory_space<vmem>>
      %dma_wait3A_192 = tpu.memref_squeeze %dma_wait3A_191 : memref<1x128xi32, #tpu.memory_space<vmem>> -> memref<128xi32, #tpu.memory_space<vmem>>
      %dma_wait3A_193 = arith.constant 0 : i32
      %dma_wait3A_194 = arith.constant 0 : i32
      %dma_wait3A_195 = tpu.memref_slice %arg2[%dma_wait3A_193, %dma_wait3A_194] : memref<10240x64xf32, #tpu.memory_space<hbm>> -> memref<10240x64xf32, #tpu.memory_space<hbm>>
      tpu.wait_indirect_dma semaphore(%arg18 : memref<!tpu.dma_semaphore, #tpu.memory_space<semaphore_mem>>) src(%dma_wait3A_195 : memref<10240x64xf32, #tpu.memory_space<hbm>>) dst(%arg13 : memref<128x64xf32, #tpu.memory_space<vmem>>)
      %add3A_196 = arith.constant 4 : i32
      %add3A_197 = arith.addi %mul3A_123, %add3A_196 : i32
      %dma_start3A_198 = arith.constant 0 : i32
      %dma_start3A_199 = tpu.memref_slice %arg8[%add3A_197, %dma_start3A_198] : memref<80x128xi32, #tpu.memory_space<vmem>> -> memref<1x128xi32, #tpu.memory_space<vmem>>
      %dma_start3A_200 = tpu.memref_squeeze %dma_start3A_199 : memref<1x128xi32, #tpu.memory_space<vmem>> -> memref<128xi32, #tpu.memory_space<vmem>>
      %dma_start3A_201 = arith.constant 0 : i32
      %dma_start3A_202 = arith.constant 0 : i32
      %dma_start3A_203 = tpu.memref_slice %arg24[%dma_start3A_201, %dma_start3A_202] : memref<10240x64xf32, #tpu.memory_space<vmem_shared>> -> memref<10240x64xf32, #tpu.memory_space<vmem_shared>>
      tpu.enqueue_indirect_dma source(%arg13 : memref<128x64xf32, #tpu.memory_space<vmem>>) target(%dma_start3A_203 : memref<10240x64xf32, #tpu.memory_space<vmem_shared>>) offsets(%dma_start3A_200 : memref<128xi32, #tpu.memory_space<vmem>>) semaphore(%arg23 : memref<!tpu.dma_semaphore, #tpu.memory_space<semaphore_mem>>) {add = true}
      %add3A_204 = arith.constant 5 : i32
      %add3A_205 = arith.addi %mul3A_123, %add3A_204 : i32
      %add3A_206 = arith.constant 0 : i32
      %add3A_207 = arith.addi %add3A_205, %add3A_206 : i32
      %lt3A = arith.cmpi slt, %add3A_207, %select_n3A_10 : i32
      %convert_element_type3A_208 = arith.extui %lt3A : i1 to i32
      %cond3A_209 = arith.constant 0 : i32
      %cond3A_210 = arith.cmpi ne, %convert_element_type3A_208, %cond3A_209 : i32
      scf.if %cond3A_210 {
        %dma_wait3A_243 = arith.constant 0 : i32
        %dma_wait3A_244 = tpu.memref_slice %arg8[%add3A_207, %dma_wait3A_243] : memref<80x128xi32, #tpu.memory_space<vmem>> -> memref<1x128xi32, #tpu.memory_space<vmem>>
        %dma_wait3A_245 = tpu.memref_squeeze %dma_wait3A_244 : memref<1x128xi32, #tpu.memory_space<vmem>> -> memref<128xi32, #tpu.memory_space<vmem>>
        %dma_wait3A_246 = arith.constant 0 : i32
        %dma_wait3A_247 = arith.constant 0 : i32
        %dma_wait3A_248 = tpu.memref_slice %arg24[%dma_wait3A_246, %dma_wait3A_247] : memref<10240x64xf32, #tpu.memory_space<vmem_shared>> -> memref<10240x64xf32, #tpu.memory_space<vmem_shared>>
        tpu.wait_indirect_dma semaphore(%arg19 : memref<!tpu.dma_semaphore, #tpu.memory_space<semaphore_mem>>) src(%arg9 : memref<128x64xf32, #tpu.memory_space<vmem>>) dst(%dma_wait3A_248 : memref<10240x64xf32, #tpu.memory_space<vmem_shared>>)
        %dma_start3A_249 = arith.constant 0 : i32
        %dma_start3A_250 = tpu.memref_slice %arg7[%add3A_207, %dma_start3A_249] : memref<80x128xi32, #tpu.memory_space<vmem>> -> memref<1x128xi32, #tpu.memory_space<vmem>>
        %dma_start3A_251 = tpu.memref_squeeze %dma_start3A_250 : memref<1x128xi32, #tpu.memory_space<vmem>> -> memref<128xi32, #tpu.memory_space<vmem>>
        %dma_start3A_252 = arith.constant 0 : i32
        %dma_start3A_253 = arith.constant 0 : i32
        %dma_start3A_254 = tpu.memref_slice %arg2[%dma_start3A_252, %dma_start3A_253] : memref<10240x64xf32, #tpu.memory_space<hbm>> -> memref<10240x64xf32, #tpu.memory_space<hbm>>
        tpu.enqueue_indirect_dma source(%dma_start3A_254 : memref<10240x64xf32, #tpu.memory_space<hbm>>) target(%arg9 : memref<128x64xf32, #tpu.memory_space<vmem>>) offsets(%dma_start3A_251 : memref<128xi32, #tpu.memory_space<vmem>>) semaphore(%arg14 : memref<!tpu.dma_semaphore, #tpu.memory_space<semaphore_mem>>)
      } else {
      }
      %add3A_211 = arith.constant 5 : i32
      %add3A_212 = arith.addi %mul3A_123, %add3A_211 : i32
      %add3A_213 = arith.constant 1 : i32
      %add3A_214 = arith.addi %add3A_212, %add3A_213 : i32
      %lt3A_215 = arith.cmpi slt, %add3A_214, %select_n3A_10 : i32
      %convert_element_type3A_216 = arith.extui %lt3A_215 : i1 to i32
      %cond3A_217 = arith.constant 0 : i32
      %cond3A_218 = arith.cmpi ne, %convert_element_type3A_216, %cond3A_217 : i32
      scf.if %cond3A_218 {
        %dma_wait3A_243 = arith.constant 0 : i32
        %dma_wait3A_244 = tpu.memref_slice %arg8[%add3A_214, %dma_wait3A_243] : memref<80x128xi32, #tpu.memory_space<vmem>> -> memref<1x128xi32, #tpu.memory_space<vmem>>
        %dma_wait3A_245 = tpu.memref_squeeze %dma_wait3A_244 : memref<1x128xi32, #tpu.memory_space<vmem>> -> memref<128xi32, #tpu.memory_space<vmem>>
        %dma_wait3A_246 = arith.constant 0 : i32
        %dma_wait3A_247 = arith.constant 0 : i32
        %dma_wait3A_248 = tpu.memref_slice %arg24[%dma_wait3A_246, %dma_wait3A_247] : memref<10240x64xf32, #tpu.memory_space<vmem_shared>> -> memref<10240x64xf32, #tpu.memory_space<vmem_shared>>
        tpu.wait_indirect_dma semaphore(%arg20 : memref<!tpu.dma_semaphore, #tpu.memory_space<semaphore_mem>>) src(%arg10 : memref<128x64xf32, #tpu.memory_space<vmem>>) dst(%dma_wait3A_248 : memref<10240x64xf32, #tpu.memory_space<vmem_shared>>)
        %dma_start3A_249 = arith.constant 0 : i32
        %dma_start3A_250 = tpu.memref_slice %arg7[%add3A_214, %dma_start3A_249] : memref<80x128xi32, #tpu.memory_space<vmem>> -> memref<1x128xi32, #tpu.memory_space<vmem>>
        %dma_start3A_251 = tpu.memref_squeeze %dma_start3A_250 : memref<1x128xi32, #tpu.memory_space<vmem>> -> memref<128xi32, #tpu.memory_space<vmem>>
        %dma_start3A_252 = arith.constant 0 : i32
        %dma_start3A_253 = arith.constant 0 : i32
        %dma_start3A_254 = tpu.memref_slice %arg2[%dma_start3A_252, %dma_start3A_253] : memref<10240x64xf32, #tpu.memory_space<hbm>> -> memref<10240x64xf32, #tpu.memory_space<hbm>>
        tpu.enqueue_indirect_dma source(%dma_start3A_254 : memref<10240x64xf32, #tpu.memory_space<hbm>>) target(%arg10 : memref<128x64xf32, #tpu.memory_space<vmem>>) offsets(%dma_start3A_251 : memref<128xi32, #tpu.memory_space<vmem>>) semaphore(%arg15 : memref<!tpu.dma_semaphore, #tpu.memory_space<semaphore_mem>>)
      } else {
      }
      %add3A_219 = arith.constant 5 : i32
      %add3A_220 = arith.addi %mul3A_123, %add3A_219 : i32
      %add3A_221 = arith.constant 2 : i32
      %add3A_222 = arith.addi %add3A_220, %add3A_221 : i32
      %lt3A_223 = arith.cmpi slt, %add3A_222, %select_n3A_10 : i32
      %convert_element_type3A_224 = arith.extui %lt3A_223 : i1 to i32
      %cond3A_225 = arith.constant 0 : i32
      %cond3A_226 = arith.cmpi ne, %convert_element_type3A_224, %cond3A_225 : i32
      scf.if %cond3A_226 {
        %dma_wait3A_243 = arith.constant 0 : i32
        %dma_wait3A_244 = tpu.memref_slice %arg8[%add3A_222, %dma_wait3A_243] : memref<80x128xi32, #tpu.memory_space<vmem>> -> memref<1x128xi32, #tpu.memory_space<vmem>>
        %dma_wait3A_245 = tpu.memref_squeeze %dma_wait3A_244 : memref<1x128xi32, #tpu.memory_space<vmem>> -> memref<128xi32, #tpu.memory_space<vmem>>
        %dma_wait3A_246 = arith.constant 0 : i32
        %dma_wait3A_247 = arith.constant 0 : i32
        %dma_wait3A_248 = tpu.memref_slice %arg24[%dma_wait3A_246, %dma_wait3A_247] : memref<10240x64xf32, #tpu.memory_space<vmem_shared>> -> memref<10240x64xf32, #tpu.memory_space<vmem_shared>>
        tpu.wait_indirect_dma semaphore(%arg21 : memref<!tpu.dma_semaphore, #tpu.memory_space<semaphore_mem>>) src(%arg11 : memref<128x64xf32, #tpu.memory_space<vmem>>) dst(%dma_wait3A_248 : memref<10240x64xf32, #tpu.memory_space<vmem_shared>>)
        %dma_start3A_249 = arith.constant 0 : i32
        %dma_start3A_250 = tpu.memref_slice %arg7[%add3A_222, %dma_start3A_249] : memref<80x128xi32, #tpu.memory_space<vmem>> -> memref<1x128xi32, #tpu.memory_space<vmem>>
        %dma_start3A_251 = tpu.memref_squeeze %dma_start3A_250 : memref<1x128xi32, #tpu.memory_space<vmem>> -> memref<128xi32, #tpu.memory_space<vmem>>
        %dma_start3A_252 = arith.constant 0 : i32
        %dma_start3A_253 = arith.constant 0 : i32
        %dma_start3A_254 = tpu.memref_slice %arg2[%dma_start3A_252, %dma_start3A_253] : memref<10240x64xf32, #tpu.memory_space<hbm>> -> memref<10240x64xf32, #tpu.memory_space<hbm>>
        tpu.enqueue_indirect_dma source(%dma_start3A_254 : memref<10240x64xf32, #tpu.memory_space<hbm>>) target(%arg11 : memref<128x64xf32, #tpu.memory_space<vmem>>) offsets(%dma_start3A_251 : memref<128xi32, #tpu.memory_space<vmem>>) semaphore(%arg16 : memref<!tpu.dma_semaphore, #tpu.memory_space<semaphore_mem>>)
      } else {
      }
      %add3A_227 = arith.constant 5 : i32
      %add3A_228 = arith.addi %mul3A_123, %add3A_227 : i32
      %add3A_229 = arith.constant 3 : i32
      %add3A_230 = arith.addi %add3A_228, %add3A_229 : i32
      %lt3A_231 = arith.cmpi slt, %add3A_230, %select_n3A_10 : i32
      %convert_element_type3A_232 = arith.extui %lt3A_231 : i1 to i32
      %cond3A_233 = arith.constant 0 : i32
      %cond3A_234 = arith.cmpi ne, %convert_element_type3A_232, %cond3A_233 : i32
      scf.if %cond3A_234 {
        %dma_wait3A_243 = arith.constant 0 : i32
        %dma_wait3A_244 = tpu.memref_slice %arg8[%add3A_230, %dma_wait3A_243] : memref<80x128xi32, #tpu.memory_space<vmem>> -> memref<1x128xi32, #tpu.memory_space<vmem>>
        %dma_wait3A_245 = tpu.memref_squeeze %dma_wait3A_244 : memref<1x128xi32, #tpu.memory_space<vmem>> -> memref<128xi32, #tpu.memory_space<vmem>>
        %dma_wait3A_246 = arith.constant 0 : i32
        %dma_wait3A_247 = arith.constant 0 : i32
        %dma_wait3A_248 = tpu.memref_slice %arg24[%dma_wait3A_246, %dma_wait3A_247] : memref<10240x64xf32, #tpu.memory_space<vmem_shared>> -> memref<10240x64xf32, #tpu.memory_space<vmem_shared>>
        tpu.wait_indirect_dma semaphore(%arg22 : memref<!tpu.dma_semaphore, #tpu.memory_space<semaphore_mem>>) src(%arg12 : memref<128x64xf32, #tpu.memory_space<vmem>>) dst(%dma_wait3A_248 : memref<10240x64xf32, #tpu.memory_space<vmem_shared>>)
        %dma_start3A_249 = arith.constant 0 : i32
        %dma_start3A_250 = tpu.memref_slice %arg7[%add3A_230, %dma_start3A_249] : memref<80x128xi32, #tpu.memory_space<vmem>> -> memref<1x128xi32, #tpu.memory_space<vmem>>
        %dma_start3A_251 = tpu.memref_squeeze %dma_start3A_250 : memref<1x128xi32, #tpu.memory_space<vmem>> -> memref<128xi32, #tpu.memory_space<vmem>>
        %dma_start3A_252 = arith.constant 0 : i32
        %dma_start3A_253 = arith.constant 0 : i32
        %dma_start3A_254 = tpu.memref_slice %arg2[%dma_start3A_252, %dma_start3A_253] : memref<10240x64xf32, #tpu.memory_space<hbm>> -> memref<10240x64xf32, #tpu.memory_space<hbm>>
        tpu.enqueue_indirect_dma source(%dma_start3A_254 : memref<10240x64xf32, #tpu.memory_space<hbm>>) target(%arg12 : memref<128x64xf32, #tpu.memory_space<vmem>>) offsets(%dma_start3A_251 : memref<128xi32, #tpu.memory_space<vmem>>) semaphore(%arg17 : memref<!tpu.dma_semaphore, #tpu.memory_space<semaphore_mem>>)
      } else {
      }
      %add3A_235 = arith.constant 5 : i32
      %add3A_236 = arith.addi %mul3A_123, %add3A_235 : i32
      %add3A_237 = arith.constant 4 : i32
      %add3A_238 = arith.addi %add3A_236, %add3A_237 : i32
      %lt3A_239 = arith.cmpi slt, %add3A_238, %select_n3A_10 : i32
      %convert_element_type3A_240 = arith.extui %lt3A_239 : i1 to i32
      %cond3A_241 = arith.constant 0 : i32
      %cond3A_242 = arith.cmpi ne, %convert_element_type3A_240, %cond3A_241 : i32
      scf.if %cond3A_242 {
        %dma_wait3A_243 = arith.constant 0 : i32
        %dma_wait3A_244 = tpu.memref_slice %arg8[%add3A_238, %dma_wait3A_243] : memref<80x128xi32, #tpu.memory_space<vmem>> -> memref<1x128xi32, #tpu.memory_space<vmem>>
        %dma_wait3A_245 = tpu.memref_squeeze %dma_wait3A_244 : memref<1x128xi32, #tpu.memory_space<vmem>> -> memref<128xi32, #tpu.memory_space<vmem>>
        %dma_wait3A_246 = arith.constant 0 : i32
        %dma_wait3A_247 = arith.constant 0 : i32
        %dma_wait3A_248 = tpu.memref_slice %arg24[%dma_wait3A_246, %dma_wait3A_247] : memref<10240x64xf32, #tpu.memory_space<vmem_shared>> -> memref<10240x64xf32, #tpu.memory_space<vmem_shared>>
        tpu.wait_indirect_dma semaphore(%arg23 : memref<!tpu.dma_semaphore, #tpu.memory_space<semaphore_mem>>) src(%arg13 : memref<128x64xf32, #tpu.memory_space<vmem>>) dst(%dma_wait3A_248 : memref<10240x64xf32, #tpu.memory_space<vmem_shared>>)
        %dma_start3A_249 = arith.constant 0 : i32
        %dma_start3A_250 = tpu.memref_slice %arg7[%add3A_238, %dma_start3A_249] : memref<80x128xi32, #tpu.memory_space<vmem>> -> memref<1x128xi32, #tpu.memory_space<vmem>>
        %dma_start3A_251 = tpu.memref_squeeze %dma_start3A_250 : memref<1x128xi32, #tpu.memory_space<vmem>> -> memref<128xi32, #tpu.memory_space<vmem>>
        %dma_start3A_252 = arith.constant 0 : i32
        %dma_start3A_253 = arith.constant 0 : i32
        %dma_start3A_254 = tpu.memref_slice %arg2[%dma_start3A_252, %dma_start3A_253] : memref<10240x64xf32, #tpu.memory_space<hbm>> -> memref<10240x64xf32, #tpu.memory_space<hbm>>
        tpu.enqueue_indirect_dma source(%dma_start3A_254 : memref<10240x64xf32, #tpu.memory_space<hbm>>) target(%arg13 : memref<128x64xf32, #tpu.memory_space<vmem>>) offsets(%dma_start3A_251 : memref<128xi32, #tpu.memory_space<vmem>>) semaphore(%arg18 : memref<!tpu.dma_semaphore, #tpu.memory_space<semaphore_mem>>)
      } else {
      }
    }
    %while3A_85 = arith.constant 1 : i32
    scf.for %while3A_121 = %while3A_83 to %while3A_79 step %while3A_85  : i32 {
      %mul3A_122 = arith.constant 5 : i32
      %mul3A_123 = arith.muli %mul3A_122, %while3A_121 : i32
      %add3A_124 = arith.constant 0 : i32
      %add3A_125 = arith.addi %mul3A_123, %add3A_124 : i32
      %dma_wait3A_126 = arith.constant 0 : i32
      %dma_wait3A_127 = tpu.memref_slice %arg7[%add3A_125, %dma_wait3A_126] : memref<80x128xi32, #tpu.memory_space<vmem>> -> memref<1x128xi32, #tpu.memory_space<vmem>>
      %dma_wait3A_128 = tpu.memref_squeeze %dma_wait3A_127 : memref<1x128xi32, #tpu.memory_space<vmem>> -> memref<128xi32, #tpu.memory_space<vmem>>
      %dma_wait3A_129 = arith.constant 0 : i32
      %dma_wait3A_130 = arith.constant 0 : i32
      %dma_wait3A_131 = tpu.memref_slice %arg2[%dma_wait3A_129, %dma_wait3A_130] : memref<10240x64xf32, #tpu.memory_space<hbm>> -> memref<10240x64xf32, #tpu.memory_space<hbm>>
      tpu.wait_indirect_dma semaphore(%arg14 : memref<!tpu.dma_semaphore, #tpu.memory_space<semaphore_mem>>) src(%dma_wait3A_131 : memref<10240x64xf32, #tpu.memory_space<hbm>>) dst(%arg9 : memref<128x64xf32, #tpu.memory_space<vmem>>)
      %add3A_132 = arith.constant 0 : i32
      %add3A_133 = arith.addi %mul3A_123, %add3A_132 : i32
      %dma_start3A_134 = arith.constant 0 : i32
      %dma_start3A_135 = tpu.memref_slice %arg8[%add3A_133, %dma_start3A_134] : memref<80x128xi32, #tpu.memory_space<vmem>> -> memref<1x128xi32, #tpu.memory_space<vmem>>
      %dma_start3A_136 = tpu.memref_squeeze %dma_start3A_135 : memref<1x128xi32, #tpu.memory_space<vmem>> -> memref<128xi32, #tpu.memory_space<vmem>>
      %dma_start3A_137 = arith.constant 0 : i32
      %dma_start3A_138 = arith.constant 0 : i32
      %dma_start3A_139 = tpu.memref_slice %arg24[%dma_start3A_137, %dma_start3A_138] : memref<10240x64xf32, #tpu.memory_space<vmem_shared>> -> memref<10240x64xf32, #tpu.memory_space<vmem_shared>>
      tpu.enqueue_indirect_dma source(%arg9 : memref<128x64xf32, #tpu.memory_space<vmem>>) target(%dma_start3A_139 : memref<10240x64xf32, #tpu.memory_space<vmem_shared>>) offsets(%dma_start3A_136 : memref<128xi32, #tpu.memory_space<vmem>>) semaphore(%arg19 : memref<!tpu.dma_semaphore, #tpu.memory_space<semaphore_mem>>) {add = true}
      %add3A_140 = arith.constant 1 : i32
      %add3A_141 = arith.addi %mul3A_123, %add3A_140 : i32
      %dma_wait3A_142 = arith.constant 0 : i32
      %dma_wait3A_143 = tpu.memref_slice %arg7[%add3A_141, %dma_wait3A_142] : memref<80x128xi32, #tpu.memory_space<vmem>> -> memref<1x128xi32, #tpu.memory_space<vmem>>
      %dma_wait3A_144 = tpu.memref_squeeze %dma_wait3A_143 : memref<1x128xi32, #tpu.memory_space<vmem>> -> memref<128xi32, #tpu.memory_space<vmem>>
      %dma_wait3A_145 = arith.constant 0 : i32
      %dma_wait3A_146 = arith.constant 0 : i32
      %dma_wait3A_147 = tpu.memref_slice %arg2[%dma_wait3A_145, %dma_wait3A_146] : memref<10240x64xf32, #tpu.memory_space<hbm>> -> memref<10240x64xf32, #tpu.memory_space<hbm>>
      tpu.wait_indirect_dma semaphore(%arg15 : memref<!tpu.dma_semaphore, #tpu.memory_space<semaphore_mem>>) src(%dma_wait3A_147 : memref<10240x64xf32, #tpu.memory_space<hbm>>) dst(%arg10 : memref<128x64xf32, #tpu.memory_space<vmem>>)
      %add3A_148 = arith.constant 1 : i32
      %add3A_149 = arith.addi %mul3A_123, %add3A_148 : i32
      %dma_start3A_150 = arith.constant 0 : i32
      %dma_start3A_151 = tpu.memref_slice %arg8[%add3A_149, %dma_start3A_150] : memref<80x128xi32, #tpu.memory_space<vmem>> -> memref<1x128xi32, #tpu.memory_space<vmem>>
      %dma_start3A_152 = tpu.memref_squeeze %dma_start3A_151 : memref<1x128xi32, #tpu.memory_space<vmem>> -> memref<128xi32, #tpu.memory_space<vmem>>
      %dma_start3A_153 = arith.constant 0 : i32
      %dma_start3A_154 = arith.constant 0 : i32
      %dma_start3A_155 = tpu.memref_slice %arg24[%dma_start3A_153, %dma_start3A_154] : memref<10240x64xf32, #tpu.memory_space<vmem_shared>> -> memref<10240x64xf32, #tpu.memory_space<vmem_shared>>
      tpu.enqueue_indirect_dma source(%arg10 : memref<128x64xf32, #tpu.memory_space<vmem>>) target(%dma_start3A_155 : memref<10240x64xf32, #tpu.memory_space<vmem_shared>>) offsets(%dma_start3A_152 : memref<128xi32, #tpu.memory_space<vmem>>) semaphore(%arg20 : memref<!tpu.dma_semaphore, #tpu.memory_space<semaphore_mem>>) {add = true}
      %add3A_156 = arith.constant 2 : i32
      %add3A_157 = arith.addi %mul3A_123, %add3A_156 : i32
      %dma_wait3A_158 = arith.constant 0 : i32
      %dma_wait3A_159 = tpu.memref_slice %arg7[%add3A_157, %dma_wait3A_158] : memref<80x128xi32, #tpu.memory_space<vmem>> -> memref<1x128xi32, #tpu.memory_space<vmem>>
      %dma_wait3A_160 = tpu.memref_squeeze %dma_wait3A_159 : memref<1x128xi32, #tpu.memory_space<vmem>> -> memref<128xi32, #tpu.memory_space<vmem>>
      %dma_wait3A_161 = arith.constant 0 : i32
      %dma_wait3A_162 = arith.constant 0 : i32
      %dma_wait3A_163 = tpu.memref_slice %arg2[%dma_wait3A_161, %dma_wait3A_162] : memref<10240x64xf32, #tpu.memory_space<hbm>> -> memref<10240x64xf32, #tpu.memory_space<hbm>>
      tpu.wait_indirect_dma semaphore(%arg16 : memref<!tpu.dma_semaphore, #tpu.memory_space<semaphore_mem>>) src(%dma_wait3A_163 : memref<10240x64xf32, #tpu.memory_space<hbm>>) dst(%arg11 : memref<128x64xf32, #tpu.memory_space<vmem>>)
      %add3A_164 = arith.constant 2 : i32
      %add3A_165 = arith.addi %mul3A_123, %add3A_164 : i32
      %dma_start3A_166 = arith.constant 0 : i32
      %dma_start3A_167 = tpu.memref_slice %arg8[%add3A_165, %dma_start3A_166] : memref<80x128xi32, #tpu.memory_space<vmem>> -> memref<1x128xi32, #tpu.memory_space<vmem>>
      %dma_start3A_168 = tpu.memref_squeeze %dma_start3A_167 : memref<1x128xi32, #tpu.memory_space<vmem>> -> memref<128xi32, #tpu.memory_space<vmem>>
      %dma_start3A_169 = arith.constant 0 : i32
      %dma_start3A_170 = arith.constant 0 : i32
      %dma_start3A_171 = tpu.memref_slice %arg24[%dma_start3A_169, %dma_start3A_170] : memref<10240x64xf32, #tpu.memory_space<vmem_shared>> -> memref<10240x64xf32, #tpu.memory_space<vmem_shared>>
      tpu.enqueue_indirect_dma source(%arg11 : memref<128x64xf32, #tpu.memory_space<vmem>>) target(%dma_start3A_171 : memref<10240x64xf32, #tpu.memory_space<vmem_shared>>) offsets(%dma_start3A_168 : memref<128xi32, #tpu.memory_space<vmem>>) semaphore(%arg21 : memref<!tpu.dma_semaphore, #tpu.memory_space<semaphore_mem>>) {add = true}
      %add3A_172 = arith.constant 3 : i32
      %add3A_173 = arith.addi %mul3A_123, %add3A_172 : i32
      %dma_wait3A_174 = arith.constant 0 : i32
      %dma_wait3A_175 = tpu.memref_slice %arg7[%add3A_173, %dma_wait3A_174] : memref<80x128xi32, #tpu.memory_space<vmem>> -> memref<1x128xi32, #tpu.memory_space<vmem>>
      %dma_wait3A_176 = tpu.memref_squeeze %dma_wait3A_175 : memref<1x128xi32, #tpu.memory_space<vmem>> -> memref<128xi32, #tpu.memory_space<vmem>>
      %dma_wait3A_177 = arith.constant 0 : i32
      %dma_wait3A_178 = arith.constant 0 : i32
      %dma_wait3A_179 = tpu.memref_slice %arg2[%dma_wait3A_177, %dma_wait3A_178] : memref<10240x64xf32, #tpu.memory_space<hbm>> -> memref<10240x64xf32, #tpu.memory_space<hbm>>
      tpu.wait_indirect_dma semaphore(%arg17 : memref<!tpu.dma_semaphore, #tpu.memory_space<semaphore_mem>>) src(%dma_wait3A_179 : memref<10240x64xf32, #tpu.memory_space<hbm>>) dst(%arg12 : memref<128x64xf32, #tpu.memory_space<vmem>>)
      %add3A_180 = arith.constant 3 : i32
      %add3A_181 = arith.addi %mul3A_123, %add3A_180 : i32
      %dma_start3A_182 = arith.constant 0 : i32
      %dma_start3A_183 = tpu.memref_slice %arg8[%add3A_181, %dma_start3A_182] : memref<80x128xi32, #tpu.memory_space<vmem>> -> memref<1x128xi32, #tpu.memory_space<vmem>>
      %dma_start3A_184 = tpu.memref_squeeze %dma_start3A_183 : memref<1x128xi32, #tpu.memory_space<vmem>> -> memref<128xi32, #tpu.memory_space<vmem>>
      %dma_start3A_185 = arith.constant 0 : i32
      %dma_start3A_186 = arith.constant 0 : i32
      %dma_start3A_187 = tpu.memref_slice %arg24[%dma_start3A_185, %dma_start3A_186] : memref<10240x64xf32, #tpu.memory_space<vmem_shared>> -> memref<10240x64xf32, #tpu.memory_space<vmem_shared>>
      tpu.enqueue_indirect_dma source(%arg12 : memref<128x64xf32, #tpu.memory_space<vmem>>) target(%dma_start3A_187 : memref<10240x64xf32, #tpu.memory_space<vmem_shared>>) offsets(%dma_start3A_184 : memref<128xi32, #tpu.memory_space<vmem>>) semaphore(%arg22 : memref<!tpu.dma_semaphore, #tpu.memory_space<semaphore_mem>>) {add = true}
      %add3A_188 = arith.constant 4 : i32
      %add3A_189 = arith.addi %mul3A_123, %add3A_188 : i32
      %dma_wait3A_190 = arith.constant 0 : i32
      %dma_wait3A_191 = tpu.memref_slice %arg7[%add3A_189, %dma_wait3A_190] : memref<80x128xi32, #tpu.memory_space<vmem>> -> memref<1x128xi32, #tpu.memory_space<vmem>>
      %dma_wait3A_192 = tpu.memref_squeeze %dma_wait3A_191 : memref<1x128xi32, #tpu.memory_space<vmem>> -> memref<128xi32, #tpu.memory_space<vmem>>
      %dma_wait3A_193 = arith.constant 0 : i32
      %dma_wait3A_194 = arith.constant 0 : i32
      %dma_wait3A_195 = tpu.memref_slice %arg2[%dma_wait3A_193, %dma_wait3A_194] : memref<10240x64xf32, #tpu.memory_space<hbm>> -> memref<10240x64xf32, #tpu.memory_space<hbm>>
      tpu.wait_indirect_dma semaphore(%arg18 : memref<!tpu.dma_semaphore, #tpu.memory_space<semaphore_mem>>) src(%dma_wait3A_195 : memref<10240x64xf32, #tpu.memory_space<hbm>>) dst(%arg13 : memref<128x64xf32, #tpu.memory_space<vmem>>)
      %add3A_196 = arith.constant 4 : i32
      %add3A_197 = arith.addi %mul3A_123, %add3A_196 : i32
      %dma_start3A_198 = arith.constant 0 : i32
      %dma_start3A_199 = tpu.memref_slice %arg8[%add3A_197, %dma_start3A_198] : memref<80x128xi32, #tpu.memory_space<vmem>> -> memref<1x128xi32, #tpu.memory_space<vmem>>
      %dma_start3A_200 = tpu.memref_squeeze %dma_start3A_199 : memref<1x128xi32, #tpu.memory_space<vmem>> -> memref<128xi32, #tpu.memory_space<vmem>>
      %dma_start3A_201 = arith.constant 0 : i32
      %dma_start3A_202 = arith.constant 0 : i32
      %dma_start3A_203 = tpu.memref_slice %arg24[%dma_start3A_201, %dma_start3A_202] : memref<10240x64xf32, #tpu.memory_space<vmem_shared>> -> memref<10240x64xf32, #tpu.memory_space<vmem_shared>>
      tpu.enqueue_indirect_dma source(%arg13 : memref<128x64xf32, #tpu.memory_space<vmem>>) target(%dma_start3A_203 : memref<10240x64xf32, #tpu.memory_space<vmem_shared>>) offsets(%dma_start3A_200 : memref<128xi32, #tpu.memory_space<vmem>>) semaphore(%arg23 : memref<!tpu.dma_semaphore, #tpu.memory_space<semaphore_mem>>) {add = true}
      %add3A_204 = arith.constant 5 : i32
      %add3A_205 = arith.addi %mul3A_123, %add3A_204 : i32
      %add3A_206 = arith.constant 0 : i32
      %add3A_207 = arith.addi %add3A_205, %add3A_206 : i32
      %lt3A = arith.cmpi slt, %add3A_207, %select_n3A_10 : i32
      %convert_element_type3A_208 = arith.extui %lt3A : i1 to i32
      %cond3A_209 = arith.constant 0 : i32
      %cond3A_210 = arith.cmpi ne, %convert_element_type3A_208, %cond3A_209 : i32
      scf.if %cond3A_210 {
        %dma_wait3A_243 = arith.constant 0 : i32
        %dma_wait3A_244 = tpu.memref_slice %arg8[%add3A_207, %dma_wait3A_243] : memref<80x128xi32, #tpu.memory_space<vmem>> -> memref<1x128xi32, #tpu.memory_space<vmem>>
        %dma_wait3A_245 = tpu.memref_squeeze %dma_wait3A_244 : memref<1x128xi32, #tpu.memory_space<vmem>> -> memref<128xi32, #tpu.memory_space<vmem>>
        %dma_wait3A_246 = arith.constant 0 : i32
        %dma_wait3A_247 = arith.constant 0 : i32
        %dma_wait3A_248 = tpu.memref_slice %arg24[%dma_wait3A_246, %dma_wait3A_247] : memref<10240x64xf32, #tpu.memory_space<vmem_shared>> -> memref<10240x64xf32, #tpu.memory_space<vmem_shared>>
        tpu.wait_indirect_dma semaphore(%arg19 : memref<!tpu.dma_semaphore, #tpu.memory_space<semaphore_mem>>) src(%arg9 : memref<128x64xf32, #tpu.memory_space<vmem>>) dst(%dma_wait3A_248 : memref<10240x64xf32, #tpu.memory_space<vmem_shared>>)
        %dma_start3A_249 = arith.constant 0 : i32
        %dma_start3A_250 = tpu.memref_slice %arg7[%add3A_207, %dma_start3A_249] : memref<80x128xi32, #tpu.memory_space<vmem>> -> memref<1x128xi32, #tpu.memory_space<vmem>>
        %dma_start3A_251 = tpu.memref_squeeze %dma_start3A_250 : memref<1x128xi32, #tpu.memory_space<vmem>> -> memref<128xi32, #tpu.memory_space<vmem>>
        %dma_start3A_252 = arith.constant 0 : i32
        %dma_start3A_253 = arith.constant 0 : i32
        %dma_start3A_254 = tpu.memref_slice %arg2[%dma_start3A_252, %dma_start3A_253] : memref<10240x64xf32, #tpu.memory_space<hbm>> -> memref<10240x64xf32, #tpu.memory_space<hbm>>
        tpu.enqueue_indirect_dma source(%dma_start3A_254 : memref<10240x64xf32, #tpu.memory_space<hbm>>) target(%arg9 : memref<128x64xf32, #tpu.memory_space<vmem>>) offsets(%dma_start3A_251 : memref<128xi32, #tpu.memory_space<vmem>>) semaphore(%arg14 : memref<!tpu.dma_semaphore, #tpu.memory_space<semaphore_mem>>)
      } else {
      }
      %add3A_211 = arith.constant 5 : i32
      %add3A_212 = arith.addi %mul3A_123, %add3A_211 : i32
      %add3A_213 = arith.constant 1 : i32
      %add3A_214 = arith.addi %add3A_212, %add3A_213 : i32
      %lt3A_215 = arith.cmpi slt, %add3A_214, %select_n3A_10 : i32
      %convert_element_type3A_216 = arith.extui %lt3A_215 : i1 to i32
      %cond3A_217 = arith.constant 0 : i32
      %cond3A_218 = arith.cmpi ne, %convert_element_type3A_216, %cond3A_217 : i32
      scf.if %cond3A_218 {
        %dma_wait3A_243 = arith.constant 0 : i32
        %dma_wait3A_244 = tpu.memref_slice %arg8[%add3A_214, %dma_wait3A_243] : memref<80x128xi32, #tpu.memory_space<vmem>> -> memref<1x128xi32, #tpu.memory_space<vmem>>
        %dma_wait3A_245 = tpu.memref_squeeze %dma_wait3A_244 : memref<1x128xi32, #tpu.memory_space<vmem>> -> memref<128xi32, #tpu.memory_space<vmem>>
        %dma_wait3A_246 = arith.constant 0 : i32
        %dma_wait3A_247 = arith.constant 0 : i32
        %dma_wait3A_248 = tpu.memref_slice %arg24[%dma_wait3A_246, %dma_wait3A_247] : memref<10240x64xf32, #tpu.memory_space<vmem_shared>> -> memref<10240x64xf32, #tpu.memory_space<vmem_shared>>
        tpu.wait_indirect_dma semaphore(%arg20 : memref<!tpu.dma_semaphore, #tpu.memory_space<semaphore_mem>>) src(%arg10 : memref<128x64xf32, #tpu.memory_space<vmem>>) dst(%dma_wait3A_248 : memref<10240x64xf32, #tpu.memory_space<vmem_shared>>)
        %dma_start3A_249 = arith.constant 0 : i32
        %dma_start3A_250 = tpu.memref_slice %arg7[%add3A_214, %dma_start3A_249] : memref<80x128xi32, #tpu.memory_space<vmem>> -> memref<1x128xi32, #tpu.memory_space<vmem>>
        %dma_start3A_251 = tpu.memref_squeeze %dma_start3A_250 : memref<1x128xi32, #tpu.memory_space<vmem>> -> memref<128xi32, #tpu.memory_space<vmem>>
        %dma_start3A_252 = arith.constant 0 : i32
        %dma_start3A_253 = arith.constant 0 : i32
        %dma_start3A_254 = tpu.memref_slice %arg2[%dma_start3A_252, %dma_start3A_253] : memref<10240x64xf32, #tpu.memory_space<hbm>> -> memref<10240x64xf32, #tpu.memory_space<hbm>>
        tpu.enqueue_indirect_dma source(%dma_start3A_254 : memref<10240x64xf32, #tpu.memory_space<hbm>>) target(%arg10 : memref<128x64xf32, #tpu.memory_space<vmem>>) offsets(%dma_start3A_251 : memref<128xi32, #tpu.memory_space<vmem>>) semaphore(%arg15 : memref<!tpu.dma_semaphore, #tpu.memory_space<semaphore_mem>>)
      } else {
      }
      %add3A_219 = arith.constant 5 : i32
      %add3A_220 = arith.addi %mul3A_123, %add3A_219 : i32
      %add3A_221 = arith.constant 2 : i32
      %add3A_222 = arith.addi %add3A_220, %add3A_221 : i32
      %lt3A_223 = arith.cmpi slt, %add3A_222, %select_n3A_10 : i32
      %convert_element_type3A_224 = arith.extui %lt3A_223 : i1 to i32
      %cond3A_225 = arith.constant 0 : i32
      %cond3A_226 = arith.cmpi ne, %convert_element_type3A_224, %cond3A_225 : i32
      scf.if %cond3A_226 {
        %dma_wait3A_243 = arith.constant 0 : i32
        %dma_wait3A_244 = tpu.memref_slice %arg8[%add3A_222, %dma_wait3A_243] : memref<80x128xi32, #tpu.memory_space<vmem>> -> memref<1x128xi32, #tpu.memory_space<vmem>>
        %dma_wait3A_245 = tpu.memref_squeeze %dma_wait3A_244 : memref<1x128xi32, #tpu.memory_space<vmem>> -> memref<128xi32, #tpu.memory_space<vmem>>
        %dma_wait3A_246 = arith.constant 0 : i32
        %dma_wait3A_247 = arith.constant 0 : i32
        %dma_wait3A_248 = tpu.memref_slice %arg24[%dma_wait3A_246, %dma_wait3A_247] : memref<10240x64xf32, #tpu.memory_space<vmem_shared>> -> memref<10240x64xf32, #tpu.memory_space<vmem_shared>>
        tpu.wait_indirect_dma semaphore(%arg21 : memref<!tpu.dma_semaphore, #tpu.memory_space<semaphore_mem>>) src(%arg11 : memref<128x64xf32, #tpu.memory_space<vmem>>) dst(%dma_wait3A_248 : memref<10240x64xf32, #tpu.memory_space<vmem_shared>>)
        %dma_start3A_249 = arith.constant 0 : i32
        %dma_start3A_250 = tpu.memref_slice %arg7[%add3A_222, %dma_start3A_249] : memref<80x128xi32, #tpu.memory_space<vmem>> -> memref<1x128xi32, #tpu.memory_space<vmem>>
        %dma_start3A_251 = tpu.memref_squeeze %dma_start3A_250 : memref<1x128xi32, #tpu.memory_space<vmem>> -> memref<128xi32, #tpu.memory_space<vmem>>
        %dma_start3A_252 = arith.constant 0 : i32
        %dma_start3A_253 = arith.constant 0 : i32
        %dma_start3A_254 = tpu.memref_slice %arg2[%dma_start3A_252, %dma_start3A_253] : memref<10240x64xf32, #tpu.memory_space<hbm>> -> memref<10240x64xf32, #tpu.memory_space<hbm>>
        tpu.enqueue_indirect_dma source(%dma_start3A_254 : memref<10240x64xf32, #tpu.memory_space<hbm>>) target(%arg11 : memref<128x64xf32, #tpu.memory_space<vmem>>) offsets(%dma_start3A_251 : memref<128xi32, #tpu.memory_space<vmem>>) semaphore(%arg16 : memref<!tpu.dma_semaphore, #tpu.memory_space<semaphore_mem>>)
      } else {
      }
      %add3A_227 = arith.constant 5 : i32
      %add3A_228 = arith.addi %mul3A_123, %add3A_227 : i32
      %add3A_229 = arith.constant 3 : i32
      %add3A_230 = arith.addi %add3A_228, %add3A_229 : i32
      %lt3A_231 = arith.cmpi slt, %add3A_230, %select_n3A_10 : i32
      %convert_element_type3A_232 = arith.extui %lt3A_231 : i1 to i32
      %cond3A_233 = arith.constant 0 : i32
      %cond3A_234 = arith.cmpi ne, %convert_element_type3A_232, %cond3A_233 : i32
      scf.if %cond3A_234 {
        %dma_wait3A_243 = arith.constant 0 : i32
        %dma_wait3A_244 = tpu.memref_slice %arg8[%add3A_230, %dma_wait3A_243] : memref<80x128xi32, #tpu.memory_space<vmem>> -> memref<1x128xi32, #tpu.memory_space<vmem>>
        %dma_wait3A_245 = tpu.memref_squeeze %dma_wait3A_244 : memref<1x128xi32, #tpu.memory_space<vmem>> -> memref<128xi32, #tpu.memory_space<vmem>>
        %dma_wait3A_246 = arith.constant 0 : i32
        %dma_wait3A_247 = arith.constant 0 : i32
        %dma_wait3A_248 = tpu.memref_slice %arg24[%dma_wait3A_246, %dma_wait3A_247] : memref<10240x64xf32, #tpu.memory_space<vmem_shared>> -> memref<10240x64xf32, #tpu.memory_space<vmem_shared>>
        tpu.wait_indirect_dma semaphore(%arg22 : memref<!tpu.dma_semaphore, #tpu.memory_space<semaphore_mem>>) src(%arg12 : memref<128x64xf32, #tpu.memory_space<vmem>>) dst(%dma_wait3A_248 : memref<10240x64xf32, #tpu.memory_space<vmem_shared>>)
        %dma_start3A_249 = arith.constant 0 : i32
        %dma_start3A_250 = tpu.memref_slice %arg7[%add3A_230, %dma_start3A_249] : memref<80x128xi32, #tpu.memory_space<vmem>> -> memref<1x128xi32, #tpu.memory_space<vmem>>
        %dma_start3A_251 = tpu.memref_squeeze %dma_start3A_250 : memref<1x128xi32, #tpu.memory_space<vmem>> -> memref<128xi32, #tpu.memory_space<vmem>>
        %dma_start3A_252 = arith.constant 0 : i32
        %dma_start3A_253 = arith.constant 0 : i32
        %dma_start3A_254 = tpu.memref_slice %arg2[%dma_start3A_252, %dma_start3A_253] : memref<10240x64xf32, #tpu.memory_space<hbm>> -> memref<10240x64xf32, #tpu.memory_space<hbm>>
        tpu.enqueue_indirect_dma source(%dma_start3A_254 : memref<10240x64xf32, #tpu.memory_space<hbm>>) target(%arg12 : memref<128x64xf32, #tpu.memory_space<vmem>>) offsets(%dma_start3A_251 : memref<128xi32, #tpu.memory_space<vmem>>) semaphore(%arg17 : memref<!tpu.dma_semaphore, #tpu.memory_space<semaphore_mem>>)
      } else {
      }
      %add3A_235 = arith.constant 5 : i32
      %add3A_236 = arith.addi %mul3A_123, %add3A_235 : i32
      %add3A_237 = arith.constant 4 : i32
      %add3A_238 = arith.addi %add3A_236, %add3A_237 : i32
      %lt3A_239 = arith.cmpi slt, %add3A_238, %select_n3A_10 : i32
      %convert_element_type3A_240 = arith.extui %lt3A_239 : i1 to i32
      %cond3A_241 = arith.constant 0 : i32
      %cond3A_242 = arith.cmpi ne, %convert_element_type3A_240, %cond3A_241 : i32
      scf.if %cond3A_242 {
        %dma_wait3A_243 = arith.constant 0 : i32
        %dma_wait3A_244 = tpu.memref_slice %arg8[%add3A_238, %dma_wait3A_243] : memref<80x128xi32, #tpu.memory_space<vmem>> -> memref<1x128xi32, #tpu.memory_space<vmem>>
        %dma_wait3A_245 = tpu.memref_squeeze %dma_wait3A_244 : memref<1x128xi32, #tpu.memory_space<vmem>> -> memref<128xi32, #tpu.memory_space<vmem>>
        %dma_wait3A_246 = arith.constant 0 : i32
        %dma_wait3A_247 = arith.constant 0 : i32
        %dma_wait3A_248 = tpu.memref_slice %arg24[%dma_wait3A_246, %dma_wait3A_247] : memref<10240x64xf32, #tpu.memory_space<vmem_shared>> -> memref<10240x64xf32, #tpu.memory_space<vmem_shared>>
        tpu.wait_indirect_dma semaphore(%arg23 : memref<!tpu.dma_semaphore, #tpu.memory_space<semaphore_mem>>) src(%arg13 : memref<128x64xf32, #tpu.memory_space<vmem>>) dst(%dma_wait3A_248 : memref<10240x64xf32, #tpu.memory_space<vmem_shared>>)
        %dma_start3A_249 = arith.constant 0 : i32
        %dma_start3A_250 = tpu.memref_slice %arg7[%add3A_238, %dma_start3A_249] : memref<80x128xi32, #tpu.memory_space<vmem>> -> memref<1x128xi32, #tpu.memory_space<vmem>>
        %dma_start3A_251 = tpu.memref_squeeze %dma_start3A_250 : memref<1x128xi32, #tpu.memory_space<vmem>> -> memref<128xi32, #tpu.memory_space<vmem>>
        %dma_start3A_252 = arith.constant 0 : i32
        %dma_start3A_253 = arith.constant 0 : i32
        %dma_start3A_254 = tpu.memref_slice %arg2[%dma_start3A_252, %dma_start3A_253] : memref<10240x64xf32, #tpu.memory_space<hbm>> -> memref<10240x64xf32, #tpu.memory_space<hbm>>
        tpu.enqueue_indirect_dma source(%dma_start3A_254 : memref<10240x64xf32, #tpu.memory_space<hbm>>) target(%arg13 : memref<128x64xf32, #tpu.memory_space<vmem>>) offsets(%dma_start3A_251 : memref<128xi32, #tpu.memory_space<vmem>>) semaphore(%arg18 : memref<!tpu.dma_semaphore, #tpu.memory_space<semaphore_mem>>)
      } else {
      }
    }
    %dma_wait3A = arith.constant 0 : i32
    %dma_wait3A_86 = arith.constant 0 : i32
    %dma_wait3A_87 = tpu.memref_slice %arg8[%dma_wait3A, %dma_wait3A_86] : memref<80x128xi32, #tpu.memory_space<vmem>> -> memref<1x128xi32, #tpu.memory_space<vmem>>
    %dma_wait3A_88 = tpu.memref_squeeze %dma_wait3A_87 : memref<1x128xi32, #tpu.memory_space<vmem>> -> memref<128xi32, #tpu.memory_space<vmem>>
    %dma_wait3A_89 = arith.constant 0 : i32
    %dma_wait3A_90 = arith.constant 0 : i32
    %dma_wait3A_91 = tpu.memref_slice %arg24[%dma_wait3A_89, %dma_wait3A_90] : memref<10240x64xf32, #tpu.memory_space<vmem_shared>> -> memref<10240x64xf32, #tpu.memory_space<vmem_shared>>
    tpu.wait_indirect_dma semaphore(%arg19 : memref<!tpu.dma_semaphore, #tpu.memory_space<semaphore_mem>>) src(%arg9 : memref<128x64xf32, #tpu.memory_space<vmem>>) dst(%dma_wait3A_91 : memref<10240x64xf32, #tpu.memory_space<vmem_shared>>)
    %dma_wait3A_92 = arith.constant 1 : i32
    %dma_wait3A_93 = arith.constant 0 : i32
    %dma_wait3A_94 = tpu.memref_slice %arg8[%dma_wait3A_92, %dma_wait3A_93] : memref<80x128xi32, #tpu.memory_space<vmem>> -> memref<1x128xi32, #tpu.memory_space<vmem>>
    %dma_wait3A_95 = tpu.memref_squeeze %dma_wait3A_94 : memref<1x128xi32, #tpu.memory_space<vmem>> -> memref<128xi32, #tpu.memory_space<vmem>>
    %dma_wait3A_96 = arith.constant 0 : i32
    %dma_wait3A_97 = arith.constant 0 : i32
    %dma_wait3A_98 = tpu.memref_slice %arg24[%dma_wait3A_96, %dma_wait3A_97] : memref<10240x64xf32, #tpu.memory_space<vmem_shared>> -> memref<10240x64xf32, #tpu.memory_space<vmem_shared>>
    tpu.wait_indirect_dma semaphore(%arg20 : memref<!tpu.dma_semaphore, #tpu.memory_space<semaphore_mem>>) src(%arg10 : memref<128x64xf32, #tpu.memory_space<vmem>>) dst(%dma_wait3A_98 : memref<10240x64xf32, #tpu.memory_space<vmem_shared>>)
    %dma_wait3A_99 = arith.constant 2 : i32
    %dma_wait3A_100 = arith.constant 0 : i32
    %dma_wait3A_101 = tpu.memref_slice %arg8[%dma_wait3A_99, %dma_wait3A_100] : memref<80x128xi32, #tpu.memory_space<vmem>> -> memref<1x128xi32, #tpu.memory_space<vmem>>
    %dma_wait3A_102 = tpu.memref_squeeze %dma_wait3A_101 : memref<1x128xi32, #tpu.memory_space<vmem>> -> memref<128xi32, #tpu.memory_space<vmem>>
    %dma_wait3A_103 = arith.constant 0 : i32
    %dma_wait3A_104 = arith.constant 0 : i32
    %dma_wait3A_105 = tpu.memref_slice %arg24[%dma_wait3A_103, %dma_wait3A_104] : memref<10240x64xf32, #tpu.memory_space<vmem_shared>> -> memref<10240x64xf32, #tpu.memory_space<vmem_shared>>
    tpu.wait_indirect_dma semaphore(%arg21 : memref<!tpu.dma_semaphore, #tpu.memory_space<semaphore_mem>>) src(%arg11 : memref<128x64xf32, #tpu.memory_space<vmem>>) dst(%dma_wait3A_105 : memref<10240x64xf32, #tpu.memory_space<vmem_shared>>)
    %dma_wait3A_106 = arith.constant 3 : i32
    %dma_wait3A_107 = arith.constant 0 : i32
    %dma_wait3A_108 = tpu.memref_slice %arg8[%dma_wait3A_106, %dma_wait3A_107] : memref<80x128xi32, #tpu.memory_space<vmem>> -> memref<1x128xi32, #tpu.memory_space<vmem>>
    %dma_wait3A_109 = tpu.memref_squeeze %dma_wait3A_108 : memref<1x128xi32, #tpu.memory_space<vmem>> -> memref<128xi32, #tpu.memory_space<vmem>>
    %dma_wait3A_110 = arith.constant 0 : i32
    %dma_wait3A_111 = arith.constant 0 : i32
    %dma_wait3A_112 = tpu.memref_slice %arg24[%dma_wait3A_110, %dma_wait3A_111] : memref<10240x64xf32, #tpu.memory_space<vmem_shared>> -> memref<10240x64xf32, #tpu.memory_space<vmem_shared>>
    tpu.wait_indirect_dma semaphore(%arg22 : memref<!tpu.dma_semaphore, #tpu.memory_space<semaphore_mem>>) src(%arg12 : memref<128x64xf32, #tpu.memory_space<vmem>>) dst(%dma_wait3A_112 : memref<10240x64xf32, #tpu.memory_space<vmem_shared>>)
    %dma_wait3A_113 = arith.constant 4 : i32
    %dma_wait3A_114 = arith.constant 0 : i32
    %dma_wait3A_115 = tpu.memref_slice %arg8[%dma_wait3A_113, %dma_wait3A_114] : memref<80x128xi32, #tpu.memory_space<vmem>> -> memref<1x128xi32, #tpu.memory_space<vmem>>
    %dma_wait3A_116 = tpu.memref_squeeze %dma_wait3A_115 : memref<1x128xi32, #tpu.memory_space<vmem>> -> memref<128xi32, #tpu.memory_space<vmem>>
    %dma_wait3A_117 = arith.constant 0 : i32
    %dma_wait3A_118 = arith.constant 0 : i32
    %dma_wait3A_119 = tpu.memref_slice %arg24[%dma_wait3A_117, %dma_wait3A_118] : memref<10240x64xf32, #tpu.memory_space<vmem_shared>> -> memref<10240x64xf32, #tpu.memory_space<vmem_shared>>
    tpu.wait_indirect_dma semaphore(%arg23 : memref<!tpu.dma_semaphore, #tpu.memory_space<semaphore_mem>>) src(%arg13 : memref<128x64xf32, #tpu.memory_space<vmem>>) dst(%dma_wait3A_119 : memref<10240x64xf32, #tpu.memory_space<vmem_shared>>)
    %barrier3A_120 = arith.constant 0 : index
    tpu.barrier barrier_id(%barrier3A_120)
    "tpu.region"() ({
      %run_scoped3A = tpu.sem_alloc : memref<!tpu.dma_semaphore, #tpu.memory_space<semaphore_mem>>
      %dma_start3A_121 = arith.constant 0 : i32
      %dma_start3A_122 = arith.constant 0 : i32
      %dma_start3A_123 = tpu.memref_slice %arg6[%arg0, %dma_start3A_121, %dma_start3A_122] : memref<2x10240x64xf32, #tpu.memory_space<hbm>> -> memref<1x10240x64xf32, #tpu.memory_space<hbm>>
      %dma_start3A_124 = tpu.memref_squeeze %dma_start3A_123 : memref<1x10240x64xf32, #tpu.memory_space<hbm>> -> memref<10240x64xf32, #tpu.memory_space<hbm>>
      %dma_start3A_125 = arith.constant 0 : i32
      %dma_start3A_126 = tpu.memref_slice %dma_start3A_124[%mul3A_25, %dma_start3A_125] : memref<10240x64xf32, #tpu.memory_space<hbm>> -> memref<640x64xf32, #tpu.memory_space<hbm>>
      %dma_start3A_127 = arith.constant 0 : i32
      %dma_start3A_128 = tpu.memref_slice %arg24[%mul3A_25, %dma_start3A_127] : memref<10240x64xf32, #tpu.memory_space<vmem_shared>> -> memref<640x64xf32, #tpu.memory_space<vmem_shared>>
      tpu.enqueue_dma source(%dma_start3A_128 : memref<640x64xf32, #tpu.memory_space<vmem_shared>>) target(%dma_start3A_126 : memref<640x64xf32, #tpu.memory_space<hbm>>) target_semaphore(%run_scoped3A : memref<!tpu.dma_semaphore, #tpu.memory_space<semaphore_mem>>)
      %dma_wait3A_129 = arith.constant 0 : i32
      %dma_wait3A_130 = arith.constant 0 : i32
      %dma_wait3A_131 = tpu.memref_slice %arg6[%arg0, %dma_wait3A_129, %dma_wait3A_130] : memref<2x10240x64xf32, #tpu.memory_space<hbm>> -> memref<1x10240x64xf32, #tpu.memory_space<hbm>>
      %dma_wait3A_132 = tpu.memref_squeeze %dma_wait3A_131 : memref<1x10240x64xf32, #tpu.memory_space<hbm>> -> memref<10240x64xf32, #tpu.memory_space<hbm>>
      %dma_wait3A_133 = arith.constant 0 : i32
      %dma_wait3A_134 = tpu.memref_slice %dma_wait3A_132[%mul3A_25, %dma_wait3A_133] : memref<10240x64xf32, #tpu.memory_space<hbm>> -> memref<640x64xf32, #tpu.memory_space<hbm>>
      %dma_wait3A_135 = arith.constant 0 : i32
      %dma_wait3A_136 = tpu.memref_slice %arg24[%mul3A_25, %dma_wait3A_135] : memref<10240x64xf32, #tpu.memory_space<vmem_shared>> -> memref<640x64xf32, #tpu.memory_space<vmem_shared>>
      tpu.wait_dma2 semaphore(%run_scoped3A : memref<!tpu.dma_semaphore, #tpu.memory_space<semaphore_mem>>) src(%dma_wait3A_136 : memref<640x64xf32, #tpu.memory_space<vmem_shared>>) dst(%dma_wait3A_134 : memref<640x64xf32, #tpu.memory_space<hbm>>)
      tpu.yield
    }) : () -> ()
    return
  }
}

module attributes {stable_mosaic.version = 14 : i64} {
  func.func @_tcMM_body(%arg0: i32, %arg1: memref<1000x256xf32, #tpu.memory_space<vmem>>, %arg2: memref<256x128xf32, #tpu.memory_space<vmem>>, %arg3: memref<1000x128xf32, #tpu.memory_space<vmem>>) attributes {dimension_semantics = [#tpu.dimension_semantics<arbitrary>], iteration_bounds = array<i64: 5>, scalar_prefetch = 0 : i64, scratch_operands = 0 : i64, tpu.core_type = #tpu.core_type<tc>, window_params = [{transform_indices = @transform_0, window_bounds = array<i64: 1000, 256>}, {pipeline_mode = #tpu.pipeline_mode<synchronous>, transform_indices = @transform_1, window_bounds = array<i64: 256, 128>}, {transform_indices = @transform_2, window_bounds = array<i64: 1000, 128>}]} {
    %get3A = arith.constant 0 : index
    %get3A_0 = arith.constant 0 : index
    %get3A_1 = vector.load %arg1[%get3A, %get3A_0] : memref<1000x256xf32, #tpu.memory_space<vmem>>, vector<1000x256xf32>
    %get3A_2 = arith.constant 0 : index
    %get3A_3 = arith.constant 0 : index
    %get3A_4 = vector.load %arg2[%get3A_2, %get3A_3] : memref<256x128xf32, #tpu.memory_space<vmem>>, vector<256x128xf32>
    %dot_general3A = arith.constant dense<0.000000e+00> : vector<1000x128xf32>
    %dot_general3A_5 = tpu.matmul %get3A_1, %get3A_4, %dot_general3A {dimension_numbers = #tpu.dot_dimension_numbers<[1], [0], [0], [1], [0, 0, 1, 1], [], []>, transpose_lhs_hint = false} : vector<1000x256xf32>, vector<256x128xf32>, vector<1000x128xf32> -> vector<1000x128xf32>
    %swap3A = arith.constant 0 : index
    %swap3A_6 = arith.constant 0 : index
    %swap3A_7 = vector.load %arg3[%swap3A, %swap3A_6] : memref<1000x128xf32, #tpu.memory_space<vmem>>, vector<1000x128xf32>
    tpu.vector_store %arg3[%swap3A, %swap3A_6], %dot_general3A_5 {strides = array<i32>} : memref<1000x128xf32, #tpu.memory_space<vmem>>, vector<1000x128xf32>,
    return
  }
  func.func @transform_0(%arg0: i32) -> (i32, i32) {
    %c0_i32 = arith.constant 0 : i32
    %c0_i32_0 = arith.constant 0 : i32
    return %arg0, %c0_i32 : i32, i32
  }
  func.func @transform_1(%arg0: i32) -> (i32, i32) {
    %c0_i32 = arith.constant 0 : i32
    %c0_i32_0 = arith.constant 0 : i32
    %c0_i32_1 = arith.constant 0 : i32
    return %c0_i32, %c0_i32_0 : i32, i32
  }
  func.func @transform_2(%arg0: i32) -> (i32, i32) {
    %c0_i32 = arith.constant 0 : i32
    %c0_i32_0 = arith.constant 0 : i32
    return %arg0, %c0_i32 : i32, i32
  }
}

module attributes {stable_mosaic.version = 14 : i64} {
  func.func @_tcScale_body(%arg0: i32, %arg1: memref<1000x128xf32, #tpu.memory_space<vmem>>, %arg2: memref<1000x128xf32, #tpu.memory_space<vmem>>, %arg3: memref<1000x128xf32, #tpu.memory_space<vmem>>) attributes {dimension_semantics = [#tpu.dimension_semantics<arbitrary>], iteration_bounds = array<i64: 5>, scalar_prefetch = 0 : i64, scratch_operands = 0 : i64, tpu.core_type = #tpu.core_type<tc>, window_params = [{transform_indices = @transform_0, window_bounds = array<i64: 1000, 128>}, {transform_indices = @transform_1, window_bounds = array<i64: 1000, 128>}, {transform_indices = @transform_2, window_bounds = array<i64: 1000, 128>}]} {
    %get3A = arith.constant 0 : index
    %get3A_0 = arith.constant 0 : index
    %get3A_1 = vector.load %arg1[%get3A, %get3A_0] : memref<1000x128xf32, #tpu.memory_space<vmem>>, vector<1000x128xf32>
    %get3A_2 = arith.constant 0 : index
    %get3A_3 = arith.constant 0 : index
    %get3A_4 = vector.load %arg2[%get3A_2, %get3A_3] : memref<1000x128xf32, #tpu.memory_space<vmem>>, vector<1000x128xf32>
    %mul3A = arith.mulf %get3A_1, %get3A_4 : vector<1000x128xf32>
    %swap3A = arith.constant 0 : index
    %swap3A_5 = arith.constant 0 : index
    %swap3A_6 = vector.load %arg3[%swap3A, %swap3A_5] : memref<1000x128xf32, #tpu.memory_space<vmem>>, vector<1000x128xf32>
    tpu.vector_store %arg3[%swap3A, %swap3A_5], %mul3A {strides = array<i32>} : memref<1000x128xf32, #tpu.memory_space<vmem>>, vector<1000x128xf32>,
    return
  }
  func.func @transform_0(%arg0: i32) -> (i32, i32) {
    %c0_i32 = arith.constant 0 : i32
    %c0_i32_0 = arith.constant 0 : i32
    return %arg0, %c0_i32 : i32, i32
  }
  func.func @transform_1(%arg0: i32) -> (i32, i32) {
    %c0_i32 = arith.constant 0 : i32
    %c0_i32_0 = arith.constant 0 : i32
    return %arg0, %c0_i32 : i32, i32
  }
  func.func @transform_2(%arg0: i32) -> (i32, i32) {
    %c0_i32 = arith.constant 0 : i32
    %c0_i32_0 = arith.constant 0 : i32
    return %arg0, %c0_i32 : i32, i32
  }
}

module attributes {stable_mosaic.version = 14 : i64} {
  func.func @_tcB_body(%arg0: i32, %arg1: memref<2x1000x128xf32, #tpu.memory_space<vmem>>, %arg2: memref<1000x128xf32, #tpu.memory_space<vmem>>, %arg3: memref<1000x128xf32, #tpu.memory_space<vmem>>, %arg4: memref<128x128xf32, #tpu.memory_space<vmem>>, %arg5: memref<1x128xf32, #tpu.memory_space<vmem>>, %arg6: memref<1000x128xf32, #tpu.memory_space<vmem>>) attributes {dimension_semantics = [#tpu.dimension_semantics<arbitrary>], iteration_bounds = array<i64: 5>, scalar_prefetch = 0 : i64, scratch_operands = 0 : i64, tpu.core_type = #tpu.core_type<tc>, window_params = [{transform_indices = @transform_0, window_bounds = array<i64: 2, 1000, 128>}, {transform_indices = @transform_1, window_bounds = array<i64: 1000, 128>}, {transform_indices = @transform_2, window_bounds = array<i64: 1000, 128>}, {pipeline_mode = #tpu.pipeline_mode<synchronous>, transform_indices = @transform_3, window_bounds = array<i64: 128, 128>}, {pipeline_mode = #tpu.pipeline_mode<synchronous>, transform_indices = @transform_4, window_bounds = array<i64: 1, 128>}, {transform_indices = @transform_5, window_bounds = array<i64: 1000, 128>}]} {
    %get3A = arith.constant 0 : index
    %get3A_0 = arith.constant 0 : index
    %get3A_1 = vector.load %arg3[%get3A, %get3A_0] : memref<1000x128xf32, #tpu.memory_space<vmem>>, vector<1000x128xf32>
    %get3A_2 = arith.constant 0 : index
    %get3A_3 = arith.constant 0 : index
    %get3A_4 = arith.constant 0 : index
    %get3A_5 = vector.load %arg1[%get3A_2, %get3A_3, %get3A_4] : memref<2x1000x128xf32, #tpu.memory_space<vmem>>, vector<1x1000x128xf32>
    %get3A_6 = vector.shape_cast %get3A_5 : vector<1x1000x128xf32> to vector<1000x128xf32>
    %get3A_7 = arith.constant 1 : index
    %get3A_8 = arith.constant 0 : index
    %get3A_9 = arith.constant 0 : index
    %get3A_10 = vector.load %arg1[%get3A_7, %get3A_8, %get3A_9] : memref<2x1000x128xf32, #tpu.memory_space<vmem>>, vector<1x1000x128xf32>
    %get3A_11 = vector.shape_cast %get3A_10 : vector<1x1000x128xf32> to vector<1000x128xf32>
    %add3A = arith.addf %get3A_6, %get3A_11 : vector<1000x128xf32>
    %get3A_12 = arith.constant 0 : index
    %get3A_13 = arith.constant 0 : index
    %get3A_14 = vector.load %arg2[%get3A_12, %get3A_13] : memref<1000x128xf32, #tpu.memory_space<vmem>>, vector<1000x128xf32>
    %add3A_15 = arith.addf %add3A, %get3A_14 : vector<1000x128xf32>
    %mul3A = arith.mulf %add3A_15, %get3A_1 : vector<1000x128xf32>
    %get3A_16 = arith.constant 0 : index
    %get3A_17 = arith.constant 0 : index
    %get3A_18 = vector.load %arg5[%get3A_16, %get3A_17] : memref<1x128xf32, #tpu.memory_space<vmem>>, vector<1x128xf32>
    %add3A_19 = vector.broadcast %get3A_18 : vector<1x128xf32> to vector<1000x128xf32>
    %add3A_20 = arith.addf %mul3A, %add3A_19 : vector<1000x128xf32>
    %ge3A = arith.constant 0.000000e+00 : f32
    %ge3A_21 = vector.broadcast %ge3A : f32 to vector<1000x128xf32>
    %ge3A_22 = arith.cmpf oge, %add3A_20, %ge3A_21 : vector<1000x128xf32>
    %mul3A_23 = arith.constant 0.00999999977 : f32
    %mul3A_24 = vector.broadcast %mul3A_23 : f32 to vector<1000x128xf32>
    %mul3A_25 = arith.mulf %mul3A_24, %add3A_20 : vector<1000x128xf32>
    %select_n3A = arith.select %ge3A_22, %add3A_20, %mul3A_25 : vector<1000x128xi1>, vector<1000x128xf32>
    %get3A_26 = arith.constant 0 : index
    %get3A_27 = arith.constant 0 : index
    %get3A_28 = vector.load %arg4[%get3A_26, %get3A_27] : memref<128x128xf32, #tpu.memory_space<vmem>>, vector<128x128xf32>
    %dot_general3A = arith.constant dense<0.000000e+00> : vector<1000x128xf32>
    %dot_general3A_29 = tpu.matmul %select_n3A, %get3A_28, %dot_general3A {dimension_numbers = #tpu.dot_dimension_numbers<[1], [0], [0], [1], [0, 0, 1, 1], [], []>, transpose_lhs_hint = false} : vector<1000x128xf32>, vector<128x128xf32>, vector<1000x128xf32> -> vector<1000x128xf32>
    %mul3A_30 = arith.mulf %dot_general3A_29, %get3A_1 : vector<1000x128xf32>
    %swap3A = arith.constant 0 : index
    %swap3A_31 = arith.constant 0 : index
    %swap3A_32 = vector.load %arg6[%swap3A, %swap3A_31] : memref<1000x128xf32, #tpu.memory_space<vmem>>, vector<1000x128xf32>
    tpu.vector_store %arg6[%swap3A, %swap3A_31], %mul3A_30 {strides = array<i32>} : memref<1000x128xf32, #tpu.memory_space<vmem>>, vector<1000x128xf32>,
    return
  }
  func.func @transform_0(%arg0: i32) -> (i32, i32, i32) {
    %c0_i32 = arith.constant 0 : i32
    %c0_i32_0 = arith.constant 0 : i32
    %c0_i32_1 = arith.constant 0 : i32
    return %c0_i32, %arg0, %c0_i32_0 : i32, i32, i32
  }
  func.func @transform_1(%arg0: i32) -> (i32, i32) {
    %c0_i32 = arith.constant 0 : i32
    %c0_i32_0 = arith.constant 0 : i32
    return %arg0, %c0_i32 : i32, i32
  }
  func.func @transform_2(%arg0: i32) -> (i32, i32) {
    %c0_i32 = arith.constant 0 : i32
    %c0_i32_0 = arith.constant 0 : i32
    return %arg0, %c0_i32 : i32, i32
  }
  func.func @transform_3(%arg0: i32) -> (i32, i32) {
    %c0_i32 = arith.constant 0 : i32
    %c0_i32_0 = arith.constant 0 : i32
    %c0_i32_1 = arith.constant 0 : i32
    return %c0_i32, %c0_i32_0 : i32, i32
  }
  func.func @transform_4(%arg0: i32) -> (i32, i32) {
    %c0_i32 = arith.constant 0 : i32
    %c0_i32_0 = arith.constant 0 : i32
    %c0_i32_1 = arith.constant 0 : i32
    return %c0_i32, %c0_i32_0 : i32, i32
  }
  func.func @transform_5(%arg0: i32) -> (i32, i32) {
    %c0_i32 = arith.constant 0 : i32
    %c0_i32_0 = arith.constant 0 : i32
    return %arg0, %c0_i32 : i32, i32
  }
}

module attributes {stable_mosaic.version = 14 : i64} {
  func.func @_tcF_body(%arg0: memref<2x1024x128xf32, #tpu.memory_space<vmem>>, %arg1: memref<1024x128xf32, #tpu.memory_space<vmem>>, %arg2: memref<1024x128xf32, #tpu.memory_space<vmem>>, %arg3: memref<1x128xf32, #tpu.memory_space<vmem>>, %arg4: memref<128x256xf32, #tpu.memory_space<vmem>>, %arg5: memref<1x256xf32, #tpu.memory_space<vmem>>, %arg6: memref<1024x128xf32, #tpu.memory_space<vmem>>, %arg7: memref<1024x256xf32, #tpu.memory_space<vmem>>) attributes {dimension_semantics = [], scalar_prefetch = 0 : i64, scratch_operands = 0 : i64, tpu.core_type = #tpu.core_type<tc>} {
    %get3A = arith.constant 0 : index
    %get3A_0 = arith.constant 0 : index
    %get3A_1 = arith.constant 0 : index
    %get3A_2 = vector.load %arg0[%get3A, %get3A_0, %get3A_1] : memref<2x1024x128xf32, #tpu.memory_space<vmem>>, vector<1x1024x128xf32>
    %get3A_3 = vector.shape_cast %get3A_2 : vector<1x1024x128xf32> to vector<1024x128xf32>
    %get3A_4 = arith.constant 1 : index
    %get3A_5 = arith.constant 0 : index
    %get3A_6 = arith.constant 0 : index
    %get3A_7 = vector.load %arg0[%get3A_4, %get3A_5, %get3A_6] : memref<2x1024x128xf32, #tpu.memory_space<vmem>>, vector<1x1024x128xf32>
    %get3A_8 = vector.shape_cast %get3A_7 : vector<1x1024x128xf32> to vector<1024x128xf32>
    %add3A = arith.addf %get3A_3, %get3A_8 : vector<1024x128xf32>
    %get3A_9 = arith.constant 0 : index
    %get3A_10 = arith.constant 0 : index
    %get3A_11 = vector.load %arg1[%get3A_9, %get3A_10] : memref<1024x128xf32, #tpu.memory_space<vmem>>, vector<1024x128xf32>
    %add3A_12 = arith.addf %add3A, %get3A_11 : vector<1024x128xf32>
    %get3A_13 = arith.constant 0 : index
    %get3A_14 = arith.constant 0 : index
    %get3A_15 = vector.load %arg2[%get3A_13, %get3A_14] : memref<1024x128xf32, #tpu.memory_space<vmem>>, vector<1024x128xf32>
    %mul3A = arith.mulf %add3A_12, %get3A_15 : vector<1024x128xf32>
    %get3A_16 = arith.constant 0 : index
    %get3A_17 = arith.constant 0 : index
    %get3A_18 = vector.load %arg3[%get3A_16, %get3A_17] : memref<1x128xf32, #tpu.memory_space<vmem>>, vector<1x128xf32>
    %add3A_19 = vector.broadcast %get3A_18 : vector<1x128xf32> to vector<1024x128xf32>
    %add3A_20 = arith.addf %mul3A, %add3A_19 : vector<1024x128xf32>
    %ge3A = arith.constant 0.000000e+00 : f32
    %ge3A_21 = vector.broadcast %ge3A : f32 to vector<1024x128xf32>
    %ge3A_22 = arith.cmpf oge, %add3A_20, %ge3A_21 : vector<1024x128xf32>
    %mul3A_23 = arith.constant 0.00999999977 : f32
    %mul3A_24 = vector.broadcast %mul3A_23 : f32 to vector<1024x128xf32>
    %mul3A_25 = arith.mulf %mul3A_24, %add3A_20 : vector<1024x128xf32>
    %select_n3A = arith.select %ge3A_22, %add3A_20, %mul3A_25 : vector<1024x128xi1>, vector<1024x128xf32>
    %swap3A = arith.constant 0 : index
    %swap3A_26 = arith.constant 0 : index
    %swap3A_27 = vector.load %arg6[%swap3A, %swap3A_26] : memref<1024x128xf32, #tpu.memory_space<vmem>>, vector<1024x128xf32>
    tpu.vector_store %arg6[%swap3A, %swap3A_26], %select_n3A {strides = array<i32>} : memref<1024x128xf32, #tpu.memory_space<vmem>>, vector<1024x128xf32>,
    %get3A_28 = arith.constant 0 : index
    %get3A_29 = arith.constant 0 : index
    %get3A_30 = vector.load %arg4[%get3A_28, %get3A_29] : memref<128x256xf32, #tpu.memory_space<vmem>>, vector<128x256xf32>
    %dot_general3A = arith.constant dense<0.000000e+00> : vector<1024x256xf32>
    %dot_general3A_31 = tpu.matmul %select_n3A, %get3A_30, %dot_general3A {dimension_numbers = #tpu.dot_dimension_numbers<[1], [0], [0], [1], [0, 0, 1, 1], [], []>, transpose_lhs_hint = false} : vector<1024x128xf32>, vector<128x256xf32>, vector<1024x256xf32> -> vector<1024x256xf32>
    %get3A_32 = arith.constant 0 : index
    %get3A_33 = arith.constant 0 : index
    %get3A_34 = vector.load %arg5[%get3A_32, %get3A_33] : memref<1x256xf32, #tpu.memory_space<vmem>>, vector<1x256xf32>
    %add3A_35 = vector.broadcast %get3A_34 : vector<1x256xf32> to vector<1024x256xf32>
    %add3A_36 = arith.addf %dot_general3A_31, %add3A_35 : vector<1024x256xf32>
    %neg3A = arith.constant 0.000000e+00 : f32
    %neg3A_37 = vector.broadcast %neg3A : f32 to vector<1024x256xf32>
    %neg3A_38 = arith.subf %neg3A_37, %add3A_36 : vector<1024x256xf32>
    %exp3A = math.exp %neg3A_38 : vector<1024x256xf32>
    %add3A_39 = arith.constant 1.000000e+00 : f32
    %add3A_40 = vector.broadcast %add3A_39 : f32 to vector<1024x256xf32>
    %add3A_41 = arith.addf %add3A_40, %exp3A : vector<1024x256xf32>
    %div3A = arith.constant 1.000000e+00 : f32
    %div3A_42 = vector.broadcast %div3A : f32 to vector<1024x256xf32>
    %div3A_43 = arith.divf %div3A_42, %add3A_41 : vector<1024x256xf32>
    %swap3A_44 = arith.constant 0 : index
    %swap3A_45 = arith.constant 0 : index
    %swap3A_46 = vector.load %arg7[%swap3A_44, %swap3A_45] : memref<1024x256xf32, #tpu.memory_space<vmem>>, vector<1024x256xf32>
    tpu.vector_store %arg7[%swap3A_44, %swap3A_45], %div3A_43 {strides = array<i32>} : memref<1024x256xf32, #tpu.memory_space<vmem>>, vector<1024x256xf32>,
    return
  }
}

</mosaic_0001>

<sc_bundles>
// kernel: kernel.12.cloned.1.call-start
scs
__scs_entry_jumppad:
0x0: {  	(pc) =	sbr.rel $0x88, $3  }
0x1: {  	(tag) =	ssettag $0x0;
	lr =	simm.s32 $0x1  }
0x2: {  	[smem:$0x3F98] =	sst lr;
	_ =	strace $0xD0000000  }
0x3: {  	_ = 	snop  }
0x4: {  	_ = 	snop  }
0x5: {  	_ = 	snop  }
0x6: {  	_ = 	snop  }
0x7: {  	_ = 	snop  }
__scs_overlays_trampoline_lowered:
0x8: {  	[smem:$0x3FA7] =	sst s0  }
0x9: {  	[smem:$0x3FA8] =	sst s1  }
0xa: {  	[smem:$0x3FA9] =	sst s2  }
0xb: {  	[smem:$0x3FAA] =	sst s3  }
0xc: {  	[smem:$0x3FAB] =	sst s4  }
0xd: {  	[smem:$0x3FAC] =	sst s5  }
0xe: {  	[smem:$0x3FAD] =	sst s6  }
0xf: {  	[smem:$0x3FAE] =	sst s7  }
0x10: {  	[smem:$0x3FAF] =	sst s8  }
0x11: {  	[smem:$0x3FB0] =	sst s9;
	s0 =	simm.s32 @!p0 $0x0  }
0x12: {  	s1 =	sld [smem:$0x3F96];
	s0 =	simm.s32 @p0 $0x1  }
0x13: {  	[smem:$0x3FB1] =	sst s0;
	s0 =	simm.s32 @!p1 $0x0  }
0x14: {  	s2 =	sld [smem:$0x3F95];
	s0 =	simm.s32 @p1 $0x1  }
0x15: {  	[smem:$0x3FB2] =	sst s0;
	s0 =	simm.s32 @!p2 $0x0  }
0x16: {  	s3 =	sld [smem:$0x3FDB];
	s0 =	simm.s32 @p2 $0x1  }
0x17: {  	s4 =	simm.s32 $0x1BF5;
	[smem:$0x3FB4] =	sst s0  }
0x18: {  	s0 =	sld [smem:$0x3F97];
	_ =	swait.ge [sflag:s4], $0x0  }
0x19: {  	s7 =	sld [smem:$0x3F98]  }
0x1a: {  	s8 =	sadd.s32 $0xFFFFE003, lr  }
0x1b: {  	s9 =	sadd.s32 $0xFFFFFEF7, lr;
	s5 =	simm.s32 $0xFFFFFFFF;
	p2 =	slt.u32 s8, $0xFFFFF086  }
0x1c: {  	p1 =	slt.u32 s9, $0xF7A;
	s5 =	simm.s32 @!p2 $0x0  }
0x1d: {  	s5 =	simm.s32 @p1 $0x1;
	p0 =	seq.s32 s7, s2  }
0x1e: {  	s7 =	smul.u32 @!p0 $0xF7A, s2;
	p2 =	seq.s32 @!p0 s5, $0x0  }
0x1f: {  	s9 =	smul.u32 $0xF7A, s1;
	s8 =	simm.s32 @!p0 $0x1BF5;
	p2 =	por !p2, p0  }
0x20: {  	[sflag:s8] =	ssyncset.s32 @!p0 $0xFFFFF086;
	s6 =	sadd.s32 @!p0 s3, s7;
	s7 =	simm.s32 @!p0 $0x108  }
0x21: {  	s3 =	sadd.s32 s3, s9;
	s6 =	sadd.s32 @!p0 $0x88, s6;
	s7 =	simm.s32 @p2 $0x1082  }
0x22: {  	[simem:s7], [sflag:s8] =	dma.local @!p0 [hbm:s6], $0xF7A  }
0x23: {  	s9 =	sor.u32 $0xD0000000, s2;
	s6 =	simm.s32 $0x108;
	_ =	swait.ge @!p0 [sflag:s8], $0x0  }
0x24: {  	s3 =	sadd.s32 $0x88, s3;
	s6 =	simm.s32 @!p1 $0x1082;
	[sflag:s4] =	ssyncset.s32 $0xFFFFF086  }
0x25: {  	[simem:s6], [sflag:s4] =	dma.local [hbm:s3], $0xF7A  }
0x26: {  	[smem:$0x3F98] =	sst s1;
	(tag) =	ssettag s2;
	_ =	strace s9  }
0x27: {  	s1 =	sld [smem:$0x3FA8]  }
0x28: {  	s2 =	sld [smem:$0x3FA9]  }
0x29: {  	s4 =	sld [smem:$0x3FAB]  }
0x2a: {  	p0 =	seq.s32 s5, $0x0;
	s5 =	sld [smem:$0x3FAC]  }
0x2b: {  	s6 =	sld [smem:$0x3FAD]  }
0x2c: {  	s7 =	sld [smem:$0x3FAE]  }
0x2d: {  	s3 =	simm.s32 $0x108;
	s8 =	sld [smem:$0x3FAF]  }
0x2e: {  	s3 =	simm.s32 @!p0 $0x1082;
	s9 =	sld [smem:$0x3FB0]  }
0x2f: {  	lr =	sadd.s32 s0, s3;
	s0 =	sld [smem:$0x3FA7]  }
0x30: {  	s3 =	sld [smem:$0x3FAA]  }
0x31: {  	[smem:$0x3FB3] =	sst s10  }
0x32: {  	s10 =	sld [smem:$0x3FB1];
	_ =	sdelay $0x3  }
0x33: {  	p0 =	seq.s32 s10, $0x1;
	s10 =	sld [smem:$0x3FB3];
	_ =	sdelay $0x3  }
0x34: {  	[smem:$0x3FB3] =	sst s10  }
0x35: {  	s10 =	sld [smem:$0x3FB2];
	_ =	sdelay $0x3  }
0x36: {  	p1 =	seq.s32 s10, $0x1;
	s10 =	sld [smem:$0x3FB3];
	_ =	sdelay $0x3  }
0x37: {  	[smem:$0x3FB3] =	sst s10  }
0x38: {  	s10 =	sld [smem:$0x3FB4]  }
0x39: {  	_ = 	snop;
	(pc) =	sbr.ind lr, $3  }
0x3a: {  	_ = 	snop  }
0x3b: {  	_ = 	snop  }
0x3c: {  	p2 =	seq.s32 s10, $0x1;
	s10 =	sld [smem:$0x3FB3]  }
0x3d: {  	_ =	shalt  }
0x3e: {  	_ =	shalt  }
0x3f: {  	_ =	shalt  }
0x40: {  	_ =	shalt  }
0x41: {  	_ =	shalt  }
0x42: {  	_ =	shalt  }
0x43: {  	_ =	shalt  }
0x44: {  	_ =	shalt  }
0x45: {  	_ =	shalt  }
0x46: {  	_ =	shalt  }
0x47: {  	_ =	shalt  }
0x48: {  	_ =	shalt  }
0x49: {  	_ =	shalt  }
0x4a: {  	_ =	shalt  }
0x4b: {  	_ =	shalt  }
0x4c: {  	_ =	shalt  }
0x4d: {  	_ =	shalt  }
0x4e: {  	_ =	shalt  }
0x4f: {  	_ =	shalt  }
0x50: {  	_ =	shalt  }
0x51: {  	_ =	shalt  }
0x52: {  	_ =	shalt  }
0x53: {  	_ =	shalt  }
0x54: {  	_ =	shalt  }
0x55: {  	_ =	shalt  }
0x56: {  	_ =	shalt  }
0x57: {  	_ =	shalt  }
0x58: {  	_ =	shalt  }
0x59: {  	_ =	shalt  }
0x5a: {  	_ =	shalt  }
0x5b: {  	_ =	shalt  }
0x5c: {  	_ =	shalt  }
0x5d: {  	_ =	shalt  }
0x5e: {  	_ =	shalt  }
0x5f: {  	_ =	shalt  }
0x60: {  	_ =	shalt  }
0x61: {  	_ =	shalt  }
0x62: {  	_ =	shalt  }
0x63: {  	_ =	shalt  }
0x64: {  	_ =	shalt  }
0x65: {  	_ =	shalt  }
0x66: {  	_ =	shalt  }
0x67: {  	_ =	shalt  }
0x68: {  	_ =	shalt  }
0x69: {  	_ =	shalt  }
0x6a: {  	_ =	shalt  }
0x6b: {  	_ =	shalt  }
0x6c: {  	_ =	shalt  }
0x6d: {  	_ =	shalt  }
0x6e: {  	_ =	shalt  }
0x6f: {  	_ =	shalt  }
0x70: {  	_ =	shalt  }
0x71: {  	_ =	shalt  }
0x72: {  	_ =	shalt  }
0x73: {  	_ =	shalt  }
0x74: {  	_ =	shalt  }
0x75: {  	_ =	shalt  }
0x76: {  	_ =	shalt  }
0x77: {  	_ =	shalt  }
0x78: {  	_ =	shalt  }
0x79: {  	_ =	shalt  }
0x7a: {  	_ =	shalt  }
0x7b: {  	_ =	shalt  }
0x7c: {  	_ =	shalt  }
0x7d: {  	_ =	shalt  }
0x7e: {  	_ =	shalt  }
0x7f: {  	_ =	shalt  }
0x80: {  	_ =	shalt  }
0x81: {  	_ =	shalt  }
0x82: {  	_ =	shalt  }
0x83: {  	_ =	shalt  }
0x84: {  	_ =	shalt  }
0x85: {  	_ =	shalt  }
0x86: {  	_ =	shalt  }
0x87: {  	_ =	shalt  }
.Lfunc_end0:
.L_simem_size_0:
called_computation.1_lowered:
.L_overlay_start_0:
0x88: {  	s2 =	sld [smem:$0x3FD9]  }
0x89: {  	s3 =	sld [smem:$0x3FFE];
	_ =	sdelay $0x1  }
0x8a: {  	s1 =	srdreg.scid  }
0x8b: {  	s0 =	sand.u32 $0x1, s1  }
0x8c: {  	s16 =	sshll.u32 s0, $0xA;
	s2 =	sadd.s32 s3, s2  }
0x8d: {  	s2 =	sadd.s32 s2, s16  }
0x8e: {  	[smem:$0x3FBF] =	sst s2  }
0x8f: {  	_ = 	snop  }
0x90: {  	(tm) =	ssettm $0x1  }
0x91: {  	s17 =	sld [smem:$0x3FFB];
	_ =	sdelay $0x3  }
0x92: {  	_ =	strace s17  }
0x93: {  	s2 =	sld [smem:$0x3FFC];
	_ =	sdelay $0x3  }
0x94: {  	_ =	strace s2  }
0x95: {  	s2 =	sld [smem:$0x3FFD];
	_ =	sdelay $0x3  }
0x96: {  	_ =	strace s2  }
0x97: {  	_ =	strace $0x8FFFFFFF  }
0x98: {  	s18 =	sld [smem:$0x3FDB];
	_ =	sdelay $0x1  }
0x99: {  	s19 =	simm.s32 $_scs_section_size  }
0x9a: {  	s4 =	simm.s32 $_size__tile_overlayer_lowered;
	s5 =	simm.s32 $_tile_overlayer_lowered  }
0x9b: {  	s22 =	simm.s32 $0x1BFF;
	s21 =	sshll.u32 s5, $0x1;
	s2 =	sadd.s32 s19, s18  }
0x9c: {  	s6 =	simm.s32 $0x0;
	s20 =	sshll.u32 s4, $0x1;
	s4 =	sadd.s32 s21, s2  }
0x9d: {  	[timem:s6], [sflag:s22] =	dma.local [hbm:s4], s20  }
0x9e: {  	_ =	swait.ge [sflag:s22], s20  }
0x9f: {  	s3 =	ssub.s32 $0x0, s20;
	[sflag:s22] =	ssyncset.done $0x0  }
0xa0: {  	[sflag:s22] =	ssyncadd.s32 s3;
	_ =	sdelay $0x1  }
0xa1: {  	s23 =	simm.s32 $0x1B8B  }
0xa2: {  	_ =	swait.ge [sflag:s23], $0x1  }
0xa3: {  	[sflag:s23] =	ssyncset.done $0x0  }
0xa4: {  	s25 =	simm.s32 $0x1B8E;
	s24 =	sld [smem:$0x3FFE];
	[sflag:s23] =	ssyncadd.s32 $0xFFFFFFFF  }
0xa5: {  	s26 =	simm.s32 $execute0_lowered;
	[smem:$0x3FD2] =	sst s25  }
0xa6: {  	s4 =	sshll.u32 s26, $0x1;
	_ =	strace $0x80000049;
	[dreg:$0x1] =	wrdreg $0xFFFFFFFF  }
0xa7: {  	s28 =	simm.s32 $_size_execute0_lowered;
	s2 =	sadd.s32 s2, s4;
	[dreg:$0x0] =	wrdreg $0x0  }
0xa8: {  	s4 =	sshll.u32 s28, $0x1;
	[dreg:$0x2] =	wrdreg s2  }
0xa9: {  	[dreg:$0x3] =	wrdreg s4  }
0xaa: {  	[dreg:$0x4] =	wrdreg $0xC0  }
0xab: {  	_ =	task [dreg:s6], $0x5FFFF  }
0xac: {  	[dreg:$0x1] =	wrdreg $0xFFFFFFFF  }
0xad: {  	[dreg:$0x0] =	wrdreg $0x60  }
0xae: {  	[dreg:$0x2] =	wrdreg s24  }
0xaf: {  	[dreg:$0x3] =	wrdreg $0xF0000  }
0xb0: {  	[dreg:$0x4] =	wrdreg $0x9  }
0xb1: {  	_ =	task.clear_ibuf [dreg:s6], $0x5FFFF;
	_ =	strace $0x90000049  }
0xb2: {  	s29 =	simm.s32 $0x9;
	_ =	strace $0x8000004B  }
0xb3: {  	_ =	swait.ge [sflag:s29], $0x1  }
0xb4: {  	[sflag:s29] =	ssyncadd.s32 $0xFFFFFFFF  }
0xb5: {  	_ =	strace $0x9000004B  }
0xb6: {  	_ =	sfence  }
0xb7: {  	s30 =	sld [smem:$0x0];
	_ =	sdelay $0x2  }
0xb8: {  	s31 =	sshll.u32 s1, $0xD;
	s1 =	sshrl.u32 s1, $0x2  }
0xb9: {  	s3 =	sand.u32 $0x4000, s31;
	s1 =	sadd.s32 s1, s30  }
0xba: {  	s0 =	sor.u32 s3, s0;
	s1 =	sshll.u32 s1, $0x11  }
0xbb: {  	s0 =	sor.u32 s1, s0  }
0xbc: {  	s0 =	sadd.s32 $0x8F2B, s0  }
0xbd: {  	[sflag:s0] =	ssyncadd.remote.s32 $0x1  }
0xbe: {  	_ =	sfence.sel $0xFFFF  }
0xbf: {  	[dreg:$0x0] =	wrdreg $0xFFFFFFFF;
	(pc) =	sbr.abs _section_cstart, $3  }
0xc0: {  	[dreg:$0x1] =	wrdreg $0xFFFFFFFF  }
0xc1: {  	_ =	task.clear_ibuf [dreg:s6], $0x2FFFF;
	_ =	strace $0x9FFFFFFF  }
0xc2: {  	(tm) =	ssettm $0x7FFFFFFF  }
0xc3: {  	_ =	shalt  }
tec
execute0_lowered:
.L_overlay_start_1:
0x0: {  	(tag) =	ssettag $0x1  }
0x1: {  	s0 =	srdreg.scid;
	s1 =	rddreg [dreg:$0x0]  }
0x2: {  	s2 =	rddreg [dreg:$0x1];
	s7 =	stileid.u32;
	s4 =	simm.s32 $0x0  }
0x3: {  	s13 =	simm.s32 $0xB;
	s14 =	simm.s32 $0x80;
	s15 =	simm.s32 $0x5000  }
0x4: {  	s16 =	simm.s32 $0x7000;
	s18 =	simm.s32 $0x9000;
	s20 =	simm.s32 $0xB000  }
0x5: {  	s28 =	simm.s32 $0x4;
	s29 =	simm.s32 $0x5;
	s30 =	simm.s32 $0x6  }
0x6: {  	s31 =	simm.s32 $0x7;
	s0 =	sand.u32 $0x1, s0;
	[smem:$0x7FF] =	sst s4  }
0x7: {  	s4 =	sadd.s32 $0x2AA00, s1;
	s8 =	sadd.s32 $0x3EA00, s1;
	s11 =	smul.u32 $0xA000, s7  }
0x8: {  	s23 =	sadd.s32 $0xC900, s1;
	s26 =	sshll.u32 s7, $0x6;
	s3 =	sshll.u32 s0, $0x4  }
0x9: {  	_ =	strace $0x8000004A;
	s6 =	smul.u32 $0x14000, s0;
	[dreg:$0x4] =	wrdreg s8  }
0xa: {  	s0 =	ssub.s32 $0x2, s0;
	[dreg:$0x7] =	wrdreg s23;
	s23 =	simm.s32 $0x1  }
0xb: {  	s3 =	sor.u32 s7, s3;
	s21 =	sshrl.u32 s0, $0x1;
	s24 =	sadd.s32 s11, s2  }
0xc: {  	s17 =	sshrl.u32 s11, $0x3;
	s11 =	sor.u32 $0x1C0B, s26;
	s26 =	simm.s32 $0x3  }
0xd: {  	s5 =	smul.u32 $0x500, s3;
	s10 =	sadd.s32 s6, s1;
	s0 =	ssub.s32 s0, s21  }
0xe: {  	p0 =	seq.s32 s3, $0x1F;
	s12 =	sshrl.u32 s24, $0x3;
	s3 =	simm.s32 $0xA  }
0xf: {  	s25 =	sadd.s32 $0x3FE00, s10;
	s10 =	smax.u32 s0, $0x1;
	s0 =	simm.s32 $0x8  }
0x10: {  	s5 =	sadd.s32 s5, s1;
	s1 =	sadd.s32 $0x16700, s1;
	s24 =	sadd.s32 s17, s25  }
0x11: {  	s25 =	simm.s32 $0x2;
	s22 =	sadd.s32 $0x2E00, s5;
	[dreg:$0x8] =	wrdreg s1  }
0x12: {  	s17 =	simm.s32 $0x0;
	s5 =	sadd.s32 $0xCC00, s5;
	[dreg:$0x5] =	wrdreg s22  }
0x13: {  	s1 =	simm.s32 $0x9;
	[dreg:$0x6] =	wrdreg s5;
	s22 =	simm.s32 $0xD000  }
.LBB2_1:
0x14: {  	s5 =	simm.s32 @p0 $0x0;
	s6 =	rddreg [dreg:$0x7];
	s19 =	simm.s32 @p0 $0xB  }
0x15: {  	[tilespmem:s5], [sflag:$0xB] =	stream.linear.gather @p0 [hbm4b:s6+s5], $0xA00, $0x38;
	[tilespmem:$0x19000] =	vst v63  }
0x16: {  	_ =	swait.ge @p0 [sflag:s19], $0xA00  }
0x17: {  	[sflag:s19] =	ssyncset.done @p0 $0x0  }
0x18: {  	s21 =	simm.s32 @p0 $0x2800;
	s6 =	rddreg [dreg:$0x8];
	[sflag:s19] =	ssyncadd.s32 @p0 $0xFFFFF600  }
0x19: {  	[tilespmem:s21], [sflag:$0xB] =	stream.linear.gather @p0 [hbm4b:s6+s5], $0xA00, $0x38;
	[tilespmem:$0x19000] =	vst v63  }
0x1a: {  	_ =	swait.ge @p0 [sflag:s19], $0xA00  }
0x1b: {  	s5 =	simm.s32 @!p0 $0x0;
	[sflag:s19] =	ssyncset.done @p0 $0x0  }
0x1c: {  	s6 =	rddreg [dreg:$0x5];
	[sflag:s19] =	ssyncadd.s32 @p0 $0xFFFFF600;
	s19 =	simm.s32 @!p0 $0xB  }
0x1d: {  	[tilespmem:s5], [sflag:$0xB] =	stream.linear.gather @!p0 [hbm4b:s6+s5], $0x2800, $0x38;
	[tilespmem:$0x19000] =	vst v63  }
0x1e: {  	_ =	swait.ge @!p0 [sflag:s19], $0x2800  }
0x1f: {  	[sflag:s19] =	ssyncset.done @!p0 $0x0  }
0x20: {  	s21 =	simm.s32 @!p0 $0x2800;
	s6 =	rddreg [dreg:$0x6];
	[sflag:s19] =	ssyncadd.s32 @!p0 $0xFFFFD800  }
0x21: {  	[tilespmem:s21], [sflag:$0xB] =	stream.linear.gather @!p0 [hbm4b:s6+s5], $0x2800, $0x38;
	[tilespmem:$0x19000] =	vst v63  }
0x22: {  	_ =	swait.ge @!p0 [sflag:s19], $0x2800  }
0x23: {  	[sflag:s19] =	ssyncset.done @!p0 $0x0  }
0x24: {  	s21 =	rddreg [dreg:$0x4];
	[sflag:s19] =	ssyncadd.s32 @!p0 $0xFFFFD800  }
0x25: {  	[spmem:s12], [sflag:s11] =	dma.local [hbm:s21], $0x1400  }
0x26: {  	_ =	swait.ge [sflag:s13], $0x1400  }
0x27: {  	[sflag:s13] =	ssyncset.done $0x0  }
0x28: {  	[sflag:s13] =	ssyncadd.s32 $0xFFFFEC00  }
0x29: {  	s6 =	simm.s32 $0x0;
	s19 =	simm.s32 @!p0 $0x50;
	[bflag:$0x0] =	sbarrier.arrive $0xFFFF  }
0x2a: {  	[tilespmem:s15], [sflag:$0x1] =	stream.indirect.gather [hbm4b:s4+s14], $0x40, s6, s14, $0xb8;
	[tilespmem:$0x19000] =	vst v63  }
0x2b: {  	s19 =	simm.s32 @p0 $0x14  }
0x2c: {  	[tilespmem:s16], [sflag:$0x2] =	stream.indirect.gather [hbm4b:s4+s14], $0x40, s14, s14, $0xb8;
	[tilespmem:$0x19000] =	vst v63  }
0x2d: {  	s7 =	simm.s32 $0x100;
	s9 =	smul.u32 $0x67, s19  }
0x2e: {  	[tilespmem:s18], [sflag:$0x3] =	stream.indirect.gather [hbm4b:s4+s14], $0x40, s7, s14, $0xb8;
	[tilespmem:$0x19000] =	vst v63  }
0x2f: {  	s8 =	simm.s32 $0x180;
	s5 =	sshrl.u32 s9, $0x9  }
0x30: {  	[tilespmem:s20], [sflag:$0x4] =	stream.indirect.gather [hbm4b:s4+s14], $0x40, s8, s14, $0xb8;
	[tilespmem:$0x19000] =	vst v63  }
0x31: {  	s21 =	simm.s32 $0x200;
	s5 =	smul.u32 $0xA00, s5  }
0x32: {  	[tilespmem:s22], [sflag:$0x5] =	stream.indirect.gather [hbm4b:s4+s14], $0x40, s21, s14, $0xb8;
	[tilespmem:$0x19000] =	vst v63  }
0x33: {  	[dreg:$0x3] =	wrdreg s5;
	s5 =	simm.s32 $0x0;
	s21 =	simm.s32 $0x9  }
.LBB2_2:
0x34: {  	_ =	swait.ge [sflag:s23], $0x2000  }
0x35: {  	s6 =	sshra.s32 s5, $0x2;
	[sflag:s23] =	ssyncset.done $0x0  }
0x36: {  	s7 =	sadd.s32 $0x2800, s6;
	[sflag:s23] =	ssyncadd.s32 $0xFFFFE000  }
0x37: {  	[spmem:s2] =	stream.indirect.scatter.add.f32 [tilespmem:s15], [sflag:$0x6], $0x40, s7, s14, $0xb8;
	[tilespmem:$0x19000] =	vst v63  }
0x38: {  	_ =	swait.ge [sflag:s25], $0x2000  }
0x39: {  	[sflag:s25] =	ssyncset.done $0x0  }
0x3a: {  	s8 =	sadd.s32 $0x2880, s6;
	[sflag:s25] =	ssyncadd.s32 $0xFFFFE000  }
0x3b: {  	[spmem:s2] =	stream.indirect.scatter.add.f32 [tilespmem:s16], [sflag:$0x7], $0x40, s8, s14, $0xb8;
	[tilespmem:$0x19000] =	vst v63  }
0x3c: {  	_ =	swait.ge [sflag:s26], $0x2000  }
0x3d: {  	[sflag:s26] =	ssyncset.done $0x0  }
0x3e: {  	s9 =	sadd.s32 $0x2900, s6;
	[sflag:s26] =	ssyncadd.s32 $0xFFFFE000  }
0x3f: {  	[spmem:s2] =	stream.indirect.scatter.add.f32 [tilespmem:s18], [sflag:$0x8], $0x40, s9, s14, $0xb8;
	[tilespmem:$0x19000] =	vst v63  }
0x40: {  	_ =	swait.ge [sflag:s28], $0x2000  }
0x41: {  	[sflag:s28] =	ssyncset.done $0x0  }
0x42: {  	s8 =	sadd.s32 $0x2980, s6;
	[sflag:s28] =	ssyncadd.s32 $0xFFFFE000  }
0x43: {  	[spmem:s2] =	stream.indirect.scatter.add.f32 [tilespmem:s20], [sflag:$0x9], $0x40, s8, s14, $0xb8;
	[tilespmem:$0x19000] =	vst v63  }
0x44: {  	_ =	swait.ge [sflag:s29], $0x2000  }
0x45: {  	s9 =	sadd.s32 $0xFFFFFFFC, s21;
	[sflag:s29] =	ssyncset.done $0x0  }
0x46: {  	s6 =	sadd.s32 $0x2A00, s6;
	p1 =	sge.u32 s9, s19;
	[sflag:s29] =	ssyncadd.s32 $0xFFFFE000  }
0x47: {  	[spmem:s2] =	stream.indirect.scatter.add.f32 [tilespmem:s22], [sflag:$0xA], $0x40, s6, s14, $0xb8;
	[tilespmem:$0x19000] =	vst v63  }
0x48: {  	s6 =	simm.s32 @!p1 $0x6  }
0x49: {  	_ =	swait.ge @!p1 [sflag:s6], $0x2000  }
0x4a: {  	[sflag:s6] =	ssyncset.done @!p1 $0x0  }
0x4b: {  	[sflag:s6] =	ssyncadd.s32 @!p1 $0xFFFFE000;
	s6 =	sshra.s32 @!p1 s5, $0x2  }
0x4c: {  	s7 =	simm.s32 @!p1 $0x80;
	s8 =	simm.s32 @!p1 $0x5000;
	s6 =	sadd.s32 @!p1 $0x280, s6  }
0x4d: {  	[tilespmem:s8], [sflag:$0x1] =	stream.indirect.gather @!p1 [hbm4b:s4+s7], $0x40, s6, s7, $0xb8;
	[tilespmem:$0x19000] =	vst v63  }
0x4e: {  	s7 =	sadd.s32 $0xFFFFFFFD, s21  }
0x4f: {  	p1 =	sge.u32 s7, s19  }
0x50: {  	s6 =	simm.s32 @!p1 $0x7  }
0x51: {  	_ =	swait.ge @!p1 [sflag:s6], $0x2000  }
0x52: {  	[sflag:s6] =	ssyncset.done @!p1 $0x0  }
0x53: {  	[sflag:s6] =	ssyncadd.s32 @!p1 $0xFFFFE000;
	s6 =	sshra.s32 @!p1 s5, $0x2  }
0x54: {  	s7 =	simm.s32 @!p1 $0x80;
	s8 =	simm.s32 @!p1 $0x7000;
	s6 =	sadd.s32 @!p1 $0x300, s6  }
0x55: {  	[tilespmem:s8], [sflag:$0x2] =	stream.indirect.gather @!p1 [hbm4b:s4+s7], $0x40, s6, s7, $0xb8;
	[tilespmem:$0x19000] =	vst v63  }
0x56: {  	s8 =	sadd.s32 $0xFFFFFFFE, s21  }
0x57: {  	p1 =	sge.u32 s8, s19  }
0x58: {  	s6 =	simm.s32 @!p1 $0x8  }
0x59: {  	_ =	swait.ge @!p1 [sflag:s6], $0x2000  }
0x5a: {  	[sflag:s6] =	ssyncset.done @!p1 $0x0  }
0x5b: {  	s9 =	sadd.s32 $0xFFFFFFFF, s21;
	[sflag:s6] =	ssyncadd.s32 @!p1 $0xFFFFE000;
	s6 =	sshra.s32 @!p1 s5, $0x2  }
0x5c: {  	s7 =	simm.s32 @!p1 $0x80;
	s8 =	simm.s32 @!p1 $0x9000;
	s6 =	sadd.s32 @!p1 $0x380, s6  }
0x5d: {  	[tilespmem:s8], [sflag:$0x3] =	stream.indirect.gather @!p1 [hbm4b:s4+s7], $0x40, s6, s7, $0xb8;
	[tilespmem:$0x19000] =	vst v63  }
0x5e: {  	p1 =	sge.u32 s9, s19  }
0x5f: {  	s6 =	simm.s32 @!p1 $0x9  }
0x60: {  	_ =	swait.ge @!p1 [sflag:s6], $0x2000  }
0x61: {  	[sflag:s6] =	ssyncset.done @!p1 $0x0  }
0x62: {  	[sflag:s6] =	ssyncadd.s32 @!p1 $0xFFFFE000;
	s6 =	sshra.s32 @!p1 s5, $0x2  }
0x63: {  	s7 =	simm.s32 @!p1 $0x80;
	s8 =	simm.s32 @!p1 $0xB000;
	s6 =	sadd.s32 @!p1 $0x400, s6  }
0x64: {  	[tilespmem:s8], [sflag:$0x4] =	stream.indirect.gather @!p1 [hbm4b:s4+s7], $0x40, s6, s7, $0xb8;
	[tilespmem:$0x19000] =	vst v63  }
0x65: {  	p1 =	sge.u32 s21, s19  }
0x66: {  	s6 =	simm.s32 @!p1 $0xA  }
0x67: {  	s7 =	sshra.s32 @!p1 s5, $0x2;
	s8 =	simm.s32 @!p1 $0xD000;
	_ =	swait.ge @!p1 [sflag:s6], $0x2000  }
0x68: {  	s5 =	sadd.s32 $0xA00, s5;
	[sflag:s6] =	ssyncset.done @!p1 $0x0;
	s9 =	rddreg [dreg:$0x3]  }
0x69: {  	[sflag:s6] =	ssyncadd.s32 @!p1 $0xFFFFE000;
	s6 =	sadd.s32 @!p1 $0x480, s7;
	s7 =	simm.s32 @!p1 $0x80  }
0x6a: {  	[tilespmem:s8], [sflag:$0x5] =	stream.indirect.gather @!p1 [hbm4b:s4+s7], $0x40, s6, s7, $0xb8;
	[tilespmem:$0x19000] =	vst v63  }
0x6b: {  	p1 =	sne.s32 s9, s5  }
.Ltmp0:
0x6c: {  	_ = 	snop;
	(pc) =	sbr.rel @p1 .LBB2_2-.Ltmp0, $2  }
0x6d: {  	_ =	sdelay $0x2  }
0x6e: {  	s21 =	sadd.s32 $0x5, s21  }
0x6f: {  	_ =	swait.ge [sflag:s30], $0x2000  }
0x70: {  	[sflag:s30] =	ssyncset.done $0x0  }
0x71: {  	[sflag:s30] =	ssyncadd.s32 $0xFFFFE000  }
0x72: {  	_ =	swait.ge [sflag:s31], $0x2000  }
0x73: {  	[sflag:s31] =	ssyncset.done $0x0  }
0x74: {  	[sflag:s31] =	ssyncadd.s32 $0xFFFFE000  }
0x75: {  	_ =	swait.ge [sflag:s0], $0x2000  }
0x76: {  	[sflag:s0] =	ssyncset.done $0x0  }
0x77: {  	[sflag:s0] =	ssyncadd.s32 $0xFFFFE000  }
0x78: {  	_ =	swait.ge [sflag:s1], $0x2000  }
0x79: {  	[sflag:s1] =	ssyncset.done $0x0  }
0x7a: {  	[sflag:s1] =	ssyncadd.s32 $0xFFFFE000  }
0x7b: {  	_ =	swait.ge [sflag:s3], $0x2000  }
0x7c: {  	s17 =	sadd.s32 $0x1, s17;
	[sflag:s3] =	ssyncset.done $0x0  }
0x7d: {  	p1 =	sne.s32 s17, s10;
	[sflag:s3] =	ssyncadd.s32 $0xFFFFE000  }
.Ltmp1:
0x7e: {  	[bflag:$0x0] =	sbarrier.arrive $0xFFFF;
	(pc) =	sbr.rel @p1 .LBB2_1-.Ltmp1, $4  }
0x7f: {  	[hbm:s24], [sflag:s11] =	dma.local [spmem:s12], $0x1400  }
0x80: {  	_ =	swait.ge [sflag:s13], $0x1400  }
0x81: {  	[sflag:s13] =	ssyncset.done $0x0  }
0x82: {  	[sflag:s13] =	ssyncadd.s32 $0xFFFFEC00  }
0x83: {  	_ =	sfence.sel $0x180000  }
0x84: {  	[bflag:$0x0] =	sbarrier.arrive $0xFFFF  }
0x85: {  	_ =	strace $0x9000004A  }
0x86: {  	s0 =	stileid.u32;
	[bflag:$0x2] =	sbarrier.arrive $0xFFFF  }
0x87: {  	p0 =	sne.s32 s0, $0x0;
	s0 =	rddreg [dreg:$0x2]  }
0x88: {  	s0 =	sadd.s32 @!p0 $0x100000, s0  }
0x89: {  	[sflag:s0] =	ssyncadd.tile.s32 @!p0 $0x1;
	_ =	shalt  }
.Lfunc_end2:
_tile_overlayer_lowered:
.L_overlay_start_2:
0x8a: {  	(tag) =	ssettag $0x2  }
0x8b: {  	s0 =	rddreg [dreg:$0x0];
	s2 =	stileid.u32  }
0x8c: {  	s1 =	rddreg [dreg:$0x1];
	p0 =	sne.s32 s2, $0x0  }
0x8d: {  	s3 =	rddreg [dreg:$0x2];
	[bflag:$0x3] =	sbarrier.arrive $0xFFFF;
	s2 =	simm.s32 @!p0 $0x1C0B  }
0x8e: {  	[timem:s3], [sflag:s2] =	dma.local @!p0 [hbm:s0], s1  }
0x8f: {  	s0 =	simm.s32 @!p0 $0xB  }
0x90: {  	_ =	swait.ge @!p0 [sflag:s0], s1  }
0x91: {  	s1 =	ssub.s32 @!p0 $0x0, s1;
	[sflag:s0] =	ssyncset.done @!p0 $0x0  }
0x92: {  	[sflag:s0] =	ssyncadd.s32 @!p0 s1  }
0x93: {  	[bflag:$0x3] =	sbarrier.arrive $0xFFFF  }
0x94: {  	_ =	shalt  }

// kernel: kernel.15.cloned.1.call-start
scs
__scs_entry_jumppad:
0x0: {  	(pc) =	sbr.rel $0x88, $3  }
0x1: {  	(tag) =	ssettag $0x0;
	lr =	simm.s32 $0x1  }
0x2: {  	[smem:$0x3F98] =	sst lr;
	_ =	strace $0xD0000000  }
0x3: {  	_ = 	snop  }
0x4: {  	_ = 	snop  }
0x5: {  	_ = 	snop  }
0x6: {  	_ = 	snop  }
0x7: {  	_ = 	snop  }
__scs_overlays_trampoline_lowered:
0x8: {  	[smem:$0x3FA7] =	sst s0  }
0x9: {  	[smem:$0x3FA8] =	sst s1  }
0xa: {  	[smem:$0x3FA9] =	sst s2  }
0xb: {  	[smem:$0x3FAA] =	sst s3  }
0xc: {  	[smem:$0x3FAB] =	sst s4  }
0xd: {  	[smem:$0x3FAC] =	sst s5  }
0xe: {  	[smem:$0x3FAD] =	sst s6  }
0xf: {  	[smem:$0x3FAE] =	sst s7  }
0x10: {  	[smem:$0x3FAF] =	sst s8  }
0x11: {  	[smem:$0x3FB0] =	sst s9;
	s0 =	simm.s32 @!p0 $0x0  }
0x12: {  	s1 =	sld [smem:$0x3F96];
	s0 =	simm.s32 @p0 $0x1  }
0x13: {  	[smem:$0x3FB1] =	sst s0;
	s0 =	simm.s32 @!p1 $0x0  }
0x14: {  	s2 =	sld [smem:$0x3F95];
	s0 =	simm.s32 @p1 $0x1  }
0x15: {  	[smem:$0x3FB2] =	sst s0;
	s0 =	simm.s32 @!p2 $0x0  }
0x16: {  	s3 =	sld [smem:$0x3FDB];
	s0 =	simm.s32 @p2 $0x1  }
0x17: {  	s4 =	simm.s32 $0x1BF5;
	[smem:$0x3FB4] =	sst s0  }
0x18: {  	s0 =	sld [smem:$0x3F97];
	_ =	swait.ge [sflag:s4], $0x0  }
0x19: {  	s7 =	sld [smem:$0x3F98]  }
0x1a: {  	s8 =	sadd.s32 $0xFFFFE003, lr  }
0x1b: {  	s9 =	sadd.s32 $0xFFFFFEF7, lr;
	s5 =	simm.s32 $0xFFFFFFFF;
	p2 =	slt.u32 s8, $0xFFFFF086  }
0x1c: {  	p1 =	slt.u32 s9, $0xF7A;
	s5 =	simm.s32 @!p2 $0x0  }
0x1d: {  	s5 =	simm.s32 @p1 $0x1;
	p0 =	seq.s32 s7, s2  }
0x1e: {  	s7 =	smul.u32 @!p0 $0xF7A, s2;
	p2 =	seq.s32 @!p0 s5, $0x0  }
0x1f: {  	s9 =	smul.u32 $0xF7A, s1;
	s8 =	simm.s32 @!p0 $0x1BF5;
	p2 =	por !p2, p0  }
0x20: {  	[sflag:s8] =	ssyncset.s32 @!p0 $0xFFFFF086;
	s6 =	sadd.s32 @!p0 s3, s7;
	s7 =	simm.s32 @!p0 $0x108  }
0x21: {  	s3 =	sadd.s32 s3, s9;
	s6 =	sadd.s32 @!p0 $0x88, s6;
	s7 =	simm.s32 @p2 $0x1082  }
0x22: {  	[simem:s7], [sflag:s8] =	dma.local @!p0 [hbm:s6], $0xF7A  }
0x23: {  	s9 =	sor.u32 $0xD0000000, s2;
	s6 =	simm.s32 $0x108;
	_ =	swait.ge @!p0 [sflag:s8], $0x0  }
0x24: {  	s3 =	sadd.s32 $0x88, s3;
	s6 =	simm.s32 @!p1 $0x1082;
	[sflag:s4] =	ssyncset.s32 $0xFFFFF086  }
0x25: {  	[simem:s6], [sflag:s4] =	dma.local [hbm:s3], $0xF7A  }
0x26: {  	[smem:$0x3F98] =	sst s1;
	(tag) =	ssettag s2;
	_ =	strace s9  }
0x27: {  	s1 =	sld [smem:$0x3FA8]  }
0x28: {  	s2 =	sld [smem:$0x3FA9]  }
0x29: {  	s4 =	sld [smem:$0x3FAB]  }
0x2a: {  	p0 =	seq.s32 s5, $0x0;
	s5 =	sld [smem:$0x3FAC]  }
0x2b: {  	s6 =	sld [smem:$0x3FAD]  }
0x2c: {  	s7 =	sld [smem:$0x3FAE]  }
0x2d: {  	s3 =	simm.s32 $0x108;
	s8 =	sld [smem:$0x3FAF]  }
0x2e: {  	s3 =	simm.s32 @!p0 $0x1082;
	s9 =	sld [smem:$0x3FB0]  }
0x2f: {  	lr =	sadd.s32 s0, s3;
	s0 =	sld [smem:$0x3FA7]  }
0x30: {  	s3 =	sld [smem:$0x3FAA]  }
0x31: {  	[smem:$0x3FB3] =	sst s10  }
0x32: {  	s10 =	sld [smem:$0x3FB1];
	_ =	sdelay $0x3  }
0x33: {  	p0 =	seq.s32 s10, $0x1;
	s10 =	sld [smem:$0x3FB3];
	_ =	sdelay $0x3  }
0x34: {  	[smem:$0x3FB3] =	sst s10  }
0x35: {  	s10 =	sld [smem:$0x3FB2];
	_ =	sdelay $0x3  }
0x36: {  	p1 =	seq.s32 s10, $0x1;
	s10 =	sld [smem:$0x3FB3];
	_ =	sdelay $0x3  }
0x37: {  	[smem:$0x3FB3] =	sst s10  }
0x38: {  	s10 =	sld [smem:$0x3FB4]  }
0x39: {  	_ = 	snop;
	(pc) =	sbr.ind lr, $3  }
0x3a: {  	_ = 	snop  }
0x3b: {  	_ = 	snop  }
0x3c: {  	p2 =	seq.s32 s10, $0x1;
	s10 =	sld [smem:$0x3FB3]  }
0x3d: {  	_ =	shalt  }
0x3e: {  	_ =	shalt  }
0x3f: {  	_ =	shalt  }
0x40: {  	_ =	shalt  }
0x41: {  	_ =	shalt  }
0x42: {  	_ =	shalt  }
0x43: {  	_ =	shalt  }
0x44: {  	_ =	shalt  }
0x45: {  	_ =	shalt  }
0x46: {  	_ =	shalt  }
0x47: {  	_ =	shalt  }
0x48: {  	_ =	shalt  }
0x49: {  	_ =	shalt  }
0x4a: {  	_ =	shalt  }
0x4b: {  	_ =	shalt  }
0x4c: {  	_ =	shalt  }
0x4d: {  	_ =	shalt  }
0x4e: {  	_ =	shalt  }
0x4f: {  	_ =	shalt  }
0x50: {  	_ =	shalt  }
0x51: {  	_ =	shalt  }
0x52: {  	_ =	shalt  }
0x53: {  	_ =	shalt  }
0x54: {  	_ =	shalt  }
0x55: {  	_ =	shalt  }
0x56: {  	_ =	shalt  }
0x57: {  	_ =	shalt  }
0x58: {  	_ =	shalt  }
0x59: {  	_ =	shalt  }
0x5a: {  	_ =	shalt  }
0x5b: {  	_ =	shalt  }
0x5c: {  	_ =	shalt  }
0x5d: {  	_ =	shalt  }
0x5e: {  	_ =	shalt  }
0x5f: {  	_ =	shalt  }
0x60: {  	_ =	shalt  }
0x61: {  	_ =	shalt  }
0x62: {  	_ =	shalt  }
0x63: {  	_ =	shalt  }
0x64: {  	_ =	shalt  }
0x65: {  	_ =	shalt  }
0x66: {  	_ =	shalt  }
0x67: {  	_ =	shalt  }
0x68: {  	_ =	shalt  }
0x69: {  	_ =	shalt  }
0x6a: {  	_ =	shalt  }
0x6b: {  	_ =	shalt  }
0x6c: {  	_ =	shalt  }
0x6d: {  	_ =	shalt  }
0x6e: {  	_ =	shalt  }
0x6f: {  	_ =	shalt  }
0x70: {  	_ =	shalt  }
0x71: {  	_ =	shalt  }
0x72: {  	_ =	shalt  }
0x73: {  	_ =	shalt  }
0x74: {  	_ =	shalt  }
0x75: {  	_ =	shalt  }
0x76: {  	_ =	shalt  }
0x77: {  	_ =	shalt  }
0x78: {  	_ =	shalt  }
0x79: {  	_ =	shalt  }
0x7a: {  	_ =	shalt  }
0x7b: {  	_ =	shalt  }
0x7c: {  	_ =	shalt  }
0x7d: {  	_ =	shalt  }
0x7e: {  	_ =	shalt  }
0x7f: {  	_ =	shalt  }
0x80: {  	_ =	shalt  }
0x81: {  	_ =	shalt  }
0x82: {  	_ =	shalt  }
0x83: {  	_ =	shalt  }
0x84: {  	_ =	shalt  }
0x85: {  	_ =	shalt  }
0x86: {  	_ =	shalt  }
0x87: {  	_ =	shalt  }
.Lfunc_end0:
.L_simem_size_0:
called_computation.2_lowered:
.L_overlay_start_0:
0x88: {  	s2 =	sld [smem:$0x3FD9]  }
0x89: {  	s3 =	sld [smem:$0x3FFE];
	_ =	sdelay $0x1  }
0x8a: {  	s1 =	srdreg.scid  }
0x8b: {  	s0 =	sand.u32 $0x1, s1  }
0x8c: {  	s14 =	sshll.u32 s0, $0xA;
	s2 =	sadd.s32 s3, s2  }
0x8d: {  	s2 =	sadd.s32 s2, s14  }
0x8e: {  	[smem:$0x3FBF] =	sst s2  }
0x8f: {  	_ = 	snop  }
0x90: {  	s2 =	sld [smem:$0x3FD0];
	_ =	sdelay $0x2  }
0x91: {  	s4 =	simm.s32 $0xA;
	s5 =	simm.s32 $0x10;
	s15 =	sld [smem:$0x3FC7]  }
0x92: {  	[smem:s5], [sflag:s4] =	dma.local [hbm:s2], $0x1  }
0x93: {  	_ =	swait.eq [sflag:s4], $0x1  }
0x94: {  	[sflag:s4] =	ssyncset.done $0x0  }
0x95: {  	[sflag:s4] =	ssyncadd.s32 $0xFFFFFFFF  }
0x96: {  	s16 =	sld [smem:$0x10];
	(tm) =	ssettm $0x1  }
0x97: {  	s17 =	sld [smem:$0x3FFB];
	_ =	sdelay $0x3  }
0x98: {  	_ =	strace s17  }
0x99: {  	s4 =	sld [smem:$0x3FFC];
	_ =	sdelay $0x3  }
0x9a: {  	_ =	strace s4  }
0x9b: {  	s4 =	sld [smem:$0x3FFD];
	_ =	sdelay $0x3  }
0x9c: {  	_ =	strace s4  }
0x9d: {  	_ =	strace $0x8FFFFFFF  }
0x9e: {  	s18 =	sld [smem:$0x3FDB];
	_ =	sdelay $0x1  }
0x9f: {  	s19 =	simm.s32 $_scs_section_size  }
0xa0: {  	s6 =	simm.s32 $_size__tile_overlayer_lowered;
	s7 =	simm.s32 $_tile_overlayer_lowered  }
0xa1: {  	s22 =	simm.s32 $0x1BFF;
	s21 =	sshll.u32 s7, $0x1;
	s4 =	sadd.s32 s19, s18  }
0xa2: {  	s8 =	simm.s32 $0x0;
	s20 =	sshll.u32 s6, $0x1;
	s6 =	sadd.s32 s21, s4  }
0xa3: {  	[timem:s8], [sflag:s22] =	dma.local [hbm:s6], s20  }
0xa4: {  	_ =	swait.ge [sflag:s22], s20  }
0xa5: {  	s5 =	ssub.s32 $0x0, s20;
	[sflag:s22] =	ssyncset.done $0x0  }
0xa6: {  	[sflag:s22] =	ssyncadd.s32 s5;
	_ =	sdelay $0x1  }
0xa7: {  	s23 =	simm.s32 $0x1B8B  }
0xa8: {  	_ =	swait.ge [sflag:s23], $0x1  }
0xa9: {  	[sflag:s23] =	ssyncset.done $0x0  }
0xaa: {  	s25 =	simm.s32 $0x1B8E;
	s24 =	sld [smem:$0x3FFE];
	[sflag:s23] =	ssyncadd.s32 $0xFFFFFFFF  }
0xab: {  	s26 =	simm.s32 $execute0_lowered;
	[smem:$0x3FD2] =	sst s25  }
0xac: {  	s6 =	sshll.u32 s26, $0x1;
	_ =	strace $0x8000004C;
	[dreg:$0x1] =	wrdreg $0xFFFFFFFF  }
0xad: {  	s28 =	simm.s32 $_size_execute0_lowered;
	s4 =	sadd.s32 s4, s6;
	[dreg:$0x0] =	wrdreg $0x0  }
0xae: {  	s6 =	sshll.u32 s28, $0x1;
	[dreg:$0x2] =	wrdreg s4  }
0xaf: {  	[dreg:$0x3] =	wrdreg s6  }
0xb0: {  	[dreg:$0x4] =	wrdreg $0xC0  }
0xb1: {  	_ =	task [dreg:s8], $0x5FFFF  }
0xb2: {  	[dreg:$0x1] =	wrdreg $0xFFFFFFFF  }
0xb3: {  	[dreg:$0x0] =	wrdreg $0x60  }
0xb4: {  	[dreg:$0x2] =	wrdreg s24  }
0xb5: {  	[dreg:$0x3] =	wrdreg s15  }
0xb6: {  	[dreg:$0x4] =	wrdreg s16  }
0xb7: {  	[dreg:$0x5] =	wrdreg $0x110800  }
0xb8: {  	[dreg:$0x6] =	wrdreg $0x9  }
0xb9: {  	_ =	task.clear_ibuf [dreg:s8], $0x7FFFF;
	_ =	strace $0x9000004C  }
0xba: {  	s29 =	simm.s32 $0x9;
	_ =	strace $0x8000004E  }
0xbb: {  	_ =	swait.ge [sflag:s29], $0x1  }
0xbc: {  	[sflag:s29] =	ssyncadd.s32 $0xFFFFFFFF  }
0xbd: {  	_ =	strace $0x9000004E  }
0xbe: {  	_ =	sfence  }
0xbf: {  	s30 =	sld [smem:$0x0];
	_ =	sdelay $0x2  }
0xc0: {  	s31 =	sshll.u32 s1, $0xD;
	s1 =	sshrl.u32 s1, $0x2  }
0xc1: {  	s3 =	sand.u32 $0x4000, s31;
	s1 =	sadd.s32 s1, s30  }
0xc2: {  	s0 =	sor.u32 s3, s0;
	s1 =	sshll.u32 s1, $0x11  }
0xc3: {  	s0 =	sor.u32 s1, s0  }
0xc4: {  	s0 =	sadd.s32 $0x8F2B, s0  }
0xc5: {  	[sflag:s0] =	ssyncadd.remote.s32 $0x1  }
0xc6: {  	_ =	sfence.sel $0xFFFF  }
0xc7: {  	[dreg:$0x0] =	wrdreg $0xFFFFFFFF;
	(pc) =	sbr.abs _section_cstart, $3  }
0xc8: {  	[dreg:$0x1] =	wrdreg $0xFFFFFFFF  }
0xc9: {  	_ =	task.clear_ibuf [dreg:s8], $0x2FFFF;
	_ =	strace $0x9FFFFFFF  }
0xca: {  	(tm) =	ssettm $0x7FFFFFFF  }
0xcb: {  	_ =	shalt  }
tec
execute0_lowered:
.L_overlay_start_1:
0x0: {  	(tag) =	ssettag $0x1  }
0x1: {  	s0 =	rddreg [dreg:$0x0]  }
0x2: {  	s1 =	rddreg [dreg:$0x1];
	s2 =	srdreg.scid  }
0x3: {  	s5 =	rddreg [dreg:$0x2];
	s15 =	stileid.u32  }
0x4: {  	s3 =	simm.s32 $0x0;
	s17 =	simm.s32 $0xB;
	s18 =	simm.s32 $0x80  }
0x5: {  	s29 =	simm.s32 $0xD000;
	s30 =	simm.s32 $0x1;
	s31 =	simm.s32 $0x2  }
0x6: {  	s28 =	simm.s32 $0x7;
	s6 =	sand.u32 $0x1, s2;
	s2 =	rddreg [dreg:$0x3]  }
0x7: {  	[smem:$0x7FF] =	sst s3;
	s9 =	sadd.s32 $0x3EA00, s0;
	s10 =	sadd.s32 $0x16A00, s0  }
0x8: {  	s14 =	sadd.s32 $0x6FE00, s0;
	s20 =	smul.u32 $0xA000, s15;
	s21 =	sadd.s32 $0xC900, s0  }
0x9: {  	s25 =	sshll.u32 s15, $0x4;
	s24 =	sshll.u32 s15, $0x6;
	s4 =	sshll.u32 s6, $0x4  }
0xa: {  	_ =	strace $0x8000004D;
	[dreg:$0x6] =	wrdreg s9;
	s19 =	smul.u32 $0x14000, s6  }
0xb: {  	s11 =	sshll.u32 s6, $0xE;
	s12 =	ssub.s32 $0x2, s6;
	[dreg:$0x9] =	wrdreg s21  }
0xc: {  	s1 =	sadd.s32 s1, s25;
	p0 =	seq.s32 s6, $0x1;
	s6 =	sshll.u32 s15, $0xA  }
0xd: {  	s7 =	sor.u32 s15, s4;
	s4 =	sadd.s32 $0x2AA00, s0;
	s11 =	sadd.s32 s11, s0  }
0xe: {  	s13 =	sshrl.u32 s12, $0x1;
	s22 =	sadd.s32 s20, s2;
	s26 =	sshrl.u32 s20, $0x3  }
0xf: {  	[dreg:$0xc] =	wrdreg s1;
	s5 =	smov.u32 @p0 s14;
	s15 =	sor.u32 $0x1C0B, s24  }
0x10: {  	s20 =	simm.s32 $0x7000;
	s1 =	simm.s32 $0x4;
	s8 =	smul.u32 $0x500, s7  }
0x11: {  	s9 =	sadd.s32 s19, s0;
	s13 =	ssub.s32 s12, s13;
	s12 =	sadd.s32 $0x67E00, s11  }
0x12: {  	s5 =	sadd.s32 s5, s6;
	s19 =	simm.s32 $0x5000;
	s11 =	simm.s32 $0x0  }
0x13: {  	s21 =	sadd.s32 $0x3FE00, s9;
	s23 =	smax.u32 s13, $0x1;
	[dreg:$0xf] =	wrdreg s5  }
0x14: {  	s25 =	sadd.s32 s6, s12;
	s5 =	simm.s32 $0x8;
	[dreg:$0xe] =	wrdreg s23  }
0x15: {  	s6 =	simm.s32 $0x9;
	s9 =	simm.s32 $0xF080;
	[dreg:$0x10] =	wrdreg s25  }
0x16: {  	s8 =	sadd.s32 s8, s0;
	s0 =	sadd.s32 $0x16700, s0;
	[dreg:$0xb] =	wrdreg s21  }
0x17: {  	s26 =	sadd.s32 s26, s21;
	s21 =	simm.s32 $0x5;
	[dreg:$0xa] =	wrdreg s0  }
0x18: {  	s16 =	sadd.s32 $0x2E00, s8;
	s8 =	sadd.s32 $0xCC00, s8;
	[dreg:$0x11] =	wrdreg s26  }
0x19: {  	s26 =	simm.s32 $0xB000;
	s0 =	simm.s32 $0x3;
	[dreg:$0x7] =	wrdreg s16  }
0x1a: {  	[dreg:$0x8] =	wrdreg s8;
	s8 =	smov.u32 s4;
	s16 =	sshrl.u32 s22, $0x3  }
0x1b: {  	s22 =	simm.s32 $0x9000;
	s8 =	smov.u32 @p0 s10;
	p0 =	seq.s32 s7, $0x1F  }
0x1c: {  	s7 =	simm.s32 $0xA;
	[dreg:$0xd] =	wrdreg s8;
	s8 =	simm.s32 $0xF000  }
.LBB2_1:
0x1d: {  	s10 =	simm.s32 @p0 $0x0;
	s12 =	rddreg [dreg:$0x9];
	s13 =	simm.s32 @p0 $0xB  }
0x1e: {  	[tilespmem:s10], [sflag:$0xB] =	stream.linear.gather @p0 [hbm4b:s12+s10], $0xA00, $0x38;
	[tilespmem:$0x1B080] =	vst v63  }
0x1f: {  	_ =	swait.ge @p0 [sflag:s13], $0xA00  }
0x20: {  	[sflag:s13] =	ssyncset.done @p0 $0x0  }
0x21: {  	s14 =	simm.s32 @p0 $0x2800;
	s12 =	rddreg [dreg:$0xa];
	[sflag:s13] =	ssyncadd.s32 @p0 $0xFFFFF600  }
0x22: {  	[tilespmem:s14], [sflag:$0xB] =	stream.linear.gather @p0 [hbm4b:s12+s10], $0xA00, $0x38;
	[tilespmem:$0x1B080] =	vst v63  }
0x23: {  	_ =	swait.ge @p0 [sflag:s13], $0xA00  }
0x24: {  	s10 =	simm.s32 @!p0 $0x0;
	[sflag:s13] =	ssyncset.done @p0 $0x0  }
0x25: {  	s12 =	rddreg [dreg:$0x7];
	[sflag:s13] =	ssyncadd.s32 @p0 $0xFFFFF600;
	s13 =	simm.s32 @!p0 $0xB  }
0x26: {  	[tilespmem:s10], [sflag:$0xB] =	stream.linear.gather @!p0 [hbm4b:s12+s10], $0x2800, $0x38;
	[tilespmem:$0x1B080] =	vst v63  }
0x27: {  	_ =	swait.ge @!p0 [sflag:s13], $0x2800  }
0x28: {  	[sflag:s13] =	ssyncset.done @!p0 $0x0  }
0x29: {  	s14 =	simm.s32 @!p0 $0x2800;
	s12 =	rddreg [dreg:$0x8];
	[sflag:s13] =	ssyncadd.s32 @!p0 $0xFFFFD800  }
0x2a: {  	[tilespmem:s14], [sflag:$0xB] =	stream.linear.gather @!p0 [hbm4b:s12+s10], $0x2800, $0x38;
	[tilespmem:$0x1B080] =	vst v63  }
0x2b: {  	_ =	swait.ge @!p0 [sflag:s13], $0x2800  }
0x2c: {  	[sflag:s13] =	ssyncset.done @!p0 $0x0  }
0x2d: {  	[sflag:s13] =	ssyncadd.s32 @!p0 $0xFFFFD800;
	s13 =	rddreg [dreg:$0x6]  }
0x2e: {  	[spmem:s16], [sflag:s15] =	dma.local [hbm:s13], $0x1400  }
0x2f: {  	_ =	swait.ge [sflag:s17], $0x1400  }
0x30: {  	[sflag:s17] =	ssyncset.done $0x0  }
0x31: {  	s13 =	simm.s32 @!p0 $0x50;
	[sflag:s17] =	ssyncadd.s32 $0xFFFFEC00  }
0x32: {  	s13 =	simm.s32 @p0 $0x14;
	[bflag:$0x0] =	sbarrier.arrive $0xFFFF  }
0x33: {  	[tilespmem:s19], [sflag:$0x1] =	stream.indirect.gather [hbm4b:s4+s18], $0x40, s3, s18, $0xb8;
	[tilespmem:$0x1B080] =	vst v63  }
0x34: {  	s24 =	smul.u32 $0x67, s13  }
0x35: {  	[tilespmem:s20], [sflag:$0x2] =	stream.indirect.gather [hbm4b:s4+s18], $0x40, s18, s18, $0xb8;
	[tilespmem:$0x1B080] =	vst v63  }
0x36: {  	s14 =	simm.s32 $0x100;
	s10 =	sshrl.u32 s24, $0x9  }
0x37: {  	[tilespmem:s22], [sflag:$0x3] =	stream.indirect.gather [hbm4b:s4+s18], $0x40, s14, s18, $0xb8;
	[tilespmem:$0x1B080] =	vst v63  }
0x38: {  	s23 =	simm.s32 $0x180;
	s25 =	simm.s32 $0x200;
	s10 =	smul.u32 $0xA00, s10  }
0x39: {  	[tilespmem:s26], [sflag:$0x4] =	stream.indirect.gather [hbm4b:s4+s18], $0x40, s23, s18, $0xb8;
	[tilespmem:$0x1B080] =	vst v63  }
0x3a: {  	[dreg:$0x5] =	wrdreg s10;
	s10 =	simm.s32 $0x9;
	s14 =	simm.s32 $0x0  }
0x3b: {  	[tilespmem:s29], [sflag:$0x5] =	stream.indirect.gather [hbm4b:s4+s18], $0x40, s25, s18, $0xb8;
	[tilespmem:$0x1B080] =	vst v63  }
.LBB2_2:
0x3c: {  	_ =	swait.ge [sflag:s30], $0x2000  }
0x3d: {  	s23 =	sshra.s32 s14, $0x2;
	[sflag:s30] =	ssyncset.done $0x0  }
0x3e: {  	s12 =	sadd.s32 $0x2800, s23;
	[sflag:s30] =	ssyncadd.s32 $0xFFFFE000  }
0x3f: {  	[spmem:s2] =	stream.indirect.scatter.add.f32 [tilespmem:s19], [sflag:$0x6], $0x40, s12, s18, $0xb8;
	[tilespmem:$0x1B080] =	vst v63  }
0x40: {  	_ =	swait.ge [sflag:s31], $0x2000  }
0x41: {  	[sflag:s31] =	ssyncset.done $0x0  }
0x42: {  	s25 =	sadd.s32 $0x2880, s23;
	[sflag:s31] =	ssyncadd.s32 $0xFFFFE000  }
0x43: {  	[spmem:s2] =	stream.indirect.scatter.add.f32 [tilespmem:s20], [sflag:$0x7], $0x40, s25, s18, $0xb8;
	[tilespmem:$0x1B080] =	vst v63  }
0x44: {  	_ =	swait.ge [sflag:s0], $0x2000  }
0x45: {  	[sflag:s0] =	ssyncset.done $0x0  }
0x46: {  	s24 =	sadd.s32 $0x2900, s23;
	[sflag:s0] =	ssyncadd.s32 $0xFFFFE000  }
0x47: {  	[spmem:s2] =	stream.indirect.scatter.add.f32 [tilespmem:s22], [sflag:$0x8], $0x40, s24, s18, $0xb8;
	[tilespmem:$0x1B080] =	vst v63  }
0x48: {  	_ =	swait.ge [sflag:s1], $0x2000  }
0x49: {  	[sflag:s1] =	ssyncset.done $0x0  }
0x4a: {  	s25 =	sadd.s32 $0x2980, s23;
	[sflag:s1] =	ssyncadd.s32 $0xFFFFE000  }
0x4b: {  	[spmem:s2] =	stream.indirect.scatter.add.f32 [tilespmem:s26], [sflag:$0x9], $0x40, s25, s18, $0xb8;
	[tilespmem:$0x1B080] =	vst v63  }
0x4c: {  	s25 =	sadd.s32 $0xFFFFFFFC, s10;
	_ =	swait.ge [sflag:s21], $0x2000  }
0x4d: {  	p1 =	sge.u32 s25, s13;
	[sflag:s21] =	ssyncset.done $0x0  }
0x4e: {  	s24 =	sadd.s32 $0x2A00, s23;
	s12 =	simm.s32 @!p1 $0x6;
	[sflag:s21] =	ssyncadd.s32 $0xFFFFE000  }
0x4f: {  	[spmem:s2] =	stream.indirect.scatter.add.f32 [tilespmem:s29], [sflag:$0xA], $0x40, s24, s18, $0xb8;
	[tilespmem:$0x1B080] =	vst v63  }
0x50: {  	_ =	swait.ge @!p1 [sflag:s12], $0x2000  }
0x51: {  	[sflag:s12] =	ssyncset.done @!p1 $0x0  }
0x52: {  	[sflag:s12] =	ssyncadd.s32 @!p1 $0xFFFFE000;
	s12 =	sshra.s32 @!p1 s14, $0x2  }
0x53: {  	s23 =	simm.s32 @!p1 $0x80;
	s25 =	simm.s32 @!p1 $0x5000;
	s12 =	sadd.s32 @!p1 $0x280, s12  }
0x54: {  	[tilespmem:s25], [sflag:$0x1] =	stream.indirect.gather @!p1 [hbm4b:s4+s23], $0x40, s12, s23, $0xb8;
	[tilespmem:$0x1B080] =	vst v63  }
0x55: {  	s23 =	sadd.s32 $0xFFFFFFFD, s10  }
0x56: {  	p1 =	sge.u32 s23, s13  }
0x57: {  	s12 =	simm.s32 @!p1 $0x7  }
0x58: {  	_ =	swait.ge @!p1 [sflag:s12], $0x2000  }
0x59: {  	[sflag:s12] =	ssyncset.done @!p1 $0x0  }
0x5a: {  	s24 =	sadd.s32 $0xFFFFFFFE, s10;
	[sflag:s12] =	ssyncadd.s32 @!p1 $0xFFFFE000;
	s12 =	sshra.s32 @!p1 s14, $0x2  }
0x5b: {  	s23 =	simm.s32 @!p1 $0x80;
	s25 =	simm.s32 @!p1 $0x7000;
	s12 =	sadd.s32 @!p1 $0x300, s12  }
0x5c: {  	[tilespmem:s25], [sflag:$0x2] =	stream.indirect.gather @!p1 [hbm4b:s4+s23], $0x40, s12, s23, $0xb8;
	[tilespmem:$0x1B080] =	vst v63  }
0x5d: {  	p1 =	sge.u32 s24, s13  }
0x5e: {  	s12 =	simm.s32 @!p1 $0x8  }
0x5f: {  	_ =	swait.ge @!p1 [sflag:s12], $0x2000  }
0x60: {  	[sflag:s12] =	ssyncset.done @!p1 $0x0  }
0x61: {  	[sflag:s12] =	ssyncadd.s32 @!p1 $0xFFFFE000;
	s12 =	sshra.s32 @!p1 s14, $0x2  }
0x62: {  	s23 =	simm.s32 @!p1 $0x80;
	s25 =	simm.s32 @!p1 $0x9000;
	s12 =	sadd.s32 @!p1 $0x380, s12  }
0x63: {  	[tilespmem:s25], [sflag:$0x3] =	stream.indirect.gather @!p1 [hbm4b:s4+s23], $0x40, s12, s23, $0xb8;
	[tilespmem:$0x1B080] =	vst v63  }
0x64: {  	s25 =	sadd.s32 $0xFFFFFFFF, s10  }
0x65: {  	p1 =	sge.u32 s25, s13  }
0x66: {  	s12 =	simm.s32 @!p1 $0x9  }
0x67: {  	_ =	swait.ge @!p1 [sflag:s12], $0x2000  }
0x68: {  	[sflag:s12] =	ssyncset.done @!p1 $0x0  }
0x69: {  	[sflag:s12] =	ssyncadd.s32 @!p1 $0xFFFFE000;
	s12 =	sshra.s32 @!p1 s14, $0x2  }
0x6a: {  	s23 =	simm.s32 @!p1 $0x80;
	s25 =	simm.s32 @!p1 $0xB000;
	s12 =	sadd.s32 @!p1 $0x400, s12  }
0x6b: {  	[tilespmem:s25], [sflag:$0x4] =	stream.indirect.gather @!p1 [hbm4b:s4+s23], $0x40, s12, s23, $0xb8;
	[tilespmem:$0x1B080] =	vst v63  }
0x6c: {  	p1 =	sge.u32 s10, s13  }
0x6d: {  	s12 =	simm.s32 @!p1 $0xA  }
0x6e: {  	s23 =	sshra.s32 @!p1 s14, $0x2;
	s25 =	simm.s32 @!p1 $0xD000;
	_ =	swait.ge @!p1 [sflag:s12], $0x2000  }
0x6f: {  	s14 =	sadd.s32 $0xA00, s14;
	[sflag:s12] =	ssyncset.done @!p1 $0x0;
	s24 =	rddreg [dreg:$0x5]  }
0x70: {  	[sflag:s12] =	ssyncadd.s32 @!p1 $0xFFFFE000;
	s12 =	sadd.s32 @!p1 $0x480, s23;
	s23 =	simm.s32 @!p1 $0x80  }
0x71: {  	[tilespmem:s25], [sflag:$0x5] =	stream.indirect.gather @!p1 [hbm4b:s4+s23], $0x40, s12, s23, $0xb8;
	[tilespmem:$0x1B080] =	vst v63  }
0x72: {  	p1 =	sne.s32 s24, s14  }
.Ltmp0:
0x73: {  	_ = 	snop;
	(pc) =	sbr.rel @p1 .LBB2_2-.Ltmp0, $2  }
0x74: {  	_ =	sdelay $0x2  }
0x75: {  	s10 =	sadd.s32 $0x5, s10  }
0x76: {  	s10 =	simm.s32 $0x6  }
0x77: {  	_ =	swait.ge [sflag:s10], $0x2000  }
0x78: {  	[sflag:s10] =	ssyncset.done $0x0  }
0x79: {  	[sflag:s10] =	ssyncadd.s32 $0xFFFFE000  }
0x7a: {  	_ =	swait.ge [sflag:s28], $0x2000  }
0x7b: {  	[sflag:s28] =	ssyncset.done $0x0  }
0x7c: {  	[sflag:s28] =	ssyncadd.s32 $0xFFFFE000  }
0x7d: {  	_ =	swait.ge [sflag:s5], $0x2000  }
0x7e: {  	[sflag:s5] =	ssyncset.done $0x0  }
0x7f: {  	[sflag:s5] =	ssyncadd.s32 $0xFFFFE000  }
0x80: {  	_ =	swait.ge [sflag:s6], $0x2000  }
0x81: {  	[sflag:s6] =	ssyncset.done $0x0  }
0x82: {  	[sflag:s6] =	ssyncadd.s32 $0xFFFFE000  }
0x83: {  	_ =	swait.ge [sflag:s7], $0x2000  }
0x84: {  	[sflag:s7] =	ssyncset.done $0x0  }
0x85: {  	[sflag:s7] =	ssyncadd.s32 $0xFFFFE000  }
0x86: {  	[bflag:$0x0] =	sbarrier.arrive $0xFFFF  }
0x87: {  	s25 =	rddreg [dreg:$0x11]  }
0x88: {  	[hbm:s25], [sflag:s15] =	dma.local [spmem:s16], $0x1400  }
0x89: {  	_ =	swait.ge [sflag:s17], $0x1400  }
0x8a: {  	[sflag:s17] =	ssyncset.done $0x0  }
0x8b: {  	s12 =	rddreg [dreg:$0xc];
	[sflag:s17] =	ssyncadd.s32 $0xFFFFEC00  }
0x8c: {  	[tilespmem:s8], [sflag:$0xB] =	stream.linear.gather [hbm4b:s12+s3], $0x80, $0x38;
	[tilespmem:$0x1B080] =	vst v63  }
0x8d: {  	_ =	swait.ge [sflag:s17], $0x80  }
0x8e: {  	[sflag:s17] =	ssyncset.done $0x0  }
0x8f: {  	s13 =	rddreg [dreg:$0xd];
	[sflag:s17] =	ssyncadd.s32 $0xFFFFFF80  }
0x90: {  	[tilespmem:s9], [sflag:$0x1] =	stream.indirect.gather [hbm4b:s13+s18], $0x40, s8, s18, $0xb8;
	[tilespmem:$0x1B080] =	vst v63  }
0x91: {  	_ =	swait.ge [sflag:s30], $0x2000  }
0x92: {  	[sflag:s30] =	ssyncset.done $0x0  }
0x93: {  	s14 =	rddreg [dreg:$0xf];
	[sflag:s30] =	ssyncadd.s32 $0xFFFFE000  }
0x94: {  	[hbm4b:s14+s3] =	stream.linear.scatter [tilespmem:s9], [sflag:$0xB], $0x2000, $0x38;
	[tilespmem:$0x1B080] =	vst v63  }
0x95: {  	_ =	swait.ge [sflag:s17], $0x2000  }
0x96: {  	[sflag:s17] =	ssyncset.done $0x0  }
0x97: {  	[sflag:s17] =	ssyncadd.s32 $0xFFFFE000  }
0x98: {  	[bflag:$0x0] =	sbarrier.arrive $0xFFFF  }
0x99: {  	s23 =	rddreg [dreg:$0xb]  }
0x9a: {  	[tilespmem:s9], [sflag:$0x2] =	stream.indirect.gather [hbm4b:s23+s18], $0x40, s8, s18, $0xb8;
	[tilespmem:$0x1B080] =	vst v63  }
0x9b: {  	_ =	swait.ge [sflag:s31], $0x2000  }
0x9c: {  	[sflag:s31] =	ssyncset.done $0x0  }
0x9d: {  	s24 =	rddreg [dreg:$0x10];
	[sflag:s31] =	ssyncadd.s32 $0xFFFFE000  }
0x9e: {  	[hbm4b:s24+s3] =	stream.linear.scatter [tilespmem:s9], [sflag:$0xB], $0x2000, $0x38;
	[tilespmem:$0x1B080] =	vst v63  }
0x9f: {  	_ =	swait.ge [sflag:s17], $0x2000  }
0xa0: {  	s11 =	sadd.s32 $0x1, s11;
	s25 =	rddreg [dreg:$0xe]  }
0xa1: {  	p1 =	sne.s32 s11, s25  }
.Ltmp1:
0xa2: {  	_ = 	snop;
	(pc) =	sbr.rel @p1 .LBB2_1-.Ltmp1, $3  }
0xa3: {  	_ =	sdelay $0x1  }
0xa4: {  	[sflag:s17] =	ssyncset.done $0x0  }
0xa5: {  	[sflag:s17] =	ssyncadd.s32 $0xFFFFE000  }
0xa6: {  	_ =	sfence.sel $0x180000  }
0xa7: {  	[bflag:$0x0] =	sbarrier.arrive $0xFFFF  }
0xa8: {  	_ =	strace $0x9000004D  }
0xa9: {  	s0 =	stileid.u32;
	[bflag:$0x2] =	sbarrier.arrive $0xFFFF  }
0xaa: {  	p0 =	sne.s32 s0, $0x0;
	s0 =	rddreg [dreg:$0x4]  }
0xab: {  	s0 =	sadd.s32 @!p0 $0x100000, s0  }
0xac: {  	[sflag:s0] =	ssyncadd.tile.s32 @!p0 $0x1;
	_ =	shalt  }
.Lfunc_end2:
_tile_overlayer_lowered:
.L_overlay_start_2:
0xad: {  	(tag) =	ssettag $0x2  }
0xae: {  	s0 =	rddreg [dreg:$0x0];
	s2 =	stileid.u32  }
0xaf: {  	s1 =	rddreg [dreg:$0x1];
	p0 =	sne.s32 s2, $0x0  }
0xb0: {  	s3 =	rddreg [dreg:$0x2];
	[bflag:$0x3] =	sbarrier.arrive $0xFFFF;
	s2 =	simm.s32 @!p0 $0x1C0B  }
0xb1: {  	[timem:s3], [sflag:s2] =	dma.local @!p0 [hbm:s0], s1  }
0xb2: {  	s0 =	simm.s32 @!p0 $0xB  }
0xb3: {  	_ =	swait.ge @!p0 [sflag:s0], s1  }
0xb4: {  	s1 =	ssub.s32 @!p0 $0x0, s1;
	[sflag:s0] =	ssyncset.done @!p0 $0x0  }
0xb5: {  	[sflag:s0] =	ssyncadd.s32 @!p0 s1  }
0xb6: {  	[bflag:$0x3] =	sbarrier.arrive $0xFFFF  }
0xb7: {  	_ =	shalt  }

// kernel: kernel.9.cloned.1.call-start
scs
__scs_entry_jumppad:
0x0: {  	(pc) =	sbr.rel $0x88, $3  }
0x1: {  	(tag) =	ssettag $0x0;
	lr =	simm.s32 $0x1  }
0x2: {  	[smem:$0x3F98] =	sst lr;
	_ =	strace $0xD0000000  }
0x3: {  	_ = 	snop  }
0x4: {  	_ = 	snop  }
0x5: {  	_ = 	snop  }
0x6: {  	_ = 	snop  }
0x7: {  	_ = 	snop  }
__scs_overlays_trampoline_lowered:
0x8: {  	[smem:$0x3FA7] =	sst s0  }
0x9: {  	[smem:$0x3FA8] =	sst s1  }
0xa: {  	[smem:$0x3FA9] =	sst s2  }
0xb: {  	[smem:$0x3FAA] =	sst s3  }
0xc: {  	[smem:$0x3FAB] =	sst s4  }
0xd: {  	[smem:$0x3FAC] =	sst s5  }
0xe: {  	[smem:$0x3FAD] =	sst s6  }
0xf: {  	[smem:$0x3FAE] =	sst s7  }
0x10: {  	[smem:$0x3FAF] =	sst s8  }
0x11: {  	[smem:$0x3FB0] =	sst s9;
	s0 =	simm.s32 @!p0 $0x0  }
0x12: {  	s1 =	sld [smem:$0x3F96];
	s0 =	simm.s32 @p0 $0x1  }
0x13: {  	[smem:$0x3FB1] =	sst s0;
	s0 =	simm.s32 @!p1 $0x0  }
0x14: {  	s2 =	sld [smem:$0x3F95];
	s0 =	simm.s32 @p1 $0x1  }
0x15: {  	[smem:$0x3FB2] =	sst s0;
	s0 =	simm.s32 @!p2 $0x0  }
0x16: {  	s3 =	sld [smem:$0x3FDB];
	s0 =	simm.s32 @p2 $0x1  }
0x17: {  	s4 =	simm.s32 $0x1BF5;
	[smem:$0x3FB4] =	sst s0  }
0x18: {  	s0 =	sld [smem:$0x3F97];
	_ =	swait.ge [sflag:s4], $0x0  }
0x19: {  	s7 =	sld [smem:$0x3F98]  }
0x1a: {  	s8 =	sadd.s32 $0xFFFFE003, lr  }
0x1b: {  	s9 =	sadd.s32 $0xFFFFFEF7, lr;
	s5 =	simm.s32 $0xFFFFFFFF;
	p2 =	slt.u32 s8, $0xFFFFF086  }
0x1c: {  	p1 =	slt.u32 s9, $0xF7A;
	s5 =	simm.s32 @!p2 $0x0  }
0x1d: {  	s5 =	simm.s32 @p1 $0x1;
	p0 =	seq.s32 s7, s2  }
0x1e: {  	s7 =	smul.u32 @!p0 $0xF7A, s2;
	p2 =	seq.s32 @!p0 s5, $0x0  }
0x1f: {  	s9 =	smul.u32 $0xF7A, s1;
	s8 =	simm.s32 @!p0 $0x1BF5;
	p2 =	por !p2, p0  }
0x20: {  	[sflag:s8] =	ssyncset.s32 @!p0 $0xFFFFF086;
	s6 =	sadd.s32 @!p0 s3, s7;
	s7 =	simm.s32 @!p0 $0x108  }
0x21: {  	s3 =	sadd.s32 s3, s9;
	s6 =	sadd.s32 @!p0 $0x88, s6;
	s7 =	simm.s32 @p2 $0x1082  }
0x22: {  	[simem:s7], [sflag:s8] =	dma.local @!p0 [hbm:s6], $0xF7A  }
0x23: {  	s9 =	sor.u32 $0xD0000000, s2;
	s6 =	simm.s32 $0x108;
	_ =	swait.ge @!p0 [sflag:s8], $0x0  }
0x24: {  	s3 =	sadd.s32 $0x88, s3;
	s6 =	simm.s32 @!p1 $0x1082;
	[sflag:s4] =	ssyncset.s32 $0xFFFFF086  }
0x25: {  	[simem:s6], [sflag:s4] =	dma.local [hbm:s3], $0xF7A  }
0x26: {  	[smem:$0x3F98] =	sst s1;
	(tag) =	ssettag s2;
	_ =	strace s9  }
0x27: {  	s1 =	sld [smem:$0x3FA8]  }
0x28: {  	s2 =	sld [smem:$0x3FA9]  }
0x29: {  	s4 =	sld [smem:$0x3FAB]  }
0x2a: {  	p0 =	seq.s32 s5, $0x0;
	s5 =	sld [smem:$0x3FAC]  }
0x2b: {  	s6 =	sld [smem:$0x3FAD]  }
0x2c: {  	s7 =	sld [smem:$0x3FAE]  }
0x2d: {  	s3 =	simm.s32 $0x108;
	s8 =	sld [smem:$0x3FAF]  }
0x2e: {  	s3 =	simm.s32 @!p0 $0x1082;
	s9 =	sld [smem:$0x3FB0]  }
0x2f: {  	lr =	sadd.s32 s0, s3;
	s0 =	sld [smem:$0x3FA7]  }
0x30: {  	s3 =	sld [smem:$0x3FAA]  }
0x31: {  	[smem:$0x3FB3] =	sst s10  }
0x32: {  	s10 =	sld [smem:$0x3FB1];
	_ =	sdelay $0x3  }
0x33: {  	p0 =	seq.s32 s10, $0x1;
	s10 =	sld [smem:$0x3FB3];
	_ =	sdelay $0x3  }
0x34: {  	[smem:$0x3FB3] =	sst s10  }
0x35: {  	s10 =	sld [smem:$0x3FB2];
	_ =	sdelay $0x3  }
0x36: {  	p1 =	seq.s32 s10, $0x1;
	s10 =	sld [smem:$0x3FB3];
	_ =	sdelay $0x3  }
0x37: {  	[smem:$0x3FB3] =	sst s10  }
0x38: {  	s10 =	sld [smem:$0x3FB4]  }
0x39: {  	_ = 	snop;
	(pc) =	sbr.ind lr, $3  }
0x3a: {  	_ = 	snop  }
0x3b: {  	_ = 	snop  }
0x3c: {  	p2 =	seq.s32 s10, $0x1;
	s10 =	sld [smem:$0x3FB3]  }
0x3d: {  	_ =	shalt  }
0x3e: {  	_ =	shalt  }
0x3f: {  	_ =	shalt  }
0x40: {  	_ =	shalt  }
0x41: {  	_ =	shalt  }
0x42: {  	_ =	shalt  }
0x43: {  	_ =	shalt  }
0x44: {  	_ =	shalt  }
0x45: {  	_ =	shalt  }
0x46: {  	_ =	shalt  }
0x47: {  	_ =	shalt  }
0x48: {  	_ =	shalt  }
0x49: {  	_ =	shalt  }
0x4a: {  	_ =	shalt  }
0x4b: {  	_ =	shalt  }
0x4c: {  	_ =	shalt  }
0x4d: {  	_ =	shalt  }
0x4e: {  	_ =	shalt  }
0x4f: {  	_ =	shalt  }
0x50: {  	_ =	shalt  }
0x51: {  	_ =	shalt  }
0x52: {  	_ =	shalt  }
0x53: {  	_ =	shalt  }
0x54: {  	_ =	shalt  }
0x55: {  	_ =	shalt  }
0x56: {  	_ =	shalt  }
0x57: {  	_ =	shalt  }
0x58: {  	_ =	shalt  }
0x59: {  	_ =	shalt  }
0x5a: {  	_ =	shalt  }
0x5b: {  	_ =	shalt  }
0x5c: {  	_ =	shalt  }
0x5d: {  	_ =	shalt  }
0x5e: {  	_ =	shalt  }
0x5f: {  	_ =	shalt  }
0x60: {  	_ =	shalt  }
0x61: {  	_ =	shalt  }
0x62: {  	_ =	shalt  }
0x63: {  	_ =	shalt  }
0x64: {  	_ =	shalt  }
0x65: {  	_ =	shalt  }
0x66: {  	_ =	shalt  }
0x67: {  	_ =	shalt  }
0x68: {  	_ =	shalt  }
0x69: {  	_ =	shalt  }
0x6a: {  	_ =	shalt  }
0x6b: {  	_ =	shalt  }
0x6c: {  	_ =	shalt  }
0x6d: {  	_ =	shalt  }
0x6e: {  	_ =	shalt  }
0x6f: {  	_ =	shalt  }
0x70: {  	_ =	shalt  }
0x71: {  	_ =	shalt  }
0x72: {  	_ =	shalt  }
0x73: {  	_ =	shalt  }
0x74: {  	_ =	shalt  }
0x75: {  	_ =	shalt  }
0x76: {  	_ =	shalt  }
0x77: {  	_ =	shalt  }
0x78: {  	_ =	shalt  }
0x79: {  	_ =	shalt  }
0x7a: {  	_ =	shalt  }
0x7b: {  	_ =	shalt  }
0x7c: {  	_ =	shalt  }
0x7d: {  	_ =	shalt  }
0x7e: {  	_ =	shalt  }
0x7f: {  	_ =	shalt  }
0x80: {  	_ =	shalt  }
0x81: {  	_ =	shalt  }
0x82: {  	_ =	shalt  }
0x83: {  	_ =	shalt  }
0x84: {  	_ =	shalt  }
0x85: {  	_ =	shalt  }
0x86: {  	_ =	shalt  }
0x87: {  	_ =	shalt  }
.Lfunc_end0:
.L_simem_size_0:
called_computation_lowered:
.L_overlay_start_0:
0x88: {  	s2 =	sld [smem:$0x3FD9]  }
0x89: {  	s3 =	sld [smem:$0x3FFE];
	_ =	sdelay $0x1  }
0x8a: {  	s1 =	srdreg.scid  }
0x8b: {  	s0 =	sand.u32 $0x1, s1  }
0x8c: {  	s14 =	sshll.u32 s0, $0xA;
	s2 =	sadd.s32 s3, s2  }
0x8d: {  	s2 =	sadd.s32 s2, s14  }
0x8e: {  	[smem:$0x3FBF] =	sst s2  }
0x8f: {  	_ = 	snop  }
0x90: {  	s2 =	sld [smem:$0x3FD0];
	_ =	sdelay $0x2  }
0x91: {  	s15 =	simm.s32 $0xA;
	s4 =	simm.s32 $0x10  }
0x92: {  	[smem:s4], [sflag:s15] =	dma.local [hbm:s2], $0x1  }
0x93: {  	_ =	swait.eq [sflag:s15], $0x1  }
0x94: {  	[sflag:s15] =	ssyncset.done $0x0  }
0x95: {  	s16 =	sld [smem:$0x10];
	[sflag:s15] =	ssyncadd.s32 $0xFFFFFFFF  }
0x96: {  	s17 =	sld [smem:$0x11];
	(tm) =	ssettm $0x1  }
0x97: {  	s18 =	sld [smem:$0x3FFB];
	_ =	sdelay $0x3  }
0x98: {  	_ =	strace s18  }
0x99: {  	s4 =	sld [smem:$0x3FFC];
	_ =	sdelay $0x3  }
0x9a: {  	_ =	strace s4  }
0x9b: {  	s4 =	sld [smem:$0x3FFD];
	_ =	sdelay $0x3  }
0x9c: {  	_ =	strace s4  }
0x9d: {  	_ =	strace $0x8FFFFFFF  }
0x9e: {  	s19 =	sld [smem:$0x3FDB];
	_ =	sdelay $0x1  }
0x9f: {  	s5 =	simm.s32 $_scs_section_size  }
0xa0: {  	s6 =	simm.s32 $_size__tile_overlayer_lowered;
	s7 =	simm.s32 $_tile_overlayer_lowered  }
0xa1: {  	s22 =	simm.s32 $0x1BFF;
	s21 =	sshll.u32 s7, $0x1;
	s4 =	sadd.s32 s5, s19  }
0xa2: {  	s8 =	simm.s32 $0x0;
	s20 =	sshll.u32 s6, $0x1;
	s6 =	sadd.s32 s21, s4  }
0xa3: {  	[timem:s8], [sflag:s22] =	dma.local [hbm:s6], s20  }
0xa4: {  	_ =	swait.ge [sflag:s22], s20  }
0xa5: {  	s5 =	ssub.s32 $0x0, s20;
	[sflag:s22] =	ssyncset.done $0x0  }
0xa6: {  	[sflag:s22] =	ssyncadd.s32 s5;
	_ =	sdelay $0x1  }
0xa7: {  	s23 =	simm.s32 $0x1B8B  }
0xa8: {  	_ =	swait.ge [sflag:s23], $0x1  }
0xa9: {  	[sflag:s23] =	ssyncset.done $0x0  }
0xaa: {  	s25 =	simm.s32 $0x1B8E;
	s24 =	sld [smem:$0x3FFE];
	[sflag:s23] =	ssyncadd.s32 $0xFFFFFFFF  }
0xab: {  	s26 =	simm.s32 $execute0_lowered;
	[smem:$0x3FD2] =	sst s25  }
0xac: {  	s6 =	sshll.u32 s26, $0x1;
	_ =	strace $0x80000046;
	[dreg:$0x1] =	wrdreg $0xFFFFFFFF  }
0xad: {  	s28 =	simm.s32 $_size_execute0_lowered;
	s4 =	sadd.s32 s4, s6;
	[dreg:$0x0] =	wrdreg $0x0  }
0xae: {  	s6 =	sshll.u32 s28, $0x1;
	[dreg:$0x2] =	wrdreg s4  }
0xaf: {  	[dreg:$0x3] =	wrdreg s6  }
0xb0: {  	[dreg:$0x4] =	wrdreg $0xC0  }
0xb1: {  	_ =	task [dreg:s8], $0x5FFFF  }
0xb2: {  	[dreg:$0x1] =	wrdreg $0xFFFFFFFF  }
0xb3: {  	[dreg:$0x0] =	wrdreg $0x60  }
0xb4: {  	[dreg:$0x2] =	wrdreg s24  }
0xb5: {  	[dreg:$0x3] =	wrdreg s16  }
0xb6: {  	[dreg:$0x4] =	wrdreg s17  }
0xb7: {  	[dreg:$0x5] =	wrdreg $0xBC000  }
0xb8: {  	[dreg:$0x6] =	wrdreg $0x9  }
0xb9: {  	_ =	task.clear_ibuf [dreg:s8], $0x7FFFF;
	_ =	strace $0x90000046  }
0xba: {  	s29 =	simm.s32 $0x9;
	_ =	strace $0x80000048  }
0xbb: {  	_ =	swait.ge [sflag:s29], $0x1  }
0xbc: {  	[sflag:s29] =	ssyncadd.s32 $0xFFFFFFFF  }
0xbd: {  	_ =	strace $0x90000048  }
0xbe: {  	_ =	sfence  }
0xbf: {  	s30 =	sld [smem:$0x0];
	_ =	sdelay $0x2  }
0xc0: {  	s31 =	sshll.u32 s1, $0xD;
	s1 =	sshrl.u32 s1, $0x2  }
0xc1: {  	s3 =	sand.u32 $0x4000, s31;
	s1 =	sadd.s32 s1, s30  }
0xc2: {  	s0 =	sor.u32 s3, s0;
	s1 =	sshll.u32 s1, $0x11  }
0xc3: {  	s0 =	sor.u32 s1, s0  }
0xc4: {  	s0 =	sadd.s32 $0x8F2B, s0  }
0xc5: {  	[sflag:s0] =	ssyncadd.remote.s32 $0x1  }
0xc6: {  	_ =	sfence.sel $0xFFFF  }
0xc7: {  	[dreg:$0x0] =	wrdreg $0xFFFFFFFF;
	(pc) =	sbr.abs _section_cstart, $3  }
0xc8: {  	[dreg:$0x1] =	wrdreg $0xFFFFFFFF  }
0xc9: {  	_ =	task.clear_ibuf [dreg:s8], $0x2FFFF;
	_ =	strace $0x9FFFFFFF  }
0xca: {  	(tm) =	ssettm $0x7FFFFFFF  }
0xcb: {  	_ =	shalt  }
tec
execute0_lowered:
.L_overlay_start_1:
0x0: {  	(tag) =	ssettag $0x1  }
0x1: {  	s7 =	rddreg [dreg:$0x0]  }
0x2: {  	s1 =	rddreg [dreg:$0x1]  }
0x3: {  	s2 =	rddreg [dreg:$0x2]  }
0x4: {  	s0 =	srdreg.scid;
	s4 =	rddreg [dreg:$0x3]  }
0x5: {  	s3 =	stileid.u32;
	s5 =	simm.s32 $0x0;
	s15 =	simm.s32 $0x80  }
0x6: {  	s16 =	simm.s32 $0x100;
	s17 =	simm.s32 $0x180;
	s18 =	simm.s32 $0x200  }
0x7: {  	s19 =	simm.s32 $0x280;
	s20 =	simm.s32 $0x300;
	s21 =	simm.s32 $0x380  }
0x8: {  	s22 =	simm.s32 $0x1;
	s23 =	simm.s32 $0x5800;
	s24 =	simm.s32 $0x6C00  }
0x9: {  	s6 =	sand.u32 $0x1, s0;
	s0 =	rddreg [dreg:$0x4];
	s9 =	smul.u32 $0xA00, s3  }
0xa: {  	s25 =	simm.s32 $0x0;
	[smem:$0x7FF] =	sst s5;
	s11 =	smul.u32 $0xA000, s3  }
0xb: {  	p0 =	seq.s32 s3, $0xF;
	s13 =	sshll.u32 s3, $0x6;
	s8 =	sshll.u32 s6, $0x4  }
0xc: {  	_ =	strace $0x80000047;
	s6 =	ssub.s32 $0x2, s6;
	s8 =	sor.u32 s3, s8  }
0xd: {  	s13 =	sor.u32 $0x1C02, s13;
	s9 =	sadd.s32 s9, s7;
	s10 =	smul.u32 $0xA00, s8  }
0xe: {  	s12 =	sshrl.u32 s6, $0x1;
	s31 =	sshrl.u32 s11, $0x2;
	s8 =	smul.u32 $0x5000, s8  }
0xf: {  	s11 =	simm.s32 $0x5000;
	s12 =	ssub.s32 s6, s12;
	s14 =	sadd.s32 s31, s4  }
0x10: {  	s6 =	sadd.s32 $0xCC00, s9;
	s14 =	sshrl.u32 s14, $0x3;
	s8 =	sshrl.u32 s8, $0x2  }
0x11: {  	s10 =	sadd.s32 s10, s7;
	s7 =	sadd.s32 $0x16200, s7;
	s8 =	sadd.s32 s8, s4  }
0x12: {  	s9 =	sadd.s32 $0x16A00, s10;
	s10 =	smax.u32 s12, $0x1;
	s12 =	simm.s32 $0x2  }
.LBB2_1:
0x13: {  	[tilespmem:s11], [sflag:$0x2] =	stream.linear.gather [hbm4b:s1+s5], $0x800, $0x38;
	[tilespmem:$0xE400] =	vst v63  }
0x14: {  	_ =	swait.ge [sflag:s12], $0x800  }
0x15: {  	[sflag:s12] =	ssyncset.done $0x0  }
0x16: {  	s26 =	simm.s32 @p0 $0x0;
	[sflag:s12] =	ssyncadd.s32 $0xFFFFF800  }
0x17: {  	[tilespmem:s26], [sflag:$0x2] =	stream.linear.gather @p0 [hbm4b:s7+s26], $0x3200, $0x38;
	[tilespmem:$0xE400] =	vst v63  }
0x18: {  	s26 =	simm.s32 @p0 $0x2  }
0x19: {  	_ =	swait.ge @p0 [sflag:s26], $0x3200  }
0x1a: {  	[sflag:s26] =	ssyncset.done @p0 $0x0  }
0x1b: {  	[sflag:s26] =	ssyncadd.s32 @p0 $0xFFFFCE00;
	s26 =	simm.s32 @!p0 $0x0  }
0x1c: {  	[tilespmem:s26], [sflag:$0x2] =	stream.linear.gather @!p0 [hbm4b:s6+s26], $0x5000, $0x38;
	[tilespmem:$0xE400] =	vst v63  }
0x1d: {  	s26 =	simm.s32 @!p0 $0x2  }
0x1e: {  	_ =	swait.ge @!p0 [sflag:s26], $0x5000  }
0x1f: {  	[sflag:s26] =	ssyncset.done @!p0 $0x0  }
0x20: {  	[sflag:s26] =	ssyncadd.s32 @!p0 $0xFFFFB000  }
0x21: {  	[spmem:s14], [sflag:s13] =	dma.local [hbm:s2], $0x500  }
0x22: {  	_ =	swait.ge [sflag:s12], $0x500  }
0x23: {  	[sflag:s12] =	ssyncset.done $0x0  }
0x24: {  	[sflag:s12] =	ssyncadd.s32 $0xFFFFFB00  }
0x25: {  	[bflag:$0x0] =	sbarrier.arrive $0xFFFF  }
0x26: {  	[spmem:s4] =	stream.indirect.scatter.add.f32 [tilespmem:s11], [sflag:$0x1], $0x10, s5, s15, $0xb8;
	[tilespmem:$0xE400] =	vst v63  }
0x27: {  	_ = 	snop  }
0x28: {  	[spmem:s4] =	stream.indirect.scatter.add.f32 [tilespmem:s11], [sflag:$0x1], $0x10, s15, s15, $0xb8;
	[tilespmem:$0xE400] =	vst v63  }
0x29: {  	_ = 	snop  }
0x2a: {  	[spmem:s4] =	stream.indirect.scatter.add.f32 [tilespmem:s11], [sflag:$0x1], $0x10, s16, s15, $0xb8;
	[tilespmem:$0xE400] =	vst v63  }
0x2b: {  	_ = 	snop  }
0x2c: {  	[spmem:s4] =	stream.indirect.scatter.add.f32 [tilespmem:s11], [sflag:$0x1], $0x10, s17, s15, $0xb8;
	[tilespmem:$0xE400] =	vst v63  }
0x2d: {  	_ = 	snop  }
0x2e: {  	[spmem:s4] =	stream.indirect.scatter.add.f32 [tilespmem:s11], [sflag:$0x1], $0x10, s18, s15, $0xb8;
	[tilespmem:$0xE400] =	vst v63  }
0x2f: {  	s28 =	simm.s32 @!p0 $0x98  }
0x30: {  	[spmem:s4] =	stream.indirect.scatter.add.f32 [tilespmem:s11], [sflag:$0x1], $0x10, s19, s15, $0xb8;
	[tilespmem:$0xE400] =	vst v63  }
0x31: {  	s28 =	simm.s32 @p0 $0x5C  }
0x32: {  	[spmem:s4] =	stream.indirect.scatter.add.f32 [tilespmem:s11], [sflag:$0x1], $0x10, s20, s15, $0xb8;
	[tilespmem:$0xE400] =	vst v63  }
0x33: {  	p1 =	sne.s32 s28, $0x1  }
0x34: {  	[spmem:s4] =	stream.indirect.scatter.add.f32 [tilespmem:s11], [sflag:$0x1], $0x10, s21, s15, $0xb8;
	[tilespmem:$0xE400] =	vst v63  }
.Ltmp0:
0x35: {  	_ = 	snop;
	(pc) =	sbr.rel @!p1 .LBB2_3-.Ltmp0, $4  }
0x36: {  	_ =	swait.ge [sflag:s22], $0x800  }
0x37: {  	[sflag:s22] =	ssyncset.done $0x0  }
0x38: {  	s28 =	sadd.s32 $0xFFFFFFFF, s28;
	s26 =	simm.s32 $0x400;
	[sflag:s22] =	ssyncadd.s32 $0xFFFFF800  }
0x39: {  	[spmem:s4] =	stream.indirect.scatter.add.f32 [tilespmem:s11], [sflag:$0x1], $0x10, s26, s15, $0xb8;
	[tilespmem:$0xE400] =	vst v63  }
.LBB2_2:
0x3a: {  	_ =	swait.ge [sflag:s22], $0x800;
	p1 =	sne.s32 s28, $0x1  }
.Ltmp1:
0x3b: {  	(pc) =	sbr.rel @p1 .LBB2_2-.Ltmp1, $4  }
0x3c: {  	_ = 	snop  }
0x3d: {  	s26 =	sadd.s32 $0x80, s26;
	[sflag:s22] =	ssyncset.done $0x0  }
0x3e: {  	s28 =	sadd.s32 $0xFFFFFFFF, s28;
	[sflag:s22] =	ssyncadd.s32 $0xFFFFF800  }
0x3f: {  	[spmem:s4] =	stream.indirect.scatter.add.f32 [tilespmem:s11], [sflag:$0x1], $0x10, s26, s15, $0xb8;
	[tilespmem:$0xE400] =	vst v63  }
.LBB2_3:
0x40: {  	_ =	swait.ge [sflag:s22], $0x800  }
0x41: {  	[sflag:s22] =	ssyncset.done $0x0  }
0x42: {  	[sflag:s22] =	ssyncadd.s32 $0xFFFFF800  }
0x43: {  	_ =	swait.ge [sflag:s22], $0x800  }
0x44: {  	[sflag:s22] =	ssyncset.done $0x0  }
0x45: {  	[sflag:s22] =	ssyncadd.s32 $0xFFFFF800  }
0x46: {  	_ =	swait.ge [sflag:s22], $0x800  }
0x47: {  	[sflag:s22] =	ssyncset.done $0x0  }
0x48: {  	[sflag:s22] =	ssyncadd.s32 $0xFFFFF800  }
0x49: {  	_ =	swait.ge [sflag:s22], $0x800  }
0x4a: {  	[sflag:s22] =	ssyncset.done $0x0  }
0x4b: {  	[sflag:s22] =	ssyncadd.s32 $0xFFFFF800  }
0x4c: {  	_ =	swait.ge [sflag:s22], $0x800  }
0x4d: {  	[sflag:s22] =	ssyncset.done $0x0  }
0x4e: {  	[sflag:s22] =	ssyncadd.s32 $0xFFFFF800  }
0x4f: {  	_ =	swait.ge [sflag:s22], $0x800  }
0x50: {  	[sflag:s22] =	ssyncset.done $0x0  }
0x51: {  	[sflag:s22] =	ssyncadd.s32 $0xFFFFF800  }
0x52: {  	_ =	swait.ge [sflag:s22], $0x800  }
0x53: {  	[sflag:s22] =	ssyncset.done $0x0  }
0x54: {  	[sflag:s22] =	ssyncadd.s32 $0xFFFFF800  }
0x55: {  	_ =	swait.ge [sflag:s22], $0x800  }
0x56: {  	[sflag:s22] =	ssyncset.done $0x0  }
0x57: {  	[sflag:s22] =	ssyncadd.s32 $0xFFFFF800  }
0x58: {  	[bflag:$0x0] =	sbarrier.arrive $0xFFFF  }
0x59: {  	[tilespmem:s23], [sflag:$0x2] =	stream.linear.gather [spmem:s8], $0x1400, $0x38;
	[tilespmem:$0xE400] =	vst v63  }
0x5a: {  	_ =	swait.ge [sflag:s12], $0x1400  }
0x5b: {  	[sflag:s12] =	ssyncset.done $0x0  }
0x5c: {  	s26 =	simm.s32 $0x0;
	[sflag:s12] =	ssyncadd.s32 $0xFFFFEC00  }
0x5d: {  	v0 =	vld [tilespmem:s26+$0x5800];
	_ =	sdelay $0x4  }
0x5e: {  	v0 =	vadd.f32 $1.000000000e+00, v0;
	_ =	sdelay $0x1  }
0x5f: {  	v1 =	vshrl.u32 v0, $0x1;
	v0 =	vmul.f32 $5.000000000e-01, v0  }
0x60: {  	v1 =	vsub.s32 $0x5F3759DF, v1  }
0x61: {  	v2 =	vmul.f32 v1, v0;
	_ =	sdelay $0x1  }
0x62: {  	v2 =	vmul.f32 v1, v2;
	_ =	sdelay $0x1  }
0x63: {  	v2 =	vsub.f32 $1.500000000e+00, v2;
	_ =	sdelay $0x1  }
0x64: {  	v1 =	vmul.f32 v1, v2;
	_ =	sdelay $0x1  }
0x65: {  	v2 =	vmul.f32 v1, v0;
	_ =	sdelay $0x1  }
0x66: {  	v2 =	vmul.f32 v2, v1;
	_ =	sdelay $0x1  }
0x67: {  	v2 =	vsub.f32 $1.500000000e+00, v2;
	_ =	sdelay $0x1  }
0x68: {  	v1 =	vmul.f32 v2, v1;
	_ =	sdelay $0x1  }
0x69: {  	v0 =	vmul.f32 v1, v0;
	_ =	sdelay $0x1  }
0x6a: {  	v0 =	vmul.f32 v0, v1;
	_ =	sdelay $0x1  }
0x6b: {  	v0 =	vsub.f32 $1.500000000e+00, v0;
	_ =	sdelay $0x1  }
0x6c: {  	v0 =	vmul.f32 v0, v1  }
0x6d: {  	s26 =	simm.s32 $0x6C20  }
0x6e: {  	[tilespmem:s26+$0xFFFFFFE0] =	vst v0  }
0x6f: {  	[tilespmem:s26+$0xFFFFFFF0] =	vst v0  }
0x70: {  	[tilespmem:s26+$0x0] =	vst v0  }
0x71: {  	s29 =	simm.s32 $0x10;
	s28 =	simm.s32 $0x80;
	[tilespmem:s26+$0x10] =	vst v0  }
.LBB2_4:
0x72: {  	p1 =	sne.s32 s28, $0x4FC0;
	v0 =	vld [tilespmem:s29+$0x5800];
	_ =	sdelay $0x4  }
0x73: {  	v0 =	vadd.f32 $1.000000000e+00, v0;
	_ =	sdelay $0x1  }
0x74: {  	v1 =	vshrl.u32 v0, $0x1;
	v0 =	vmul.f32 $5.000000000e-01, v0  }
0x75: {  	v1 =	vsub.s32 $0x5F3759DF, v1  }
0x76: {  	v2 =	vmul.f32 v1, v0;
	_ =	sdelay $0x1  }
0x77: {  	v2 =	vmul.f32 v1, v2;
	_ =	sdelay $0x1  }
0x78: {  	v2 =	vsub.f32 $1.500000000e+00, v2;
	_ =	sdelay $0x1  }
0x79: {  	v1 =	vmul.f32 v1, v2;
	_ =	sdelay $0x1  }
0x7a: {  	v2 =	vmul.f32 v1, v0;
	_ =	sdelay $0x1  }
0x7b: {  	v2 =	vmul.f32 v2, v1;
	_ =	sdelay $0x1  }
0x7c: {  	v2 =	vsub.f32 $1.500000000e+00, v2;
	_ =	sdelay $0x1  }
0x7d: {  	v1 =	vmul.f32 v2, v1;
	_ =	sdelay $0x1  }
0x7e: {  	v0 =	vmul.f32 v1, v0;
	_ =	sdelay $0x1  }
0x7f: {  	v0 =	vmul.f32 v0, v1;
	_ =	sdelay $0x1  }
0x80: {  	v0 =	vsub.f32 $1.500000000e+00, v0;
	_ =	sdelay $0x1  }
0x81: {  	v0 =	vmul.f32 v0, v1  }
.Ltmp2:
0x82: {  	s26 =	sadd.s32 $0x40, s26;
	(pc) =	sbr.rel @p1 .LBB2_4-.Ltmp2, $4  }
0x83: {  	[tilespmem:s26+$0xFFFFFFE0] =	vst v0  }
0x84: {  	[tilespmem:s26+$0xFFFFFFF0] =	vst v0  }
0x85: {  	[tilespmem:s26+$0x0] =	vst v0  }
0x86: {  	s29 =	sshra.s32 s28, $0x2;
	s28 =	sadd.s32 $0x40, s28;
	[tilespmem:s26+$0x10] =	vst v0  }
0x87: {  	v0 =	vld [tilespmem:s29+$0x5800];
	_ =	sdelay $0x4  }
0x88: {  	v0 =	vadd.f32 $1.000000000e+00, v0;
	_ =	sdelay $0x1  }
0x89: {  	v1 =	vshrl.u32 v0, $0x1;
	v0 =	vmul.f32 $5.000000000e-01, v0  }
0x8a: {  	v1 =	vsub.s32 $0x5F3759DF, v1  }
0x8b: {  	v2 =	vmul.f32 v1, v0;
	_ =	sdelay $0x1  }
0x8c: {  	v2 =	vmul.f32 v1, v2;
	_ =	sdelay $0x1  }
0x8d: {  	v2 =	vsub.f32 $1.500000000e+00, v2;
	_ =	sdelay $0x1  }
0x8e: {  	v1 =	vmul.f32 v1, v2;
	_ =	sdelay $0x1  }
0x8f: {  	v2 =	vmul.f32 v1, v0;
	_ =	sdelay $0x1  }
0x90: {  	v2 =	vmul.f32 v2, v1;
	_ =	sdelay $0x1  }
0x91: {  	v2 =	vsub.f32 $1.500000000e+00, v2;
	_ =	sdelay $0x1  }
0x92: {  	v1 =	vmul.f32 v2, v1;
	_ =	sdelay $0x1  }
0x93: {  	v0 =	vmul.f32 v1, v0;
	_ =	sdelay $0x1  }
0x94: {  	v0 =	vmul.f32 v0, v1;
	_ =	sdelay $0x1  }
0x95: {  	v0 =	vsub.f32 $1.500000000e+00, v0;
	_ =	sdelay $0x1  }
0x96: {  	v0 =	vmul.f32 v0, v1  }
0x97: {  	s26 =	sadd.s32 $0x40, s26  }
0x98: {  	[tilespmem:s26+$0xFFFFFFE0] =	vst v0  }
0x99: {  	s25 =	sadd.s32 $0x1, s25;
	[tilespmem:s26+$0xFFFFFFF0] =	vst v0  }
0x9a: {  	p1 =	sne.s32 s25, s10;
	[tilespmem:s26+$0x0] =	vst v0  }
.Ltmp3:
0x9b: {  	[tilespmem:s26+$0x10] =	vst v0;
	(pc) =	sbr.rel @p1 .LBB2_1-.Ltmp3, $4  }
0x9c: {  	[hbm4b:s9+s5] =	stream.linear.scatter [tilespmem:s24], [sflag:$0x2], $0x5000, $0x38;
	[tilespmem:$0xE400] =	vst v63  }
0x9d: {  	_ =	swait.ge [sflag:s12], $0x5000  }
0x9e: {  	[sflag:s12] =	ssyncset.done $0x0  }
0x9f: {  	[sflag:s12] =	ssyncadd.s32 $0xFFFFB000  }
0xa0: {  	_ =	sfence.sel $0x180000  }
0xa1: {  	[bflag:$0x0] =	sbarrier.arrive $0xFFFF  }
0xa2: {  	p0 =	sne.s32 s3, $0x0;
	_ =	strace $0x90000047  }
0xa3: {  	s0 =	sadd.s32 @!p0 $0x100000, s0;
	[bflag:$0x2] =	sbarrier.arrive $0xFFFF  }
0xa4: {  	[sflag:s0] =	ssyncadd.tile.s32 @!p0 $0x1;
	_ =	shalt  }
.Lfunc_end2:
_tile_overlayer_lowered:
.L_overlay_start_2:
0xa5: {  	(tag) =	ssettag $0x2  }
0xa6: {  	s0 =	rddreg [dreg:$0x0];
	s2 =	stileid.u32  }
0xa7: {  	s1 =	rddreg [dreg:$0x1];
	p0 =	sne.s32 s2, $0x0  }
0xa8: {  	s3 =	rddreg [dreg:$0x2];
	[bflag:$0x3] =	sbarrier.arrive $0xFFFF;
	s2 =	simm.s32 @!p0 $0x1C02  }
0xa9: {  	[timem:s3], [sflag:s2] =	dma.local @!p0 [hbm:s0], s1  }
0xaa: {  	s0 =	simm.s32 @!p0 $0x2  }
0xab: {  	_ =	swait.ge @!p0 [sflag:s0], s1  }
0xac: {  	s1 =	ssub.s32 @!p0 $0x0, s1;
	[sflag:s0] =	ssyncset.done @!p0 $0x0  }
0xad: {  	[sflag:s0] =	ssyncadd.s32 @!p0 s1  }
0xae: {  	[bflag:$0x3] =	sbarrier.arrive $0xFFFF  }
0xaf: {  	_ =	shalt  }

</sc_bundles>
